<compile_context>
chip_gen: v7x
topology: tpu7x:2x2x1
jax: 0.10.2.dev20260603
libtpu: 0.0.44.dev20260713+nightly
codegen_flags: <defaults>
</compile_context>

<pallas_src>
import functools

import jax
import jax.numpy as jnp
from jax import lax
from jax.experimental import pallas as pl
from jax.experimental.pallas import tpu as pltpu
from jax.experimental.pallas import tpu_sc as plsc

M = 4
N = 100000
EMB = 128
B = 256

NC = 2
NS = 16
L = 16
NW = NC * NS
NSLICE = 1
NPAD = 102400
SL = NPAD // NSLICE
SCHUNK = SL // NW
STPB = SCHUNK // L
BA = 272

NB = 2048
NBLK = SL // NB

NEG = -3e38
IMAX = 2147483647


_R0 = (13, 15, 26, 6)
_R1 = (17, 29, 16, 24)
_KS0 = 0
_KS1 = 42
_KS2 = _KS0 ^ _KS1 ^ 0x1BD11BDA


def _tf_rounds(x0, x1, rs):
    for r in rs:
        x0 = x0 + x1
        x1 = (x1 << jnp.uint32(r)) | (x1 >> jnp.uint32(32 - r))
        x1 = x1 ^ x0
    return x0, x1


def _gumbel_rows(nbase):
    ks0 = jnp.uint32(_KS0)
    ks1 = jnp.uint32(_KS1)
    ks2 = jnp.uint32(_KS2)
    x1 = (lax.broadcasted_iota(jnp.uint32, (M, NB), 0) * jnp.uint32(N)
          + lax.broadcasted_iota(jnp.uint32, (M, NB), 1)
          + nbase)
    x0 = jnp.zeros_like(x1)
    x0 = x0 + ks0
    x1 = x1 + ks1
    x0, x1 = _tf_rounds(x0, x1, _R0)
    x0 = x0 + ks1
    x1 = x1 + ks2 + jnp.uint32(1)
    x0, x1 = _tf_rounds(x0, x1, _R1)
    x0 = x0 + ks2
    x1 = x1 + ks0 + jnp.uint32(2)
    x0, x1 = _tf_rounds(x0, x1, _R0)
    x0 = x0 + ks0
    x1 = x1 + ks1 + jnp.uint32(3)
    x0, x1 = _tf_rounds(x0, x1, _R1)
    x0 = x0 + ks1
    x1 = x1 + ks2 + jnp.uint32(4)
    x0, x1 = _tf_rounds(x0, x1, _R0)
    x0 = x0 + ks2
    x1 = x1 + ks0 + jnp.uint32(5)
    bits = x0 ^ x1
    u = lax.bitcast_convert_type(
        (bits >> jnp.uint32(9)) | jnp.uint32(0x3F800000), jnp.float32) - 1.0
    return -jnp.log(-jnp.log(u + 1e-20) + 1e-20)


def _stage1_body(h_ref, w_ref, b_ref, *out_refs):
    pred_refs = out_refs[:M]
    key_refs = out_refs[M:]
    w = w_ref[...]
    nbase = (pl.program_id(0) * NB).astype(jnp.uint32)
    gall = _gumbel_rows(nbase)
    for m in range(M):
        p = lax.dot_general(w, h_ref[m], (((1,), (1,)), ((), ())),
                            preferred_element_type=jnp.float32)
        p = p + b_ref[0, 0]
        pred_refs[m][...] = p.reshape(NB)
        key_refs[m][...] = (p + lax.slice(gall, (m, 0), (m + 1, NB))
                            ).reshape(NB)


def _make_stage1(s):
    last_h = N // NB

    def h_map(i):
        return (0, jnp.minimum(s * NBLK + i, last_h), 0)

    def stage1(h_node, W, b):
        return pl.pallas_call(
            _stage1_body,
            grid=(NBLK,),
            in_specs=[
                pl.BlockSpec((M, NB, EMB), h_map),
                pl.BlockSpec((1, EMB), lambda i: (0, 0)),
                pl.BlockSpec((1, 1), lambda i: (0, 0)),
            ],
            out_specs=[pl.BlockSpec((NB,), lambda i: (i,))] * (2 * M),
            out_shape=[jax.ShapeDtypeStruct((SL,), jnp.float32)] * (2 * M),
        )(h_node, W, b)

    return stage1


_STAGE1 = [_make_stage1(s) for s in range(NSLICE)]


_sc_mesh = plsc.VectorSubcoreMesh(core_axis_name="c", subcore_axis_name="s",
                                  num_cores=NC, num_subcores=NS)

_part = jax.ShapeDtypeStruct((M, NW, L * BA), jnp.float32)
_parti = jax.ShapeDtypeStruct((M, NW, L * BA), jnp.int32)


def _make_sc(s):
    sbase = s * SL

    _vf = pltpu.VMEM((SCHUNK,), jnp.float32)
    _af = pltpu.VMEM((L * BA,), jnp.float32)

    @functools.partial(
        pl.kernel,
        out_type=[_part, _parti, _part, _part, _part],
        mesh=_sc_mesh,
        compiler_params=pltpu.CompilerParams(needs_layout_passes=False),
        scratch_types=(
            [pltpu.VMEM((SCHUNK,), jnp.int32)]
            + [_vf] * M
            + [_vf] * M
            + [_af] * M
            + [pltpu.VMEM((L * BA,), jnp.int32)] * M
            + [_af] * M
            + [_af] * M
            + [_af] * M
            + [pltpu.SemaphoreType.DMA] * (M + 2)
        ),
    )
    def sc_partials(*refs):
        pred_hbms = refs[0:M]
        key_hbms = refs[M:2 * M]
        batch_hbm = refs[2 * M]
        kO, aO, pO, s2O, s3O = refs[2 * M + 1:2 * M + 6]
        sc = list(refs[2 * M + 6:])
        ids_v = sc[0]
        pvs = sc[1:1 + M]
        kvs = sc[1 + M:1 + 2 * M]
        aKs = sc[1 + 2 * M:1 + 3 * M]
        aAs = sc[1 + 3 * M:1 + 4 * M]
        aPs = sc[1 + 4 * M:1 + 5 * M]
        aS2s = sc[1 + 5 * M:1 + 6 * M]
        aS3s = sc[1 + 6 * M:1 + 7 * M]
        semis = sc[1 + 7 * M:1 + 8 * M]
        sem_ids = sc[1 + 8 * M]
        sem_out = sc[2 + 8 * M]

        wid = lax.axis_index("s") * NC + lax.axis_index("c")
        base = wid * SCHUNK

        h_ids = pltpu.async_copy(
            batch_hbm.at[pl.ds(sbase + base, SCHUNK)], ids_v, sem_ids)
        h_in = []
        for m in range(M):
            h_in.append(pltpu.async_copy(
                pred_hbms[m].at[pl.ds(base, SCHUNK)], pvs[m], semis[m]))
            h_in.append(pltpu.async_copy(
                key_hbms[m].at[pl.ds(base, SCHUNK)], kvs[m], semis[m]))

        def init_col(j, __):
            sl = pl.ds(j * L, L)
            for m in range(M):
                aKs[m][sl] = jnp.full((L,), NEG, jnp.float32)
                aAs[m][sl] = jnp.full((L,), IMAX, jnp.int32)
                aPs[m][sl] = jnp.zeros((L,), jnp.float32)
                aS2s[m][sl] = jnp.zeros((L,), jnp.float32)
                aS3s[m][sl] = jnp.zeros((L,), jnp.float32)
            return 0
        lax.fori_loop(0, (L * BA) // L, init_col, 0)

        h_ids.wait()
        for h in h_in:
            h.wait()

        lane = lax.iota(jnp.int32, L)

        def step(t, _):
            off = t * L
            ids = ids_v[pl.ds(off, L)]
            bidx = lane * BA + ids
            nidx = sbase + base + off + lane
            ps = [pvs[m][pl.ds(off, L)] for m in range(M)]
            ks = [kvs[m][pl.ds(off, L)] for m in range(M)]
            es = [jnp.exp(p) for p in ps]
            curks = [plsc.load_gather(aKs[m], [bidx]) for m in range(M)]
            for m in range(M):
                plsc.addupdate_scatter(aS2s[m], [bidx], es[m])
                plsc.addupdate_scatter(aS3s[m], [bidx], es[m] * ps[m])
                better = ks[m] > curks[m]
                plsc.store_scatter(aKs[m], [bidx], ks[m], mask=better)
                plsc.store_scatter(aAs[m], [bidx], nidx, mask=better)
                plsc.store_scatter(aPs[m], [bidx], ps[m], mask=better)
            return 0
        lax.fori_loop(0, STPB, step, 0)

        h_out = []
        for m in range(M):
            h_out.append(pltpu.async_copy(aKs[m], kO.at[m, wid], sem_out))
            h_out.append(pltpu.async_copy(aAs[m], aO.at[m, wid], sem_out))
            h_out.append(pltpu.async_copy(aPs[m], pO.at[m, wid], sem_out))
            h_out.append(pltpu.async_copy(aS2s[m], s2O.at[m, wid], sem_out))
            h_out.append(pltpu.async_copy(aS3s[m], s3O.at[m, wid], sem_out))
        for h in h_out:
            h.wait()

    return sc_partials


_SC = [_make_sc(s) for s in range(NSLICE)]


def _combine_body(*refs):
    ins = refs[:5 * NSLICE]
    rs_ref, g_ref, ne_ref = refs[5 * NSLICE:]
    for m in range(M):
        l1 = []
        for s in range(NSLICE):
            kp = ins[5 * s + 0][m]
            ap = ins[5 * s + 1][m]
            pp = ins[5 * s + 2][m]
            kmax = jnp.max(kp, axis=0, keepdims=True)
            ismax = kp == kmax
            amin = jnp.min(jnp.where(ismax, ap, IMAX), axis=0, keepdims=True)
            own = ismax & (ap == amin)
            pstar = jnp.max(jnp.where(own, pp, NEG), axis=0, keepdims=True)
            s2 = jnp.sum(ins[5 * s + 3][m], axis=0, keepdims=True)
            s3 = jnp.sum(ins[5 * s + 4][m], axis=0, keepdims=True)
            l1.append((kmax, amin, pstar, s2, s3))
        banks = []
        for kmax, amin, pstar, s2, s3 in l1:
            for l in range(L):
                sl = lambda x: lax.slice(x, (0, l * BA), (1, l * BA + B))
                banks.append((sl(kmax), sl(amin), sl(pstar), sl(s2), sl(s3)))
        kmax2 = functools.reduce(jnp.maximum, [bk[0] for bk in banks])
        amin2 = functools.reduce(
            jnp.minimum,
            [jnp.where(bk[0] == kmax2, bk[1], IMAX) for bk in banks])
        pstar2 = functools.reduce(
            jnp.maximum,
            [jnp.where((bk[0] == kmax2) & (bk[1] == amin2), bk[2], NEG)
             for bk in banks])
        s2t = sum(bk[3] for bk in banks)
        s3t = sum(bk[4] for bk in banks)
        logs2 = jnp.log(s2t)
        rs_ref[pl.ds(m, 1), :] = amin2
        g_ref[pl.ds(m, 1), :] = pstar2 - logs2
        ne_ref[pl.ds(m, 1), :] = s3t / s2t - logs2


def _combine(parts):
    return pl.pallas_call(
        _combine_body,
        out_shape=[
            jax.ShapeDtypeStruct((M, B), jnp.int32),
            jax.ShapeDtypeStruct((M, B), jnp.float32),
            jax.ShapeDtypeStruct((M, B), jnp.float32),
        ],
    )(*parts)


def kernel(h_node, batch, W, b):
    batch_p = jnp.pad(batch, (0, NPAD - N), constant_values=B)
    w2 = W.reshape(1, EMB)
    b2 = b.reshape(1, 1)

    parts = []
    for s in range(NSLICE):
        pk = _STAGE1[s](h_node, w2, b2)
        parts.extend(_SC[s](*pk, batch_p))

    return _combine(parts)

# --- scband reference (transcript-rebuilt; emitter-appended) ---
"""Pipeline reference for scband-uni-anchor-gnn-48026324304370 (READ-ONLY COPY).

The authoritative reference and input builder live on the scoring server;
editing this copy changes nothing except your own understanding.
"""

import jax, jax.numpy as jnp
import numpy as np

M = 4        # multi_anchor
N = 100000   # total nodes
EMB = 128    # emb_dim
B = 256      # number of graphs in batch
T = 1.0      # temperature


def setup_inputs(seed: int = 0) -> dict:
    key = jax.random.key(seed)
    k1, k2, k3 = jax.random.split(key, 3)
    h_node = jax.random.normal(k1, (M, N, EMB), dtype=jnp.float32)
    batch = jnp.sort(jax.random.randint(k2, (N,), 0, B)).astype(jnp.int32)
    # distlin: MLP(emb_dim, 1, anchor_outlayer=1) == single linear layer
    W = jax.random.normal(k3, (EMB, 1), dtype=jnp.float32) * 0.05
    b = jnp.zeros((1,), dtype=jnp.float32)
    return {"h_node": h_node, "batch": batch, "W": W, "b": b}


def _segment_softmax(logits, batch, num_segments):
    # logits: [M, N], batch: [N] sorted segment ids -> softmax per segment along N
    lt = logits.T  # [N, M]
    seg_max = jax.ops.segment_max(lt, batch, num_segments=num_segments)  # [B, M]
    shifted = lt - seg_max[batch]
    ex = jnp.exp(shifted)
    denom = jax.ops.segment_sum(ex, batch, num_segments=num_segments)  # [B, M]
    return (ex / denom[batch]).T  # [M, N]


def _multinomial_sample_batch(prob, batch, num_segments, key):
    # Gumbel-max trick: per-segment categorical sample ~ Multinomial(prob within segment)
    g = -jnp.log(-jnp.log(jax.random.uniform(key, prob.shape) + 1e-20) + 1e-20)
    keys = jnp.log(prob + 1e-15) + g  # [M, N]
    kt = keys.T  # [N, M]
    kmax = jax.ops.segment_max(kt, batch, num_segments=num_segments)  # [B, M]
    is_max = kt >= kmax[batch]  # [N, M]
    idxs = jnp.where(is_max, jnp.arange(prob.shape[1])[:, None], prob.shape[1])
    rawsample = jax.ops.segment_min(idxs, batch, num_segments=num_segments)  # [B, M]
    return rawsample.T  # [M, B]


def reference(h_node, batch, W, b):
    # anchorforward (training branch): set2set == identity, distlin == linear
    pred = (h_node @ W + b).squeeze(-1)  # [M, N]
    prob = _segment_softmax(pred * T, batch, B)  # [M, N]
    rawsample = _multinomial_sample_batch(prob, batch, B, jax.random.key(42))  # [M, B]
    logprob = jnp.log(prob + 1e-15)  # [M, N]
    gathered = jnp.take_along_axis(logprob, rawsample, axis=-1)  # [M, B]
    negentropy = jax.ops.segment_sum((prob * logprob).T, batch, num_segments=B).T  # [M, B]
    return rawsample, gathered, negentropy

if __name__ == "__main__":
    import jax
    _d = setup_inputs()
    print(jax.jit(kernel)(*tuple(_d.values())))

</pallas_src>

<mosaic_0001>
#map = affine_map<(d0, d1) -> (0)>
#map1 = affine_map<(d0, d1) -> (0, 0, 0)>
module attributes {stable_mosaic.version = 14 : i64} {
  func.func @sc_partials(%arg0: i32, %arg1: i32, %arg2: memref<102400xf32, #tpu.memory_space<hbm>>, %arg3: memref<102400xf32, #tpu.memory_space<hbm>>, %arg4: memref<102400xf32, #tpu.memory_space<hbm>>, %arg5: memref<102400xf32, #tpu.memory_space<hbm>>, %arg6: memref<102400xf32, #tpu.memory_space<hbm>>, %arg7: memref<102400xf32, #tpu.memory_space<hbm>>, %arg8: memref<102400xf32, #tpu.memory_space<hbm>>, %arg9: memref<102400xf32, #tpu.memory_space<hbm>>, %arg10: memref<102400xi32, #tpu.memory_space<hbm>>, %arg11: memref<4x32x4352xf32, #tpu.memory_space<hbm>>, %arg12: memref<4x32x4352xi32, #tpu.memory_space<hbm>>, %arg13: memref<4x32x4352xf32, #tpu.memory_space<hbm>>, %arg14: memref<4x32x4352xf32, #tpu.memory_space<hbm>>, %arg15: memref<4x32x4352xf32, #tpu.memory_space<hbm>>, %arg16: memref<3200xi32, #tpu.memory_space<vmem>>, %arg17: memref<3200xf32, #tpu.memory_space<vmem>>, %arg18: memref<3200xf32, #tpu.memory_space<vmem>>, %arg19: memref<3200xf32, #tpu.memory_space<vmem>>, %arg20: memref<3200xf32, #tpu.memory_space<vmem>>, %arg21: memref<3200xf32, #tpu.memory_space<vmem>>, %arg22: memref<3200xf32, #tpu.memory_space<vmem>>, %arg23: memref<3200xf32, #tpu.memory_space<vmem>>, %arg24: memref<3200xf32, #tpu.memory_space<vmem>>, %arg25: memref<4352xf32, #tpu.memory_space<vmem>>, %arg26: memref<4352xf32, #tpu.memory_space<vmem>>, %arg27: memref<4352xf32, #tpu.memory_space<vmem>>, %arg28: memref<4352xf32, #tpu.memory_space<vmem>>, %arg29: memref<4352xi32, #tpu.memory_space<vmem>>, %arg30: memref<4352xi32, #tpu.memory_space<vmem>>, %arg31: memref<4352xi32, #tpu.memory_space<vmem>>, %arg32: memref<4352xi32, #tpu.memory_space<vmem>>, %arg33: memref<4352xf32, #tpu.memory_space<vmem>>, %arg34: memref<4352xf32, #tpu.memory_space<vmem>>, %arg35: memref<4352xf32, #tpu.memory_space<vmem>>, %arg36: memref<4352xf32, #tpu.memory_space<vmem>>, %arg37: memref<4352xf32, #tpu.memory_space<vmem>>, %arg38: memref<4352xf32, #tpu.memory_space<vmem>>, %arg39: memref<4352xf32, #tpu.memory_space<vmem>>, %arg40: memref<4352xf32, #tpu.memory_space<vmem>>, %arg41: memref<4352xf32, #tpu.memory_space<vmem>>, %arg42: memref<4352xf32, #tpu.memory_space<vmem>>, %arg43: memref<4352xf32, #tpu.memory_space<vmem>>, %arg44: memref<4352xf32, #tpu.memory_space<vmem>>, %arg45: memref<!tpu.dma_semaphore, #tpu.memory_space<semaphore_mem>>, %arg46: memref<!tpu.dma_semaphore, #tpu.memory_space<semaphore_mem>>, %arg47: memref<!tpu.dma_semaphore, #tpu.memory_space<semaphore_mem>>, %arg48: memref<!tpu.dma_semaphore, #tpu.memory_space<semaphore_mem>>, %arg49: memref<!tpu.dma_semaphore, #tpu.memory_space<semaphore_mem>>, %arg50: memref<!tpu.dma_semaphore, #tpu.memory_space<semaphore_mem>>) attributes {dimension_semantics = [#tpu.dimension_semantics<core_parallel>, #tpu.dimension_semantics<subcore_parallel>], iteration_bounds = array<i64: 2, 16>, scalar_prefetch = 0 : i64, scratch_operands = 35 : i64, tpu.core_type = #tpu.core_type<sc_vector_subcore>, window_params = [{transform_indices = #map}, {transform_indices = #map}, {transform_indices = #map}, {transform_indices = #map}, {transform_indices = #map}, {transform_indices = #map}, {transform_indices = #map}, {transform_indices = #map}, {transform_indices = #map}, {transform_indices = #map1}, {transform_indices = #map1}, {transform_indices = #map1}, {transform_indices = #map1}, {transform_indices = #map1}]} {
    %mul3A = arith.constant 2 : i32
    %mul3A_0 = arith.muli %arg1, %mul3A : i32
    %add3A = arith.addi %mul3A_0, %arg0 : i32
    %mul3A_1 = arith.constant 3200 : i32
    %mul3A_2 = arith.muli %add3A, %mul3A_1 : i32
    %add3A_3 = arith.constant 0 : i32
    %add3A_4 = arith.addi %add3A_3, %mul3A_2 : i32
    %dma_start3A = tpu.memref_slice %arg10[%add3A_4] : memref<102400xi32, #tpu.memory_space<hbm>> -> memref<3200xi32, #tpu.memory_space<hbm>>
    %dma_start3A_5 = tpu.memref_slice %arg10[%add3A_4] : memref<102400xi32, #tpu.memory_space<hbm>> -> memref<3200xi32, #tpu.memory_space<hbm>>
    tpu.enqueue_dma source(%dma_start3A_5 : memref<3200xi32, #tpu.memory_space<hbm>>) target(%arg16 : memref<3200xi32, #tpu.memory_space<vmem>>) target_semaphore(%arg49 : memref<!tpu.dma_semaphore, #tpu.memory_space<semaphore_mem>>)
    %dma_start3A_6 = tpu.memref_slice %arg2[%mul3A_2] : memref<102400xf32, #tpu.memory_space<hbm>> -> memref<3200xf32, #tpu.memory_space<hbm>>
    %dma_start3A_7 = tpu.memref_slice %arg2[%mul3A_2] : memref<102400xf32, #tpu.memory_space<hbm>> -> memref<3200xf32, #tpu.memory_space<hbm>>
    tpu.enqueue_dma source(%dma_start3A_7 : memref<3200xf32, #tpu.memory_space<hbm>>) target(%arg17 : memref<3200xf32, #tpu.memory_space<vmem>>) target_semaphore(%arg45 : memref<!tpu.dma_semaphore, #tpu.memory_space<semaphore_mem>>)
    %dma_start3A_8 = tpu.memref_slice %arg6[%mul3A_2] : memref<102400xf32, #tpu.memory_space<hbm>> -> memref<3200xf32, #tpu.memory_space<hbm>>
    %dma_start3A_9 = tpu.memref_slice %arg6[%mul3A_2] : memref<102400xf32, #tpu.memory_space<hbm>> -> memref<3200xf32, #tpu.memory_space<hbm>>
    tpu.enqueue_dma source(%dma_start3A_9 : memref<3200xf32, #tpu.memory_space<hbm>>) target(%arg21 : memref<3200xf32, #tpu.memory_space<vmem>>) target_semaphore(%arg45 : memref<!tpu.dma_semaphore, #tpu.memory_space<semaphore_mem>>)
    %dma_start3A_10 = tpu.memref_slice %arg3[%mul3A_2] : memref<102400xf32, #tpu.memory_space<hbm>> -> memref<3200xf32, #tpu.memory_space<hbm>>
    %dma_start3A_11 = tpu.memref_slice %arg3[%mul3A_2] : memref<102400xf32, #tpu.memory_space<hbm>> -> memref<3200xf32, #tpu.memory_space<hbm>>
    tpu.enqueue_dma source(%dma_start3A_11 : memref<3200xf32, #tpu.memory_space<hbm>>) target(%arg18 : memref<3200xf32, #tpu.memory_space<vmem>>) target_semaphore(%arg46 : memref<!tpu.dma_semaphore, #tpu.memory_space<semaphore_mem>>)
    %dma_start3A_12 = tpu.memref_slice %arg7[%mul3A_2] : memref<102400xf32, #tpu.memory_space<hbm>> -> memref<3200xf32, #tpu.memory_space<hbm>>
    %dma_start3A_13 = tpu.memref_slice %arg7[%mul3A_2] : memref<102400xf32, #tpu.memory_space<hbm>> -> memref<3200xf32, #tpu.memory_space<hbm>>
    tpu.enqueue_dma source(%dma_start3A_13 : memref<3200xf32, #tpu.memory_space<hbm>>) target(%arg22 : memref<3200xf32, #tpu.memory_space<vmem>>) target_semaphore(%arg46 : memref<!tpu.dma_semaphore, #tpu.memory_space<semaphore_mem>>)
    %dma_start3A_14 = tpu.memref_slice %arg4[%mul3A_2] : memref<102400xf32, #tpu.memory_space<hbm>> -> memref<3200xf32, #tpu.memory_space<hbm>>
    %dma_start3A_15 = tpu.memref_slice %arg4[%mul3A_2] : memref<102400xf32, #tpu.memory_space<hbm>> -> memref<3200xf32, #tpu.memory_space<hbm>>
    tpu.enqueue_dma source(%dma_start3A_15 : memref<3200xf32, #tpu.memory_space<hbm>>) target(%arg19 : memref<3200xf32, #tpu.memory_space<vmem>>) target_semaphore(%arg47 : memref<!tpu.dma_semaphore, #tpu.memory_space<semaphore_mem>>)
    %dma_start3A_16 = tpu.memref_slice %arg8[%mul3A_2] : memref<102400xf32, #tpu.memory_space<hbm>> -> memref<3200xf32, #tpu.memory_space<hbm>>
    %dma_start3A_17 = tpu.memref_slice %arg8[%mul3A_2] : memref<102400xf32, #tpu.memory_space<hbm>> -> memref<3200xf32, #tpu.memory_space<hbm>>
    tpu.enqueue_dma source(%dma_start3A_17 : memref<3200xf32, #tpu.memory_space<hbm>>) target(%arg23 : memref<3200xf32, #tpu.memory_space<vmem>>) target_semaphore(%arg47 : memref<!tpu.dma_semaphore, #tpu.memory_space<semaphore_mem>>)
    %dma_start3A_18 = tpu.memref_slice %arg5[%mul3A_2] : memref<102400xf32, #tpu.memory_space<hbm>> -> memref<3200xf32, #tpu.memory_space<hbm>>
    %dma_start3A_19 = tpu.memref_slice %arg5[%mul3A_2] : memref<102400xf32, #tpu.memory_space<hbm>> -> memref<3200xf32, #tpu.memory_space<hbm>>
    tpu.enqueue_dma source(%dma_start3A_19 : memref<3200xf32, #tpu.memory_space<hbm>>) target(%arg20 : memref<3200xf32, #tpu.memory_space<vmem>>) target_semaphore(%arg48 : memref<!tpu.dma_semaphore, #tpu.memory_space<semaphore_mem>>)
    %dma_start3A_20 = tpu.memref_slice %arg9[%mul3A_2] : memref<102400xf32, #tpu.memory_space<hbm>> -> memref<3200xf32, #tpu.memory_space<hbm>>
    %dma_start3A_21 = tpu.memref_slice %arg9[%mul3A_2] : memref<102400xf32, #tpu.memory_space<hbm>> -> memref<3200xf32, #tpu.memory_space<hbm>>
    tpu.enqueue_dma source(%dma_start3A_21 : memref<3200xf32, #tpu.memory_space<hbm>>) target(%arg24 : memref<3200xf32, #tpu.memory_space<vmem>>) target_semaphore(%arg48 : memref<!tpu.dma_semaphore, #tpu.memory_space<semaphore_mem>>)
    %scan3A = arith.constant 0 : i32
    %scan3A_22 = arith.constant 0 : i32
    %scan3A_23 = arith.constant 272 : i32
    %scan3A_24 = arith.addi %scan3A_22, %scan3A_23 : i32
    %scan3A_25 = arith.constant 1 : i32
    %scan3A_26 = scf.for %scan3A_332 = %scan3A_22 to %scan3A_24 step %scan3A_25 iter_args(%scan3A_333 = %scan3A) -> (i32)  : i32 {
      %mul3A_334 = arith.constant 16 : i32
      %mul3A_335 = arith.muli %scan3A_332, %mul3A_334 : i32
      %broadcast_in_dim3A = arith.constant -3.000000e+38 : f32
      %broadcast_in_dim3A_336 = vector.broadcast %broadcast_in_dim3A : f32 to vector<16xf32>
      %swap3A = arith.index_cast %mul3A_335 : i32 to index
      %swap3A_337 = tpu.vector_load %arg25[%swap3A] {strides = array<i32>} : memref<4352xf32, #tpu.memory_space<vmem>>, vector<16xf32>,
      tpu.vector_store %arg25[%swap3A], %broadcast_in_dim3A_336 {strides = array<i32>} : memref<4352xf32, #tpu.memory_space<vmem>>, vector<16xf32>,
      %broadcast_in_dim3A_338 = arith.constant 2147483647 : i32
      %broadcast_in_dim3A_339 = vector.broadcast %broadcast_in_dim3A_338 : i32 to vector<16xi32>
      %swap3A_340 = arith.index_cast %mul3A_335 : i32 to index
      %swap3A_341 = tpu.vector_load %arg29[%swap3A_340] {strides = array<i32>} : memref<4352xi32, #tpu.memory_space<vmem>>, vector<16xi32>,
      tpu.vector_store %arg29[%swap3A_340], %broadcast_in_dim3A_339 {strides = array<i32>} : memref<4352xi32, #tpu.memory_space<vmem>>, vector<16xi32>,
      %broadcast_in_dim3A_342 = arith.constant 0.000000e+00 : f32
      %broadcast_in_dim3A_343 = vector.broadcast %broadcast_in_dim3A_342 : f32 to vector<16xf32>
      %swap3A_344 = arith.index_cast %mul3A_335 : i32 to index
      %swap3A_345 = tpu.vector_load %arg33[%swap3A_344] {strides = array<i32>} : memref<4352xf32, #tpu.memory_space<vmem>>, vector<16xf32>,
      tpu.vector_store %arg33[%swap3A_344], %broadcast_in_dim3A_343 {strides = array<i32>} : memref<4352xf32, #tpu.memory_space<vmem>>, vector<16xf32>,
      %broadcast_in_dim3A_346 = arith.constant 0.000000e+00 : f32
      %broadcast_in_dim3A_347 = vector.broadcast %broadcast_in_dim3A_346 : f32 to vector<16xf32>
      %swap3A_348 = arith.index_cast %mul3A_335 : i32 to index
      %swap3A_349 = tpu.vector_load %arg37[%swap3A_348] {strides = array<i32>} : memref<4352xf32, #tpu.memory_space<vmem>>, vector<16xf32>,
      tpu.vector_store %arg37[%swap3A_348], %broadcast_in_dim3A_347 {strides = array<i32>} : memref<4352xf32, #tpu.memory_space<vmem>>, vector<16xf32>,
      %broadcast_in_dim3A_350 = arith.constant 0.000000e+00 : f32
      %broadcast_in_dim3A_351 = vector.broadcast %broadcast_in_dim3A_350 : f32 to vector<16xf32>
      %swap3A_352 = arith.index_cast %mul3A_335 : i32 to index
      %swap3A_353 = tpu.vector_load %arg41[%swap3A_352] {strides = array<i32>} : memref<4352xf32, #tpu.memory_space<vmem>>, vector<16xf32>,
      tpu.vector_store %arg41[%swap3A_352], %broadcast_in_dim3A_351 {strides = array<i32>} : memref<4352xf32, #tpu.memory_space<vmem>>, vector<16xf32>,
      %broadcast_in_dim3A_354 = arith.constant -3.000000e+38 : f32
      %broadcast_in_dim3A_355 = vector.broadcast %broadcast_in_dim3A_354 : f32 to vector<16xf32>
      %swap3A_356 = arith.index_cast %mul3A_335 : i32 to index
      %swap3A_357 = tpu.vector_load %arg26[%swap3A_356] {strides = array<i32>} : memref<4352xf32, #tpu.memory_space<vmem>>, vector<16xf32>,
      tpu.vector_store %arg26[%swap3A_356], %broadcast_in_dim3A_355 {strides = array<i32>} : memref<4352xf32, #tpu.memory_space<vmem>>, vector<16xf32>,
      %broadcast_in_dim3A_358 = arith.constant 2147483647 : i32
      %broadcast_in_dim3A_359 = vector.broadcast %broadcast_in_dim3A_358 : i32 to vector<16xi32>
      %swap3A_360 = arith.index_cast %mul3A_335 : i32 to index
      %swap3A_361 = tpu.vector_load %arg30[%swap3A_360] {strides = array<i32>} : memref<4352xi32, #tpu.memory_space<vmem>>, vector<16xi32>,
      tpu.vector_store %arg30[%swap3A_360], %broadcast_in_dim3A_359 {strides = array<i32>} : memref<4352xi32, #tpu.memory_space<vmem>>, vector<16xi32>,
      %broadcast_in_dim3A_362 = arith.constant 0.000000e+00 : f32
      %broadcast_in_dim3A_363 = vector.broadcast %broadcast_in_dim3A_362 : f32 to vector<16xf32>
      %swap3A_364 = arith.index_cast %mul3A_335 : i32 to index
      %swap3A_365 = tpu.vector_load %arg34[%swap3A_364] {strides = array<i32>} : memref<4352xf32, #tpu.memory_space<vmem>>, vector<16xf32>,
      tpu.vector_store %arg34[%swap3A_364], %broadcast_in_dim3A_363 {strides = array<i32>} : memref<4352xf32, #tpu.memory_space<vmem>>, vector<16xf32>,
      %broadcast_in_dim3A_366 = arith.constant 0.000000e+00 : f32
      %broadcast_in_dim3A_367 = vector.broadcast %broadcast_in_dim3A_366 : f32 to vector<16xf32>
      %swap3A_368 = arith.index_cast %mul3A_335 : i32 to index
      %swap3A_369 = tpu.vector_load %arg38[%swap3A_368] {strides = array<i32>} : memref<4352xf32, #tpu.memory_space<vmem>>, vector<16xf32>,
      tpu.vector_store %arg38[%swap3A_368], %broadcast_in_dim3A_367 {strides = array<i32>} : memref<4352xf32, #tpu.memory_space<vmem>>, vector<16xf32>,
      %broadcast_in_dim3A_370 = arith.constant 0.000000e+00 : f32
      %broadcast_in_dim3A_371 = vector.broadcast %broadcast_in_dim3A_370 : f32 to vector<16xf32>
      %swap3A_372 = arith.index_cast %mul3A_335 : i32 to index
      %swap3A_373 = tpu.vector_load %arg42[%swap3A_372] {strides = array<i32>} : memref<4352xf32, #tpu.memory_space<vmem>>, vector<16xf32>,
      tpu.vector_store %arg42[%swap3A_372], %broadcast_in_dim3A_371 {strides = array<i32>} : memref<4352xf32, #tpu.memory_space<vmem>>, vector<16xf32>,
      %broadcast_in_dim3A_374 = arith.constant -3.000000e+38 : f32
      %broadcast_in_dim3A_375 = vector.broadcast %broadcast_in_dim3A_374 : f32 to vector<16xf32>
      %swap3A_376 = arith.index_cast %mul3A_335 : i32 to index
      %swap3A_377 = tpu.vector_load %arg27[%swap3A_376] {strides = array<i32>} : memref<4352xf32, #tpu.memory_space<vmem>>, vector<16xf32>,
      tpu.vector_store %arg27[%swap3A_376], %broadcast_in_dim3A_375 {strides = array<i32>} : memref<4352xf32, #tpu.memory_space<vmem>>, vector<16xf32>,
      %broadcast_in_dim3A_378 = arith.constant 2147483647 : i32
      %broadcast_in_dim3A_379 = vector.broadcast %broadcast_in_dim3A_378 : i32 to vector<16xi32>
      %swap3A_380 = arith.index_cast %mul3A_335 : i32 to index
      %swap3A_381 = tpu.vector_load %arg31[%swap3A_380] {strides = array<i32>} : memref<4352xi32, #tpu.memory_space<vmem>>, vector<16xi32>,
      tpu.vector_store %arg31[%swap3A_380], %broadcast_in_dim3A_379 {strides = array<i32>} : memref<4352xi32, #tpu.memory_space<vmem>>, vector<16xi32>,
      %broadcast_in_dim3A_382 = arith.constant 0.000000e+00 : f32
      %broadcast_in_dim3A_383 = vector.broadcast %broadcast_in_dim3A_382 : f32 to vector<16xf32>
      %swap3A_384 = arith.index_cast %mul3A_335 : i32 to index
      %swap3A_385 = tpu.vector_load %arg35[%swap3A_384] {strides = array<i32>} : memref<4352xf32, #tpu.memory_space<vmem>>, vector<16xf32>,
      tpu.vector_store %arg35[%swap3A_384], %broadcast_in_dim3A_383 {strides = array<i32>} : memref<4352xf32, #tpu.memory_space<vmem>>, vector<16xf32>,
      %broadcast_in_dim3A_386 = arith.constant 0.000000e+00 : f32
      %broadcast_in_dim3A_387 = vector.broadcast %broadcast_in_dim3A_386 : f32 to vector<16xf32>
      %swap3A_388 = arith.index_cast %mul3A_335 : i32 to index
      %swap3A_389 = tpu.vector_load %arg39[%swap3A_388] {strides = array<i32>} : memref<4352xf32, #tpu.memory_space<vmem>>, vector<16xf32>,
      tpu.vector_store %arg39[%swap3A_388], %broadcast_in_dim3A_387 {strides = array<i32>} : memref<4352xf32, #tpu.memory_space<vmem>>, vector<16xf32>,
      %broadcast_in_dim3A_390 = arith.constant 0.000000e+00 : f32
      %broadcast_in_dim3A_391 = vector.broadcast %broadcast_in_dim3A_390 : f32 to vector<16xf32>
      %swap3A_392 = arith.index_cast %mul3A_335 : i32 to index
      %swap3A_393 = tpu.vector_load %arg43[%swap3A_392] {strides = array<i32>} : memref<4352xf32, #tpu.memory_space<vmem>>, vector<16xf32>,
      tpu.vector_store %arg43[%swap3A_392], %broadcast_in_dim3A_391 {strides = array<i32>} : memref<4352xf32, #tpu.memory_space<vmem>>, vector<16xf32>,
      %broadcast_in_dim3A_394 = arith.constant -3.000000e+38 : f32
      %broadcast_in_dim3A_395 = vector.broadcast %broadcast_in_dim3A_394 : f32 to vector<16xf32>
      %swap3A_396 = arith.index_cast %mul3A_335 : i32 to index
      %swap3A_397 = tpu.vector_load %arg28[%swap3A_396] {strides = array<i32>} : memref<4352xf32, #tpu.memory_space<vmem>>, vector<16xf32>,
      tpu.vector_store %arg28[%swap3A_396], %broadcast_in_dim3A_395 {strides = array<i32>} : memref<4352xf32, #tpu.memory_space<vmem>>, vector<16xf32>,
      %broadcast_in_dim3A_398 = arith.constant 2147483647 : i32
      %broadcast_in_dim3A_399 = vector.broadcast %broadcast_in_dim3A_398 : i32 to vector<16xi32>
      %swap3A_400 = arith.index_cast %mul3A_335 : i32 to index
      %swap3A_401 = tpu.vector_load %arg32[%swap3A_400] {strides = array<i32>} : memref<4352xi32, #tpu.memory_space<vmem>>, vector<16xi32>,
      tpu.vector_store %arg32[%swap3A_400], %broadcast_in_dim3A_399 {strides = array<i32>} : memref<4352xi32, #tpu.memory_space<vmem>>, vector<16xi32>,
      %broadcast_in_dim3A_402 = arith.constant 0.000000e+00 : f32
      %broadcast_in_dim3A_403 = vector.broadcast %broadcast_in_dim3A_402 : f32 to vector<16xf32>
      %swap3A_404 = arith.index_cast %mul3A_335 : i32 to index
      %swap3A_405 = tpu.vector_load %arg36[%swap3A_404] {strides = array<i32>} : memref<4352xf32, #tpu.memory_space<vmem>>, vector<16xf32>,
      tpu.vector_store %arg36[%swap3A_404], %broadcast_in_dim3A_403 {strides = array<i32>} : memref<4352xf32, #tpu.memory_space<vmem>>, vector<16xf32>,
      %broadcast_in_dim3A_406 = arith.constant 0.000000e+00 : f32
      %broadcast_in_dim3A_407 = vector.broadcast %broadcast_in_dim3A_406 : f32 to vector<16xf32>
      %swap3A_408 = arith.index_cast %mul3A_335 : i32 to index
      %swap3A_409 = tpu.vector_load %arg40[%swap3A_408] {strides = array<i32>} : memref<4352xf32, #tpu.memory_space<vmem>>, vector<16xf32>,
      tpu.vector_store %arg40[%swap3A_408], %broadcast_in_dim3A_407 {strides = array<i32>} : memref<4352xf32, #tpu.memory_space<vmem>>, vector<16xf32>,
      %broadcast_in_dim3A_410 = arith.constant 0.000000e+00 : f32
      %broadcast_in_dim3A_411 = vector.broadcast %broadcast_in_dim3A_410 : f32 to vector<16xf32>
      %swap3A_412 = arith.index_cast %mul3A_335 : i32 to index
      %swap3A_413 = tpu.vector_load %arg44[%swap3A_412] {strides = array<i32>} : memref<4352xf32, #tpu.memory_space<vmem>>, vector<16xf32>,
      tpu.vector_store %arg44[%swap3A_412], %broadcast_in_dim3A_411 {strides = array<i32>} : memref<4352xf32, #tpu.memory_space<vmem>>, vector<16xf32>,
      %scan3A_414 = arith.constant 0 : i32
      scf.yield %scan3A_414 : i32
    }
    %scan3A_27 = arith.constant 272 : i32
    %dma_wait3A = tpu.memref_slice %arg10[%add3A_4] : memref<102400xi32, #tpu.memory_space<hbm>> -> memref<3200xi32, #tpu.memory_space<hbm>>
    %dma_wait3A_28 = tpu.memref_slice %arg10[%add3A_4] : memref<102400xi32, #tpu.memory_space<hbm>> -> memref<3200xi32, #tpu.memory_space<hbm>>
    tpu.wait_dma2 semaphore(%arg49 : memref<!tpu.dma_semaphore, #tpu.memory_space<semaphore_mem>>) src(%dma_wait3A_28 : memref<3200xi32, #tpu.memory_space<hbm>>) dst(%arg16 : memref<3200xi32, #tpu.memory_space<vmem>>)
    %dma_wait3A_29 = tpu.memref_slice %arg2[%mul3A_2] : memref<102400xf32, #tpu.memory_space<hbm>> -> memref<3200xf32, #tpu.memory_space<hbm>>
    %dma_wait3A_30 = tpu.memref_slice %arg2[%mul3A_2] : memref<102400xf32, #tpu.memory_space<hbm>> -> memref<3200xf32, #tpu.memory_space<hbm>>
    tpu.wait_dma2 semaphore(%arg45 : memref<!tpu.dma_semaphore, #tpu.memory_space<semaphore_mem>>) src(%dma_wait3A_30 : memref<3200xf32, #tpu.memory_space<hbm>>) dst(%arg17 : memref<3200xf32, #tpu.memory_space<vmem>>)
    %dma_wait3A_31 = tpu.memref_slice %arg6[%mul3A_2] : memref<102400xf32, #tpu.memory_space<hbm>> -> memref<3200xf32, #tpu.memory_space<hbm>>
    %dma_wait3A_32 = tpu.memref_slice %arg6[%mul3A_2] : memref<102400xf32, #tpu.memory_space<hbm>> -> memref<3200xf32, #tpu.memory_space<hbm>>
    tpu.wait_dma2 semaphore(%arg45 : memref<!tpu.dma_semaphore, #tpu.memory_space<semaphore_mem>>) src(%dma_wait3A_32 : memref<3200xf32, #tpu.memory_space<hbm>>) dst(%arg21 : memref<3200xf32, #tpu.memory_space<vmem>>)
    %dma_wait3A_33 = tpu.memref_slice %arg3[%mul3A_2] : memref<102400xf32, #tpu.memory_space<hbm>> -> memref<3200xf32, #tpu.memory_space<hbm>>
    %dma_wait3A_34 = tpu.memref_slice %arg3[%mul3A_2] : memref<102400xf32, #tpu.memory_space<hbm>> -> memref<3200xf32, #tpu.memory_space<hbm>>
    tpu.wait_dma2 semaphore(%arg46 : memref<!tpu.dma_semaphore, #tpu.memory_space<semaphore_mem>>) src(%dma_wait3A_34 : memref<3200xf32, #tpu.memory_space<hbm>>) dst(%arg18 : memref<3200xf32, #tpu.memory_space<vmem>>)
    %dma_wait3A_35 = tpu.memref_slice %arg7[%mul3A_2] : memref<102400xf32, #tpu.memory_space<hbm>> -> memref<3200xf32, #tpu.memory_space<hbm>>
    %dma_wait3A_36 = tpu.memref_slice %arg7[%mul3A_2] : memref<102400xf32, #tpu.memory_space<hbm>> -> memref<3200xf32, #tpu.memory_space<hbm>>
    tpu.wait_dma2 semaphore(%arg46 : memref<!tpu.dma_semaphore, #tpu.memory_space<semaphore_mem>>) src(%dma_wait3A_36 : memref<3200xf32, #tpu.memory_space<hbm>>) dst(%arg22 : memref<3200xf32, #tpu.memory_space<vmem>>)
    %dma_wait3A_37 = tpu.memref_slice %arg4[%mul3A_2] : memref<102400xf32, #tpu.memory_space<hbm>> -> memref<3200xf32, #tpu.memory_space<hbm>>
    %dma_wait3A_38 = tpu.memref_slice %arg4[%mul3A_2] : memref<102400xf32, #tpu.memory_space<hbm>> -> memref<3200xf32, #tpu.memory_space<hbm>>
    tpu.wait_dma2 semaphore(%arg47 : memref<!tpu.dma_semaphore, #tpu.memory_space<semaphore_mem>>) src(%dma_wait3A_38 : memref<3200xf32, #tpu.memory_space<hbm>>) dst(%arg19 : memref<3200xf32, #tpu.memory_space<vmem>>)
    %dma_wait3A_39 = tpu.memref_slice %arg8[%mul3A_2] : memref<102400xf32, #tpu.memory_space<hbm>> -> memref<3200xf32, #tpu.memory_space<hbm>>
    %dma_wait3A_40 = tpu.memref_slice %arg8[%mul3A_2] : memref<102400xf32, #tpu.memory_space<hbm>> -> memref<3200xf32, #tpu.memory_space<hbm>>
    tpu.wait_dma2 semaphore(%arg47 : memref<!tpu.dma_semaphore, #tpu.memory_space<semaphore_mem>>) src(%dma_wait3A_40 : memref<3200xf32, #tpu.memory_space<hbm>>) dst(%arg23 : memref<3200xf32, #tpu.memory_space<vmem>>)
    %dma_wait3A_41 = tpu.memref_slice %arg5[%mul3A_2] : memref<102400xf32, #tpu.memory_space<hbm>> -> memref<3200xf32, #tpu.memory_space<hbm>>
    %dma_wait3A_42 = tpu.memref_slice %arg5[%mul3A_2] : memref<102400xf32, #tpu.memory_space<hbm>> -> memref<3200xf32, #tpu.memory_space<hbm>>
    tpu.wait_dma2 semaphore(%arg48 : memref<!tpu.dma_semaphore, #tpu.memory_space<semaphore_mem>>) src(%dma_wait3A_42 : memref<3200xf32, #tpu.memory_space<hbm>>) dst(%arg20 : memref<3200xf32, #tpu.memory_space<vmem>>)
    %dma_wait3A_43 = tpu.memref_slice %arg9[%mul3A_2] : memref<102400xf32, #tpu.memory_space<hbm>> -> memref<3200xf32, #tpu.memory_space<hbm>>
    %dma_wait3A_44 = tpu.memref_slice %arg9[%mul3A_2] : memref<102400xf32, #tpu.memory_space<hbm>> -> memref<3200xf32, #tpu.memory_space<hbm>>
    tpu.wait_dma2 semaphore(%arg48 : memref<!tpu.dma_semaphore, #tpu.memory_space<semaphore_mem>>) src(%dma_wait3A_44 : memref<3200xf32, #tpu.memory_space<hbm>>) dst(%arg24 : memref<3200xf32, #tpu.memory_space<vmem>>)
    %iota3A = tpu.iota {dimensions = array<i32: 0>} : vector<16xi32>
    %scan3A_45 = arith.constant 0 : i32
    %scan3A_46 = arith.constant 0 : i32
    %scan3A_47 = arith.constant 200 : i32
    %scan3A_48 = arith.addi %scan3A_46, %scan3A_47 : i32
    %scan3A_49 = arith.constant 1 : i32
    %scan3A_50 = scf.for %scan3A_332 = %scan3A_46 to %scan3A_48 step %scan3A_49 iter_args(%scan3A_333 = %scan3A_45) -> (i32)  : i32 {
      %mul3A_334 = arith.constant 16 : i32
      %mul3A_335 = arith.muli %scan3A_332, %mul3A_334 : i32
      %get3A = arith.index_cast %mul3A_335 : i32 to index
      %get3A_336 = tpu.vector_load %arg16[%get3A] {strides = array<i32>} : memref<3200xi32, #tpu.memory_space<vmem>>, vector<16xi32>,
      %mul3A_337 = arith.constant 272 : i32
      %mul3A_338 = vector.broadcast %mul3A_337 : i32 to vector<16xi32>
      %mul3A_339 = arith.muli %iota3A, %mul3A_338 : vector<16xi32>
      %add3A_340 = arith.addi %mul3A_339, %get3A_336 : vector<16xi32>
      %add3A_341 = arith.constant 0 : i32
      %add3A_342 = arith.addi %add3A_341, %mul3A_2 : i32
      %add3A_343 = arith.addi %add3A_342, %mul3A_335 : i32
      %add3A_344 = vector.broadcast %add3A_343 : i32 to vector<16xi32>
      %add3A_345 = arith.addi %add3A_344, %iota3A : vector<16xi32>
      %get3A_346 = arith.index_cast %mul3A_335 : i32 to index
      %get3A_347 = tpu.vector_load %arg17[%get3A_346] {strides = array<i32>} : memref<3200xf32, #tpu.memory_space<vmem>>, vector<16xf32>,
      %get3A_348 = arith.index_cast %mul3A_335 : i32 to index
      %get3A_349 = tpu.vector_load %arg18[%get3A_348] {strides = array<i32>} : memref<3200xf32, #tpu.memory_space<vmem>>, vector<16xf32>,
      %get3A_350 = arith.index_cast %mul3A_335 : i32 to index
      %get3A_351 = tpu.vector_load %arg19[%get3A_350] {strides = array<i32>} : memref<3200xf32, #tpu.memory_space<vmem>>, vector<16xf32>,
      %get3A_352 = arith.index_cast %mul3A_335 : i32 to index
      %get3A_353 = tpu.vector_load %arg20[%get3A_352] {strides = array<i32>} : memref<3200xf32, #tpu.memory_space<vmem>>, vector<16xf32>,
      %get3A_354 = arith.index_cast %mul3A_335 : i32 to index
      %get3A_355 = tpu.vector_load %arg21[%get3A_354] {strides = array<i32>} : memref<3200xf32, #tpu.memory_space<vmem>>, vector<16xf32>,
      %get3A_356 = arith.index_cast %mul3A_335 : i32 to index
      %get3A_357 = tpu.vector_load %arg22[%get3A_356] {strides = array<i32>} : memref<3200xf32, #tpu.memory_space<vmem>>, vector<16xf32>,
      %get3A_358 = arith.index_cast %mul3A_335 : i32 to index
      %get3A_359 = tpu.vector_load %arg23[%get3A_358] {strides = array<i32>} : memref<3200xf32, #tpu.memory_space<vmem>>, vector<16xf32>,
      %get3A_360 = arith.index_cast %mul3A_335 : i32 to index
      %get3A_361 = tpu.vector_load %arg24[%get3A_360] {strides = array<i32>} : memref<3200xf32, #tpu.memory_space<vmem>>, vector<16xf32>,
      %exp3A = math.exp %get3A_347 : vector<16xf32>
      %exp3A_362 = math.exp %get3A_349 : vector<16xf32>
      %exp3A_363 = math.exp %get3A_351 : vector<16xf32>
      %exp3A_364 = math.exp %get3A_353 : vector<16xf32>
      %gather3A = tpu.vector_load_idx %arg25[%add3A_340] : memref<4352xf32, #tpu.memory_space<vmem>>[vector<16xi32>], vector<16xf32>,
      %gather3A_365 = tpu.vector_load_idx %arg26[%add3A_340] : memref<4352xf32, #tpu.memory_space<vmem>>[vector<16xi32>], vector<16xf32>,
      %gather3A_366 = tpu.vector_load_idx %arg27[%add3A_340] : memref<4352xf32, #tpu.memory_space<vmem>>[vector<16xi32>], vector<16xf32>,
      %gather3A_367 = tpu.vector_load_idx %arg28[%add3A_340] : memref<4352xf32, #tpu.memory_space<vmem>>[vector<16xi32>], vector<16xf32>,
      tpu.vector_store_idx %arg37[%add3A_340], %exp3A {add = true} : memref<4352xf32, #tpu.memory_space<vmem>>[vector<16xi32>], vector<16xf32>,
      %mul3A_368 = arith.mulf %exp3A, %get3A_347 : vector<16xf32>
      tpu.vector_store_idx %arg41[%add3A_340], %mul3A_368 {add = true} : memref<4352xf32, #tpu.memory_space<vmem>>[vector<16xi32>], vector<16xf32>,
      %gt3A = arith.cmpf ogt, %get3A_355, %gather3A : vector<16xf32>
      tpu.vector_store_idx %arg25[%add3A_340], %get3A_355 masked %gt3A : memref<4352xf32, #tpu.memory_space<vmem>>[vector<16xi32>], vector<16xf32>, vector<16xi1>
      tpu.vector_store_idx %arg29[%add3A_340], %add3A_345 masked %gt3A : memref<4352xi32, #tpu.memory_space<vmem>>[vector<16xi32>], vector<16xi32>, vector<16xi1>
      tpu.vector_store_idx %arg33[%add3A_340], %get3A_347 masked %gt3A : memref<4352xf32, #tpu.memory_space<vmem>>[vector<16xi32>], vector<16xf32>, vector<16xi1>
      tpu.vector_store_idx %arg38[%add3A_340], %exp3A_362 {add = true} : memref<4352xf32, #tpu.memory_space<vmem>>[vector<16xi32>], vector<16xf32>,
      %mul3A_369 = arith.mulf %exp3A_362, %get3A_349 : vector<16xf32>
      tpu.vector_store_idx %arg42[%add3A_340], %mul3A_369 {add = true} : memref<4352xf32, #tpu.memory_space<vmem>>[vector<16xi32>], vector<16xf32>,
      %gt3A_370 = arith.cmpf ogt, %get3A_357, %gather3A_365 : vector<16xf32>
      tpu.vector_store_idx %arg26[%add3A_340], %get3A_357 masked %gt3A_370 : memref<4352xf32, #tpu.memory_space<vmem>>[vector<16xi32>], vector<16xf32>, vector<16xi1>
      tpu.vector_store_idx %arg30[%add3A_340], %add3A_345 masked %gt3A_370 : memref<4352xi32, #tpu.memory_space<vmem>>[vector<16xi32>], vector<16xi32>, vector<16xi1>
      tpu.vector_store_idx %arg34[%add3A_340], %get3A_349 masked %gt3A_370 : memref<4352xf32, #tpu.memory_space<vmem>>[vector<16xi32>], vector<16xf32>, vector<16xi1>
      tpu.vector_store_idx %arg39[%add3A_340], %exp3A_363 {add = true} : memref<4352xf32, #tpu.memory_space<vmem>>[vector<16xi32>], vector<16xf32>,
      %mul3A_371 = arith.mulf %exp3A_363, %get3A_351 : vector<16xf32>
      tpu.vector_store_idx %arg43[%add3A_340], %mul3A_371 {add = true} : memref<4352xf32, #tpu.memory_space<vmem>>[vector<16xi32>], vector<16xf32>,
      %gt3A_372 = arith.cmpf ogt, %get3A_359, %gather3A_366 : vector<16xf32>
      tpu.vector_store_idx %arg27[%add3A_340], %get3A_359 masked %gt3A_372 : memref<4352xf32, #tpu.memory_space<vmem>>[vector<16xi32>], vector<16xf32>, vector<16xi1>
      tpu.vector_store_idx %arg31[%add3A_340], %add3A_345 masked %gt3A_372 : memref<4352xi32, #tpu.memory_space<vmem>>[vector<16xi32>], vector<16xi32>, vector<16xi1>
      tpu.vector_store_idx %arg35[%add3A_340], %get3A_351 masked %gt3A_372 : memref<4352xf32, #tpu.memory_space<vmem>>[vector<16xi32>], vector<16xf32>, vector<16xi1>
      tpu.vector_store_idx %arg40[%add3A_340], %exp3A_364 {add = true} : memref<4352xf32, #tpu.memory_space<vmem>>[vector<16xi32>], vector<16xf32>,
      %mul3A_373 = arith.mulf %exp3A_364, %get3A_353 : vector<16xf32>
      tpu.vector_store_idx %arg44[%add3A_340], %mul3A_373 {add = true} : memref<4352xf32, #tpu.memory_space<vmem>>[vector<16xi32>], vector<16xf32>,
      %gt3A_374 = arith.cmpf ogt, %get3A_361, %gather3A_367 : vector<16xf32>
      tpu.vector_store_idx %arg28[%add3A_340], %get3A_361 masked %gt3A_374 : memref<4352xf32, #tpu.memory_space<vmem>>[vector<16xi32>], vector<16xf32>, vector<16xi1>
      tpu.vector_store_idx %arg32[%add3A_340], %add3A_345 masked %gt3A_374 : memref<4352xi32, #tpu.memory_space<vmem>>[vector<16xi32>], vector<16xi32>, vector<16xi1>
      tpu.vector_store_idx %arg36[%add3A_340], %get3A_353 masked %gt3A_374 : memref<4352xf32, #tpu.memory_space<vmem>>[vector<16xi32>], vector<16xf32>, vector<16xi1>
      %scan3A_375 = arith.constant 0 : i32
      scf.yield %scan3A_375 : i32
    }
    %scan3A_51 = arith.constant 200 : i32
    %dma_start3A_52 = arith.constant 0 : i32
    %dma_start3A_53 = arith.constant 0 : i32
    %dma_start3A_54 = tpu.memref_slice %arg11[%dma_start3A_52, %add3A, %dma_start3A_53] : memref<4x32x4352xf32, #tpu.memory_space<hbm>> -> memref<1x1x4352xf32, #tpu.memory_space<hbm>>
    %dma_start3A_55 = tpu.memref_squeeze %dma_start3A_54 : memref<1x1x4352xf32, #tpu.memory_space<hbm>> -> memref<4352xf32, #tpu.memory_space<hbm>>
    %dma_start3A_56 = arith.constant 0 : i32
    %dma_start3A_57 = tpu.memref_slice %arg11[%dma_start3A_52, %add3A, %dma_start3A_56] : memref<4x32x4352xf32, #tpu.memory_space<hbm>> -> memref<1x1x4352xf32, #tpu.memory_space<hbm>>
    %dma_start3A_58 = tpu.memref_squeeze %dma_start3A_57 : memref<1x1x4352xf32, #tpu.memory_space<hbm>> -> memref<4352xf32, #tpu.memory_space<hbm>>
    tpu.enqueue_dma source(%arg25 : memref<4352xf32, #tpu.memory_space<vmem>>) target(%dma_start3A_58 : memref<4352xf32, #tpu.memory_space<hbm>>) target_semaphore(%arg50 : memref<!tpu.dma_semaphore, #tpu.memory_space<semaphore_mem>>)
    %dma_start3A_59 = arith.constant 0 : i32
    %dma_start3A_60 = arith.constant 0 : i32
    %dma_start3A_61 = tpu.memref_slice %arg12[%dma_start3A_59, %add3A, %dma_start3A_60] : memref<4x32x4352xi32, #tpu.memory_space<hbm>> -> memref<1x1x4352xi32, #tpu.memory_space<hbm>>
    %dma_start3A_62 = tpu.memref_squeeze %dma_start3A_61 : memref<1x1x4352xi32, #tpu.memory_space<hbm>> -> memref<4352xi32, #tpu.memory_space<hbm>>
    %dma_start3A_63 = arith.constant 0 : i32
    %dma_start3A_64 = tpu.memref_slice %arg12[%dma_start3A_59, %add3A, %dma_start3A_63] : memref<4x32x4352xi32, #tpu.memory_space<hbm>> -> memref<1x1x4352xi32, #tpu.memory_space<hbm>>
    %dma_start3A_65 = tpu.memref_squeeze %dma_start3A_64 : memref<1x1x4352xi32, #tpu.memory_space<hbm>> -> memref<4352xi32, #tpu.memory_space<hbm>>
    tpu.enqueue_dma source(%arg29 : memref<4352xi32, #tpu.memory_space<vmem>>) target(%dma_start3A_65 : memref<4352xi32, #tpu.memory_space<hbm>>) target_semaphore(%arg50 : memref<!tpu.dma_semaphore, #tpu.memory_space<semaphore_mem>>)
    %dma_start3A_66 = arith.constant 0 : i32
    %dma_start3A_67 = arith.constant 0 : i32
    %dma_start3A_68 = tpu.memref_slice %arg13[%dma_start3A_66, %add3A, %dma_start3A_67] : memref<4x32x4352xf32, #tpu.memory_space<hbm>> -> memref<1x1x4352xf32, #tpu.memory_space<hbm>>
    %dma_start3A_69 = tpu.memref_squeeze %dma_start3A_68 : memref<1x1x4352xf32, #tpu.memory_space<hbm>> -> memref<4352xf32, #tpu.memory_space<hbm>>
    %dma_start3A_70 = arith.constant 0 : i32
    %dma_start3A_71 = tpu.memref_slice %arg13[%dma_start3A_66, %add3A, %dma_start3A_70] : memref<4x32x4352xf32, #tpu.memory_space<hbm>> -> memref<1x1x4352xf32, #tpu.memory_space<hbm>>
    %dma_start3A_72 = tpu.memref_squeeze %dma_start3A_71 : memref<1x1x4352xf32, #tpu.memory_space<hbm>> -> memref<4352xf32, #tpu.memory_space<hbm>>
    tpu.enqueue_dma source(%arg33 : memref<4352xf32, #tpu.memory_space<vmem>>) target(%dma_start3A_72 : memref<4352xf32, #tpu.memory_space<hbm>>) target_semaphore(%arg50 : memref<!tpu.dma_semaphore, #tpu.memory_space<semaphore_mem>>)
    %dma_start3A_73 = arith.constant 0 : i32
    %dma_start3A_74 = arith.constant 0 : i32
    %dma_start3A_75 = tpu.memref_slice %arg14[%dma_start3A_73, %add3A, %dma_start3A_74] : memref<4x32x4352xf32, #tpu.memory_space<hbm>> -> memref<1x1x4352xf32, #tpu.memory_space<hbm>>
    %dma_start3A_76 = tpu.memref_squeeze %dma_start3A_75 : memref<1x1x4352xf32, #tpu.memory_space<hbm>> -> memref<4352xf32, #tpu.memory_space<hbm>>
    %dma_start3A_77 = arith.constant 0 : i32
    %dma_start3A_78 = tpu.memref_slice %arg14[%dma_start3A_73, %add3A, %dma_start3A_77] : memref<4x32x4352xf32, #tpu.memory_space<hbm>> -> memref<1x1x4352xf32, #tpu.memory_space<hbm>>
    %dma_start3A_79 = tpu.memref_squeeze %dma_start3A_78 : memref<1x1x4352xf32, #tpu.memory_space<hbm>> -> memref<4352xf32, #tpu.memory_space<hbm>>
    tpu.enqueue_dma source(%arg37 : memref<4352xf32, #tpu.memory_space<vmem>>) target(%dma_start3A_79 : memref<4352xf32, #tpu.memory_space<hbm>>) target_semaphore(%arg50 : memref<!tpu.dma_semaphore, #tpu.memory_space<semaphore_mem>>)
    %dma_start3A_80 = arith.constant 0 : i32
    %dma_start3A_81 = arith.constant 0 : i32
    %dma_start3A_82 = tpu.memref_slice %arg15[%dma_start3A_80, %add3A, %dma_start3A_81] : memref<4x32x4352xf32, #tpu.memory_space<hbm>> -> memref<1x1x4352xf32, #tpu.memory_space<hbm>>
    %dma_start3A_83 = tpu.memref_squeeze %dma_start3A_82 : memref<1x1x4352xf32, #tpu.memory_space<hbm>> -> memref<4352xf32, #tpu.memory_space<hbm>>
    %dma_start3A_84 = arith.constant 0 : i32
    %dma_start3A_85 = tpu.memref_slice %arg15[%dma_start3A_80, %add3A, %dma_start3A_84] : memref<4x32x4352xf32, #tpu.memory_space<hbm>> -> memref<1x1x4352xf32, #tpu.memory_space<hbm>>
    %dma_start3A_86 = tpu.memref_squeeze %dma_start3A_85 : memref<1x1x4352xf32, #tpu.memory_space<hbm>> -> memref<4352xf32, #tpu.memory_space<hbm>>
    tpu.enqueue_dma source(%arg41 : memref<4352xf32, #tpu.memory_space<vmem>>) target(%dma_start3A_86 : memref<4352xf32, #tpu.memory_space<hbm>>) target_semaphore(%arg50 : memref<!tpu.dma_semaphore, #tpu.memory_space<semaphore_mem>>)
    %dma_start3A_87 = arith.constant 1 : i32
    %dma_start3A_88 = arith.constant 0 : i32
    %dma_start3A_89 = tpu.memref_slice %arg11[%dma_start3A_87, %add3A, %dma_start3A_88] : memref<4x32x4352xf32, #tpu.memory_space<hbm>> -> memref<1x1x4352xf32, #tpu.memory_space<hbm>>
    %dma_start3A_90 = tpu.memref_squeeze %dma_start3A_89 : memref<1x1x4352xf32, #tpu.memory_space<hbm>> -> memref<4352xf32, #tpu.memory_space<hbm>>
    %dma_start3A_91 = arith.constant 0 : i32
    %dma_start3A_92 = tpu.memref_slice %arg11[%dma_start3A_87, %add3A, %dma_start3A_91] : memref<4x32x4352xf32, #tpu.memory_space<hbm>> -> memref<1x1x4352xf32, #tpu.memory_space<hbm>>
    %dma_start3A_93 = tpu.memref_squeeze %dma_start3A_92 : memref<1x1x4352xf32, #tpu.memory_space<hbm>> -> memref<4352xf32, #tpu.memory_space<hbm>>
    tpu.enqueue_dma source(%arg26 : memref<4352xf32, #tpu.memory_space<vmem>>) target(%dma_start3A_93 : memref<4352xf32, #tpu.memory_space<hbm>>) target_semaphore(%arg50 : memref<!tpu.dma_semaphore, #tpu.memory_space<semaphore_mem>>)
    %dma_start3A_94 = arith.constant 1 : i32
    %dma_start3A_95 = arith.constant 0 : i32
    %dma_start3A_96 = tpu.memref_slice %arg12[%dma_start3A_94, %add3A, %dma_start3A_95] : memref<4x32x4352xi32, #tpu.memory_space<hbm>> -> memref<1x1x4352xi32, #tpu.memory_space<hbm>>
    %dma_start3A_97 = tpu.memref_squeeze %dma_start3A_96 : memref<1x1x4352xi32, #tpu.memory_space<hbm>> -> memref<4352xi32, #tpu.memory_space<hbm>>
    %dma_start3A_98 = arith.constant 0 : i32
    %dma_start3A_99 = tpu.memref_slice %arg12[%dma_start3A_94, %add3A, %dma_start3A_98] : memref<4x32x4352xi32, #tpu.memory_space<hbm>> -> memref<1x1x4352xi32, #tpu.memory_space<hbm>>
    %dma_start3A_100 = tpu.memref_squeeze %dma_start3A_99 : memref<1x1x4352xi32, #tpu.memory_space<hbm>> -> memref<4352xi32, #tpu.memory_space<hbm>>
    tpu.enqueue_dma source(%arg30 : memref<4352xi32, #tpu.memory_space<vmem>>) target(%dma_start3A_100 : memref<4352xi32, #tpu.memory_space<hbm>>) target_semaphore(%arg50 : memref<!tpu.dma_semaphore, #tpu.memory_space<semaphore_mem>>)
    %dma_start3A_101 = arith.constant 1 : i32
    %dma_start3A_102 = arith.constant 0 : i32
    %dma_start3A_103 = tpu.memref_slice %arg13[%dma_start3A_101, %add3A, %dma_start3A_102] : memref<4x32x4352xf32, #tpu.memory_space<hbm>> -> memref<1x1x4352xf32, #tpu.memory_space<hbm>>
    %dma_start3A_104 = tpu.memref_squeeze %dma_start3A_103 : memref<1x1x4352xf32, #tpu.memory_space<hbm>> -> memref<4352xf32, #tpu.memory_space<hbm>>
    %dma_start3A_105 = arith.constant 0 : i32
    %dma_start3A_106 = tpu.memref_slice %arg13[%dma_start3A_101, %add3A, %dma_start3A_105] : memref<4x32x4352xf32, #tpu.memory_space<hbm>> -> memref<1x1x4352xf32, #tpu.memory_space<hbm>>
    %dma_start3A_107 = tpu.memref_squeeze %dma_start3A_106 : memref<1x1x4352xf32, #tpu.memory_space<hbm>> -> memref<4352xf32, #tpu.memory_space<hbm>>
    tpu.enqueue_dma source(%arg34 : memref<4352xf32, #tpu.memory_space<vmem>>) target(%dma_start3A_107 : memref<4352xf32, #tpu.memory_space<hbm>>) target_semaphore(%arg50 : memref<!tpu.dma_semaphore, #tpu.memory_space<semaphore_mem>>)
    %dma_start3A_108 = arith.constant 1 : i32
    %dma_start3A_109 = arith.constant 0 : i32
    %dma_start3A_110 = tpu.memref_slice %arg14[%dma_start3A_108, %add3A, %dma_start3A_109] : memref<4x32x4352xf32, #tpu.memory_space<hbm>> -> memref<1x1x4352xf32, #tpu.memory_space<hbm>>
    %dma_start3A_111 = tpu.memref_squeeze %dma_start3A_110 : memref<1x1x4352xf32, #tpu.memory_space<hbm>> -> memref<4352xf32, #tpu.memory_space<hbm>>
    %dma_start3A_112 = arith.constant 0 : i32
    %dma_start3A_113 = tpu.memref_slice %arg14[%dma_start3A_108, %add3A, %dma_start3A_112] : memref<4x32x4352xf32, #tpu.memory_space<hbm>> -> memref<1x1x4352xf32, #tpu.memory_space<hbm>>
    %dma_start3A_114 = tpu.memref_squeeze %dma_start3A_113 : memref<1x1x4352xf32, #tpu.memory_space<hbm>> -> memref<4352xf32, #tpu.memory_space<hbm>>
    tpu.enqueue_dma source(%arg38 : memref<4352xf32, #tpu.memory_space<vmem>>) target(%dma_start3A_114 : memref<4352xf32, #tpu.memory_space<hbm>>) target_semaphore(%arg50 : memref<!tpu.dma_semaphore, #tpu.memory_space<semaphore_mem>>)
    %dma_start3A_115 = arith.constant 1 : i32
    %dma_start3A_116 = arith.constant 0 : i32
    %dma_start3A_117 = tpu.memref_slice %arg15[%dma_start3A_115, %add3A, %dma_start3A_116] : memref<4x32x4352xf32, #tpu.memory_space<hbm>> -> memref<1x1x4352xf32, #tpu.memory_space<hbm>>
    %dma_start3A_118 = tpu.memref_squeeze %dma_start3A_117 : memref<1x1x4352xf32, #tpu.memory_space<hbm>> -> memref<4352xf32, #tpu.memory_space<hbm>>
    %dma_start3A_119 = arith.constant 0 : i32
    %dma_start3A_120 = tpu.memref_slice %arg15[%dma_start3A_115, %add3A, %dma_start3A_119] : memref<4x32x4352xf32, #tpu.memory_space<hbm>> -> memref<1x1x4352xf32, #tpu.memory_space<hbm>>
    %dma_start3A_121 = tpu.memref_squeeze %dma_start3A_120 : memref<1x1x4352xf32, #tpu.memory_space<hbm>> -> memref<4352xf32, #tpu.memory_space<hbm>>
    tpu.enqueue_dma source(%arg42 : memref<4352xf32, #tpu.memory_space<vmem>>) target(%dma_start3A_121 : memref<4352xf32, #tpu.memory_space<hbm>>) target_semaphore(%arg50 : memref<!tpu.dma_semaphore, #tpu.memory_space<semaphore_mem>>)
    %dma_start3A_122 = arith.constant 2 : i32
    %dma_start3A_123 = arith.constant 0 : i32
    %dma_start3A_124 = tpu.memref_slice %arg11[%dma_start3A_122, %add3A, %dma_start3A_123] : memref<4x32x4352xf32, #tpu.memory_space<hbm>> -> memref<1x1x4352xf32, #tpu.memory_space<hbm>>
    %dma_start3A_125 = tpu.memref_squeeze %dma_start3A_124 : memref<1x1x4352xf32, #tpu.memory_space<hbm>> -> memref<4352xf32, #tpu.memory_space<hbm>>
    %dma_start3A_126 = arith.constant 0 : i32
    %dma_start3A_127 = tpu.memref_slice %arg11[%dma_start3A_122, %add3A, %dma_start3A_126] : memref<4x32x4352xf32, #tpu.memory_space<hbm>> -> memref<1x1x4352xf32, #tpu.memory_space<hbm>>
    %dma_start3A_128 = tpu.memref_squeeze %dma_start3A_127 : memref<1x1x4352xf32, #tpu.memory_space<hbm>> -> memref<4352xf32, #tpu.memory_space<hbm>>
    tpu.enqueue_dma source(%arg27 : memref<4352xf32, #tpu.memory_space<vmem>>) target(%dma_start3A_128 : memref<4352xf32, #tpu.memory_space<hbm>>) target_semaphore(%arg50 : memref<!tpu.dma_semaphore, #tpu.memory_space<semaphore_mem>>)
    %dma_start3A_129 = arith.constant 2 : i32
    %dma_start3A_130 = arith.constant 0 : i32
    %dma_start3A_131 = tpu.memref_slice %arg12[%dma_start3A_129, %add3A, %dma_start3A_130] : memref<4x32x4352xi32, #tpu.memory_space<hbm>> -> memref<1x1x4352xi32, #tpu.memory_space<hbm>>
    %dma_start3A_132 = tpu.memref_squeeze %dma_start3A_131 : memref<1x1x4352xi32, #tpu.memory_space<hbm>> -> memref<4352xi32, #tpu.memory_space<hbm>>
    %dma_start3A_133 = arith.constant 0 : i32
    %dma_start3A_134 = tpu.memref_slice %arg12[%dma_start3A_129, %add3A, %dma_start3A_133] : memref<4x32x4352xi32, #tpu.memory_space<hbm>> -> memref<1x1x4352xi32, #tpu.memory_space<hbm>>
    %dma_start3A_135 = tpu.memref_squeeze %dma_start3A_134 : memref<1x1x4352xi32, #tpu.memory_space<hbm>> -> memref<4352xi32, #tpu.memory_space<hbm>>
    tpu.enqueue_dma source(%arg31 : memref<4352xi32, #tpu.memory_space<vmem>>) target(%dma_start3A_135 : memref<4352xi32, #tpu.memory_space<hbm>>) target_semaphore(%arg50 : memref<!tpu.dma_semaphore, #tpu.memory_space<semaphore_mem>>)
    %dma_start3A_136 = arith.constant 2 : i32
    %dma_start3A_137 = arith.constant 0 : i32
    %dma_start3A_138 = tpu.memref_slice %arg13[%dma_start3A_136, %add3A, %dma_start3A_137] : memref<4x32x4352xf32, #tpu.memory_space<hbm>> -> memref<1x1x4352xf32, #tpu.memory_space<hbm>>
    %dma_start3A_139 = tpu.memref_squeeze %dma_start3A_138 : memref<1x1x4352xf32, #tpu.memory_space<hbm>> -> memref<4352xf32, #tpu.memory_space<hbm>>
    %dma_start3A_140 = arith.constant 0 : i32
    %dma_start3A_141 = tpu.memref_slice %arg13[%dma_start3A_136, %add3A, %dma_start3A_140] : memref<4x32x4352xf32, #tpu.memory_space<hbm>> -> memref<1x1x4352xf32, #tpu.memory_space<hbm>>
    %dma_start3A_142 = tpu.memref_squeeze %dma_start3A_141 : memref<1x1x4352xf32, #tpu.memory_space<hbm>> -> memref<4352xf32, #tpu.memory_space<hbm>>
    tpu.enqueue_dma source(%arg35 : memref<4352xf32, #tpu.memory_space<vmem>>) target(%dma_start3A_142 : memref<4352xf32, #tpu.memory_space<hbm>>) target_semaphore(%arg50 : memref<!tpu.dma_semaphore, #tpu.memory_space<semaphore_mem>>)
    %dma_start3A_143 = arith.constant 2 : i32
    %dma_start3A_144 = arith.constant 0 : i32
    %dma_start3A_145 = tpu.memref_slice %arg14[%dma_start3A_143, %add3A, %dma_start3A_144] : memref<4x32x4352xf32, #tpu.memory_space<hbm>> -> memref<1x1x4352xf32, #tpu.memory_space<hbm>>
    %dma_start3A_146 = tpu.memref_squeeze %dma_start3A_145 : memref<1x1x4352xf32, #tpu.memory_space<hbm>> -> memref<4352xf32, #tpu.memory_space<hbm>>
    %dma_start3A_147 = arith.constant 0 : i32
    %dma_start3A_148 = tpu.memref_slice %arg14[%dma_start3A_143, %add3A, %dma_start3A_147] : memref<4x32x4352xf32, #tpu.memory_space<hbm>> -> memref<1x1x4352xf32, #tpu.memory_space<hbm>>
    %dma_start3A_149 = tpu.memref_squeeze %dma_start3A_148 : memref<1x1x4352xf32, #tpu.memory_space<hbm>> -> memref<4352xf32, #tpu.memory_space<hbm>>
    tpu.enqueue_dma source(%arg39 : memref<4352xf32, #tpu.memory_space<vmem>>) target(%dma_start3A_149 : memref<4352xf32, #tpu.memory_space<hbm>>) target_semaphore(%arg50 : memref<!tpu.dma_semaphore, #tpu.memory_space<semaphore_mem>>)
    %dma_start3A_150 = arith.constant 2 : i32
    %dma_start3A_151 = arith.constant 0 : i32
    %dma_start3A_152 = tpu.memref_slice %arg15[%dma_start3A_150, %add3A, %dma_start3A_151] : memref<4x32x4352xf32, #tpu.memory_space<hbm>> -> memref<1x1x4352xf32, #tpu.memory_space<hbm>>
    %dma_start3A_153 = tpu.memref_squeeze %dma_start3A_152 : memref<1x1x4352xf32, #tpu.memory_space<hbm>> -> memref<4352xf32, #tpu.memory_space<hbm>>
    %dma_start3A_154 = arith.constant 0 : i32
    %dma_start3A_155 = tpu.memref_slice %arg15[%dma_start3A_150, %add3A, %dma_start3A_154] : memref<4x32x4352xf32, #tpu.memory_space<hbm>> -> memref<1x1x4352xf32, #tpu.memory_space<hbm>>
    %dma_start3A_156 = tpu.memref_squeeze %dma_start3A_155 : memref<1x1x4352xf32, #tpu.memory_space<hbm>> -> memref<4352xf32, #tpu.memory_space<hbm>>
    tpu.enqueue_dma source(%arg43 : memref<4352xf32, #tpu.memory_space<vmem>>) target(%dma_start3A_156 : memref<4352xf32, #tpu.memory_space<hbm>>) target_semaphore(%arg50 : memref<!tpu.dma_semaphore, #tpu.memory_space<semaphore_mem>>)
    %dma_start3A_157 = arith.constant 3 : i32
    %dma_start3A_158 = arith.constant 0 : i32
    %dma_start3A_159 = tpu.memref_slice %arg11[%dma_start3A_157, %add3A, %dma_start3A_158] : memref<4x32x4352xf32, #tpu.memory_space<hbm>> -> memref<1x1x4352xf32, #tpu.memory_space<hbm>>
    %dma_start3A_160 = tpu.memref_squeeze %dma_start3A_159 : memref<1x1x4352xf32, #tpu.memory_space<hbm>> -> memref<4352xf32, #tpu.memory_space<hbm>>
    %dma_start3A_161 = arith.constant 0 : i32
    %dma_start3A_162 = tpu.memref_slice %arg11[%dma_start3A_157, %add3A, %dma_start3A_161] : memref<4x32x4352xf32, #tpu.memory_space<hbm>> -> memref<1x1x4352xf32, #tpu.memory_space<hbm>>
    %dma_start3A_163 = tpu.memref_squeeze %dma_start3A_162 : memref<1x1x4352xf32, #tpu.memory_space<hbm>> -> memref<4352xf32, #tpu.memory_space<hbm>>
    tpu.enqueue_dma source(%arg28 : memref<4352xf32, #tpu.memory_space<vmem>>) target(%dma_start3A_163 : memref<4352xf32, #tpu.memory_space<hbm>>) target_semaphore(%arg50 : memref<!tpu.dma_semaphore, #tpu.memory_space<semaphore_mem>>)
    %dma_start3A_164 = arith.constant 3 : i32
    %dma_start3A_165 = arith.constant 0 : i32
    %dma_start3A_166 = tpu.memref_slice %arg12[%dma_start3A_164, %add3A, %dma_start3A_165] : memref<4x32x4352xi32, #tpu.memory_space<hbm>> -> memref<1x1x4352xi32, #tpu.memory_space<hbm>>
    %dma_start3A_167 = tpu.memref_squeeze %dma_start3A_166 : memref<1x1x4352xi32, #tpu.memory_space<hbm>> -> memref<4352xi32, #tpu.memory_space<hbm>>
    %dma_start3A_168 = arith.constant 0 : i32
    %dma_start3A_169 = tpu.memref_slice %arg12[%dma_start3A_164, %add3A, %dma_start3A_168] : memref<4x32x4352xi32, #tpu.memory_space<hbm>> -> memref<1x1x4352xi32, #tpu.memory_space<hbm>>
    %dma_start3A_170 = tpu.memref_squeeze %dma_start3A_169 : memref<1x1x4352xi32, #tpu.memory_space<hbm>> -> memref<4352xi32, #tpu.memory_space<hbm>>
    tpu.enqueue_dma source(%arg32 : memref<4352xi32, #tpu.memory_space<vmem>>) target(%dma_start3A_170 : memref<4352xi32, #tpu.memory_space<hbm>>) target_semaphore(%arg50 : memref<!tpu.dma_semaphore, #tpu.memory_space<semaphore_mem>>)
    %dma_start3A_171 = arith.constant 3 : i32
    %dma_start3A_172 = arith.constant 0 : i32
    %dma_start3A_173 = tpu.memref_slice %arg13[%dma_start3A_171, %add3A, %dma_start3A_172] : memref<4x32x4352xf32, #tpu.memory_space<hbm>> -> memref<1x1x4352xf32, #tpu.memory_space<hbm>>
    %dma_start3A_174 = tpu.memref_squeeze %dma_start3A_173 : memref<1x1x4352xf32, #tpu.memory_space<hbm>> -> memref<4352xf32, #tpu.memory_space<hbm>>
    %dma_start3A_175 = arith.constant 0 : i32
    %dma_start3A_176 = tpu.memref_slice %arg13[%dma_start3A_171, %add3A, %dma_start3A_175] : memref<4x32x4352xf32, #tpu.memory_space<hbm>> -> memref<1x1x4352xf32, #tpu.memory_space<hbm>>
    %dma_start3A_177 = tpu.memref_squeeze %dma_start3A_176 : memref<1x1x4352xf32, #tpu.memory_space<hbm>> -> memref<4352xf32, #tpu.memory_space<hbm>>
    tpu.enqueue_dma source(%arg36 : memref<4352xf32, #tpu.memory_space<vmem>>) target(%dma_start3A_177 : memref<4352xf32, #tpu.memory_space<hbm>>) target_semaphore(%arg50 : memref<!tpu.dma_semaphore, #tpu.memory_space<semaphore_mem>>)
    %dma_start3A_178 = arith.constant 3 : i32
    %dma_start3A_179 = arith.constant 0 : i32
    %dma_start3A_180 = tpu.memref_slice %arg14[%dma_start3A_178, %add3A, %dma_start3A_179] : memref<4x32x4352xf32, #tpu.memory_space<hbm>> -> memref<1x1x4352xf32, #tpu.memory_space<hbm>>
    %dma_start3A_181 = tpu.memref_squeeze %dma_start3A_180 : memref<1x1x4352xf32, #tpu.memory_space<hbm>> -> memref<4352xf32, #tpu.memory_space<hbm>>
    %dma_start3A_182 = arith.constant 0 : i32
    %dma_start3A_183 = tpu.memref_slice %arg14[%dma_start3A_178, %add3A, %dma_start3A_182] : memref<4x32x4352xf32, #tpu.memory_space<hbm>> -> memref<1x1x4352xf32, #tpu.memory_space<hbm>>
    %dma_start3A_184 = tpu.memref_squeeze %dma_start3A_183 : memref<1x1x4352xf32, #tpu.memory_space<hbm>> -> memref<4352xf32, #tpu.memory_space<hbm>>
    tpu.enqueue_dma source(%arg40 : memref<4352xf32, #tpu.memory_space<vmem>>) target(%dma_start3A_184 : memref<4352xf32, #tpu.memory_space<hbm>>) target_semaphore(%arg50 : memref<!tpu.dma_semaphore, #tpu.memory_space<semaphore_mem>>)
    %dma_start3A_185 = arith.constant 3 : i32
    %dma_start3A_186 = arith.constant 0 : i32
    %dma_start3A_187 = tpu.memref_slice %arg15[%dma_start3A_185, %add3A, %dma_start3A_186] : memref<4x32x4352xf32, #tpu.memory_space<hbm>> -> memref<1x1x4352xf32, #tpu.memory_space<hbm>>
    %dma_start3A_188 = tpu.memref_squeeze %dma_start3A_187 : memref<1x1x4352xf32, #tpu.memory_space<hbm>> -> memref<4352xf32, #tpu.memory_space<hbm>>
    %dma_start3A_189 = arith.constant 0 : i32
    %dma_start3A_190 = tpu.memref_slice %arg15[%dma_start3A_185, %add3A, %dma_start3A_189] : memref<4x32x4352xf32, #tpu.memory_space<hbm>> -> memref<1x1x4352xf32, #tpu.memory_space<hbm>>
    %dma_start3A_191 = tpu.memref_squeeze %dma_start3A_190 : memref<1x1x4352xf32, #tpu.memory_space<hbm>> -> memref<4352xf32, #tpu.memory_space<hbm>>
    tpu.enqueue_dma source(%arg44 : memref<4352xf32, #tpu.memory_space<vmem>>) target(%dma_start3A_191 : memref<4352xf32, #tpu.memory_space<hbm>>) target_semaphore(%arg50 : memref<!tpu.dma_semaphore, #tpu.memory_space<semaphore_mem>>)
    %dma_wait3A_192 = arith.constant 0 : i32
    %dma_wait3A_193 = arith.constant 0 : i32
    %dma_wait3A_194 = tpu.memref_slice %arg11[%dma_wait3A_192, %add3A, %dma_wait3A_193] : memref<4x32x4352xf32, #tpu.memory_space<hbm>> -> memref<1x1x4352xf32, #tpu.memory_space<hbm>>
    %dma_wait3A_195 = tpu.memref_squeeze %dma_wait3A_194 : memref<1x1x4352xf32, #tpu.memory_space<hbm>> -> memref<4352xf32, #tpu.memory_space<hbm>>
    %dma_wait3A_196 = arith.constant 0 : i32
    %dma_wait3A_197 = tpu.memref_slice %arg11[%dma_wait3A_192, %add3A, %dma_wait3A_196] : memref<4x32x4352xf32, #tpu.memory_space<hbm>> -> memref<1x1x4352xf32, #tpu.memory_space<hbm>>
    %dma_wait3A_198 = tpu.memref_squeeze %dma_wait3A_197 : memref<1x1x4352xf32, #tpu.memory_space<hbm>> -> memref<4352xf32, #tpu.memory_space<hbm>>
    tpu.wait_dma2 semaphore(%arg50 : memref<!tpu.dma_semaphore, #tpu.memory_space<semaphore_mem>>) src(%arg25 : memref<4352xf32, #tpu.memory_space<vmem>>) dst(%dma_wait3A_198 : memref<4352xf32, #tpu.memory_space<hbm>>)
    %dma_wait3A_199 = arith.constant 0 : i32
    %dma_wait3A_200 = arith.constant 0 : i32
    %dma_wait3A_201 = tpu.memref_slice %arg12[%dma_wait3A_199, %add3A, %dma_wait3A_200] : memref<4x32x4352xi32, #tpu.memory_space<hbm>> -> memref<1x1x4352xi32, #tpu.memory_space<hbm>>
    %dma_wait3A_202 = tpu.memref_squeeze %dma_wait3A_201 : memref<1x1x4352xi32, #tpu.memory_space<hbm>> -> memref<4352xi32, #tpu.memory_space<hbm>>
    %dma_wait3A_203 = arith.constant 0 : i32
    %dma_wait3A_204 = tpu.memref_slice %arg12[%dma_wait3A_199, %add3A, %dma_wait3A_203] : memref<4x32x4352xi32, #tpu.memory_space<hbm>> -> memref<1x1x4352xi32, #tpu.memory_space<hbm>>
    %dma_wait3A_205 = tpu.memref_squeeze %dma_wait3A_204 : memref<1x1x4352xi32, #tpu.memory_space<hbm>> -> memref<4352xi32, #tpu.memory_space<hbm>>
    tpu.wait_dma2 semaphore(%arg50 : memref<!tpu.dma_semaphore, #tpu.memory_space<semaphore_mem>>) src(%arg29 : memref<4352xi32, #tpu.memory_space<vmem>>) dst(%dma_wait3A_205 : memref<4352xi32, #tpu.memory_space<hbm>>)
    %dma_wait3A_206 = arith.constant 0 : i32
    %dma_wait3A_207 = arith.constant 0 : i32
    %dma_wait3A_208 = tpu.memref_slice %arg13[%dma_wait3A_206, %add3A, %dma_wait3A_207] : memref<4x32x4352xf32, #tpu.memory_space<hbm>> -> memref<1x1x4352xf32, #tpu.memory_space<hbm>>
    %dma_wait3A_209 = tpu.memref_squeeze %dma_wait3A_208 : memref<1x1x4352xf32, #tpu.memory_space<hbm>> -> memref<4352xf32, #tpu.memory_space<hbm>>
    %dma_wait3A_210 = arith.constant 0 : i32
    %dma_wait3A_211 = tpu.memref_slice %arg13[%dma_wait3A_206, %add3A, %dma_wait3A_210] : memref<4x32x4352xf32, #tpu.memory_space<hbm>> -> memref<1x1x4352xf32, #tpu.memory_space<hbm>>
    %dma_wait3A_212 = tpu.memref_squeeze %dma_wait3A_211 : memref<1x1x4352xf32, #tpu.memory_space<hbm>> -> memref<4352xf32, #tpu.memory_space<hbm>>
    tpu.wait_dma2 semaphore(%arg50 : memref<!tpu.dma_semaphore, #tpu.memory_space<semaphore_mem>>) src(%arg33 : memref<4352xf32, #tpu.memory_space<vmem>>) dst(%dma_wait3A_212 : memref<4352xf32, #tpu.memory_space<hbm>>)
    %dma_wait3A_213 = arith.constant 0 : i32
    %dma_wait3A_214 = arith.constant 0 : i32
    %dma_wait3A_215 = tpu.memref_slice %arg14[%dma_wait3A_213, %add3A, %dma_wait3A_214] : memref<4x32x4352xf32, #tpu.memory_space<hbm>> -> memref<1x1x4352xf32, #tpu.memory_space<hbm>>
    %dma_wait3A_216 = tpu.memref_squeeze %dma_wait3A_215 : memref<1x1x4352xf32, #tpu.memory_space<hbm>> -> memref<4352xf32, #tpu.memory_space<hbm>>
    %dma_wait3A_217 = arith.constant 0 : i32
    %dma_wait3A_218 = tpu.memref_slice %arg14[%dma_wait3A_213, %add3A, %dma_wait3A_217] : memref<4x32x4352xf32, #tpu.memory_space<hbm>> -> memref<1x1x4352xf32, #tpu.memory_space<hbm>>
    %dma_wait3A_219 = tpu.memref_squeeze %dma_wait3A_218 : memref<1x1x4352xf32, #tpu.memory_space<hbm>> -> memref<4352xf32, #tpu.memory_space<hbm>>
    tpu.wait_dma2 semaphore(%arg50 : memref<!tpu.dma_semaphore, #tpu.memory_space<semaphore_mem>>) src(%arg37 : memref<4352xf32, #tpu.memory_space<vmem>>) dst(%dma_wait3A_219 : memref<4352xf32, #tpu.memory_space<hbm>>)
    %dma_wait3A_220 = arith.constant 0 : i32
    %dma_wait3A_221 = arith.constant 0 : i32
    %dma_wait3A_222 = tpu.memref_slice %arg15[%dma_wait3A_220, %add3A, %dma_wait3A_221] : memref<4x32x4352xf32, #tpu.memory_space<hbm>> -> memref<1x1x4352xf32, #tpu.memory_space<hbm>>
    %dma_wait3A_223 = tpu.memref_squeeze %dma_wait3A_222 : memref<1x1x4352xf32, #tpu.memory_space<hbm>> -> memref<4352xf32, #tpu.memory_space<hbm>>
    %dma_wait3A_224 = arith.constant 0 : i32
    %dma_wait3A_225 = tpu.memref_slice %arg15[%dma_wait3A_220, %add3A, %dma_wait3A_224] : memref<4x32x4352xf32, #tpu.memory_space<hbm>> -> memref<1x1x4352xf32, #tpu.memory_space<hbm>>
    %dma_wait3A_226 = tpu.memref_squeeze %dma_wait3A_225 : memref<1x1x4352xf32, #tpu.memory_space<hbm>> -> memref<4352xf32, #tpu.memory_space<hbm>>
    tpu.wait_dma2 semaphore(%arg50 : memref<!tpu.dma_semaphore, #tpu.memory_space<semaphore_mem>>) src(%arg41 : memref<4352xf32, #tpu.memory_space<vmem>>) dst(%dma_wait3A_226 : memref<4352xf32, #tpu.memory_space<hbm>>)
    %dma_wait3A_227 = arith.constant 1 : i32
    %dma_wait3A_228 = arith.constant 0 : i32
    %dma_wait3A_229 = tpu.memref_slice %arg11[%dma_wait3A_227, %add3A, %dma_wait3A_228] : memref<4x32x4352xf32, #tpu.memory_space<hbm>> -> memref<1x1x4352xf32, #tpu.memory_space<hbm>>
    %dma_wait3A_230 = tpu.memref_squeeze %dma_wait3A_229 : memref<1x1x4352xf32, #tpu.memory_space<hbm>> -> memref<4352xf32, #tpu.memory_space<hbm>>
    %dma_wait3A_231 = arith.constant 0 : i32
    %dma_wait3A_232 = tpu.memref_slice %arg11[%dma_wait3A_227, %add3A, %dma_wait3A_231] : memref<4x32x4352xf32, #tpu.memory_space<hbm>> -> memref<1x1x4352xf32, #tpu.memory_space<hbm>>
    %dma_wait3A_233 = tpu.memref_squeeze %dma_wait3A_232 : memref<1x1x4352xf32, #tpu.memory_space<hbm>> -> memref<4352xf32, #tpu.memory_space<hbm>>
    tpu.wait_dma2 semaphore(%arg50 : memref<!tpu.dma_semaphore, #tpu.memory_space<semaphore_mem>>) src(%arg26 : memref<4352xf32, #tpu.memory_space<vmem>>) dst(%dma_wait3A_233 : memref<4352xf32, #tpu.memory_space<hbm>>)
    %dma_wait3A_234 = arith.constant 1 : i32
    %dma_wait3A_235 = arith.constant 0 : i32
    %dma_wait3A_236 = tpu.memref_slice %arg12[%dma_wait3A_234, %add3A, %dma_wait3A_235] : memref<4x32x4352xi32, #tpu.memory_space<hbm>> -> memref<1x1x4352xi32, #tpu.memory_space<hbm>>
    %dma_wait3A_237 = tpu.memref_squeeze %dma_wait3A_236 : memref<1x1x4352xi32, #tpu.memory_space<hbm>> -> memref<4352xi32, #tpu.memory_space<hbm>>
    %dma_wait3A_238 = arith.constant 0 : i32
    %dma_wait3A_239 = tpu.memref_slice %arg12[%dma_wait3A_234, %add3A, %dma_wait3A_238] : memref<4x32x4352xi32, #tpu.memory_space<hbm>> -> memref<1x1x4352xi32, #tpu.memory_space<hbm>>
    %dma_wait3A_240 = tpu.memref_squeeze %dma_wait3A_239 : memref<1x1x4352xi32, #tpu.memory_space<hbm>> -> memref<4352xi32, #tpu.memory_space<hbm>>
    tpu.wait_dma2 semaphore(%arg50 : memref<!tpu.dma_semaphore, #tpu.memory_space<semaphore_mem>>) src(%arg30 : memref<4352xi32, #tpu.memory_space<vmem>>) dst(%dma_wait3A_240 : memref<4352xi32, #tpu.memory_space<hbm>>)
    %dma_wait3A_241 = arith.constant 1 : i32
    %dma_wait3A_242 = arith.constant 0 : i32
    %dma_wait3A_243 = tpu.memref_slice %arg13[%dma_wait3A_241, %add3A, %dma_wait3A_242] : memref<4x32x4352xf32, #tpu.memory_space<hbm>> -> memref<1x1x4352xf32, #tpu.memory_space<hbm>>
    %dma_wait3A_244 = tpu.memref_squeeze %dma_wait3A_243 : memref<1x1x4352xf32, #tpu.memory_space<hbm>> -> memref<4352xf32, #tpu.memory_space<hbm>>
    %dma_wait3A_245 = arith.constant 0 : i32
    %dma_wait3A_246 = tpu.memref_slice %arg13[%dma_wait3A_241, %add3A, %dma_wait3A_245] : memref<4x32x4352xf32, #tpu.memory_space<hbm>> -> memref<1x1x4352xf32, #tpu.memory_space<hbm>>
    %dma_wait3A_247 = tpu.memref_squeeze %dma_wait3A_246 : memref<1x1x4352xf32, #tpu.memory_space<hbm>> -> memref<4352xf32, #tpu.memory_space<hbm>>
    tpu.wait_dma2 semaphore(%arg50 : memref<!tpu.dma_semaphore, #tpu.memory_space<semaphore_mem>>) src(%arg34 : memref<4352xf32, #tpu.memory_space<vmem>>) dst(%dma_wait3A_247 : memref<4352xf32, #tpu.memory_space<hbm>>)
    %dma_wait3A_248 = arith.constant 1 : i32
    %dma_wait3A_249 = arith.constant 0 : i32
    %dma_wait3A_250 = tpu.memref_slice %arg14[%dma_wait3A_248, %add3A, %dma_wait3A_249] : memref<4x32x4352xf32, #tpu.memory_space<hbm>> -> memref<1x1x4352xf32, #tpu.memory_space<hbm>>
    %dma_wait3A_251 = tpu.memref_squeeze %dma_wait3A_250 : memref<1x1x4352xf32, #tpu.memory_space<hbm>> -> memref<4352xf32, #tpu.memory_space<hbm>>
    %dma_wait3A_252 = arith.constant 0 : i32
    %dma_wait3A_253 = tpu.memref_slice %arg14[%dma_wait3A_248, %add3A, %dma_wait3A_252] : memref<4x32x4352xf32, #tpu.memory_space<hbm>> -> memref<1x1x4352xf32, #tpu.memory_space<hbm>>
    %dma_wait3A_254 = tpu.memref_squeeze %dma_wait3A_253 : memref<1x1x4352xf32, #tpu.memory_space<hbm>> -> memref<4352xf32, #tpu.memory_space<hbm>>
    tpu.wait_dma2 semaphore(%arg50 : memref<!tpu.dma_semaphore, #tpu.memory_space<semaphore_mem>>) src(%arg38 : memref<4352xf32, #tpu.memory_space<vmem>>) dst(%dma_wait3A_254 : memref<4352xf32, #tpu.memory_space<hbm>>)
    %dma_wait3A_255 = arith.constant 1 : i32
    %dma_wait3A_256 = arith.constant 0 : i32
    %dma_wait3A_257 = tpu.memref_slice %arg15[%dma_wait3A_255, %add3A, %dma_wait3A_256] : memref<4x32x4352xf32, #tpu.memory_space<hbm>> -> memref<1x1x4352xf32, #tpu.memory_space<hbm>>
    %dma_wait3A_258 = tpu.memref_squeeze %dma_wait3A_257 : memref<1x1x4352xf32, #tpu.memory_space<hbm>> -> memref<4352xf32, #tpu.memory_space<hbm>>
    %dma_wait3A_259 = arith.constant 0 : i32
    %dma_wait3A_260 = tpu.memref_slice %arg15[%dma_wait3A_255, %add3A, %dma_wait3A_259] : memref<4x32x4352xf32, #tpu.memory_space<hbm>> -> memref<1x1x4352xf32, #tpu.memory_space<hbm>>
    %dma_wait3A_261 = tpu.memref_squeeze %dma_wait3A_260 : memref<1x1x4352xf32, #tpu.memory_space<hbm>> -> memref<4352xf32, #tpu.memory_space<hbm>>
    tpu.wait_dma2 semaphore(%arg50 : memref<!tpu.dma_semaphore, #tpu.memory_space<semaphore_mem>>) src(%arg42 : memref<4352xf32, #tpu.memory_space<vmem>>) dst(%dma_wait3A_261 : memref<4352xf32, #tpu.memory_space<hbm>>)
    %dma_wait3A_262 = arith.constant 2 : i32
    %dma_wait3A_263 = arith.constant 0 : i32
    %dma_wait3A_264 = tpu.memref_slice %arg11[%dma_wait3A_262, %add3A, %dma_wait3A_263] : memref<4x32x4352xf32, #tpu.memory_space<hbm>> -> memref<1x1x4352xf32, #tpu.memory_space<hbm>>
    %dma_wait3A_265 = tpu.memref_squeeze %dma_wait3A_264 : memref<1x1x4352xf32, #tpu.memory_space<hbm>> -> memref<4352xf32, #tpu.memory_space<hbm>>
    %dma_wait3A_266 = arith.constant 0 : i32
    %dma_wait3A_267 = tpu.memref_slice %arg11[%dma_wait3A_262, %add3A, %dma_wait3A_266] : memref<4x32x4352xf32, #tpu.memory_space<hbm>> -> memref<1x1x4352xf32, #tpu.memory_space<hbm>>
    %dma_wait3A_268 = tpu.memref_squeeze %dma_wait3A_267 : memref<1x1x4352xf32, #tpu.memory_space<hbm>> -> memref<4352xf32, #tpu.memory_space<hbm>>
    tpu.wait_dma2 semaphore(%arg50 : memref<!tpu.dma_semaphore, #tpu.memory_space<semaphore_mem>>) src(%arg27 : memref<4352xf32, #tpu.memory_space<vmem>>) dst(%dma_wait3A_268 : memref<4352xf32, #tpu.memory_space<hbm>>)
    %dma_wait3A_269 = arith.constant 2 : i32
    %dma_wait3A_270 = arith.constant 0 : i32
    %dma_wait3A_271 = tpu.memref_slice %arg12[%dma_wait3A_269, %add3A, %dma_wait3A_270] : memref<4x32x4352xi32, #tpu.memory_space<hbm>> -> memref<1x1x4352xi32, #tpu.memory_space<hbm>>
    %dma_wait3A_272 = tpu.memref_squeeze %dma_wait3A_271 : memref<1x1x4352xi32, #tpu.memory_space<hbm>> -> memref<4352xi32, #tpu.memory_space<hbm>>
    %dma_wait3A_273 = arith.constant 0 : i32
    %dma_wait3A_274 = tpu.memref_slice %arg12[%dma_wait3A_269, %add3A, %dma_wait3A_273] : memref<4x32x4352xi32, #tpu.memory_space<hbm>> -> memref<1x1x4352xi32, #tpu.memory_space<hbm>>
    %dma_wait3A_275 = tpu.memref_squeeze %dma_wait3A_274 : memref<1x1x4352xi32, #tpu.memory_space<hbm>> -> memref<4352xi32, #tpu.memory_space<hbm>>
    tpu.wait_dma2 semaphore(%arg50 : memref<!tpu.dma_semaphore, #tpu.memory_space<semaphore_mem>>) src(%arg31 : memref<4352xi32, #tpu.memory_space<vmem>>) dst(%dma_wait3A_275 : memref<4352xi32, #tpu.memory_space<hbm>>)
    %dma_wait3A_276 = arith.constant 2 : i32
    %dma_wait3A_277 = arith.constant 0 : i32
    %dma_wait3A_278 = tpu.memref_slice %arg13[%dma_wait3A_276, %add3A, %dma_wait3A_277] : memref<4x32x4352xf32, #tpu.memory_space<hbm>> -> memref<1x1x4352xf32, #tpu.memory_space<hbm>>
    %dma_wait3A_279 = tpu.memref_squeeze %dma_wait3A_278 : memref<1x1x4352xf32, #tpu.memory_space<hbm>> -> memref<4352xf32, #tpu.memory_space<hbm>>
    %dma_wait3A_280 = arith.constant 0 : i32
    %dma_wait3A_281 = tpu.memref_slice %arg13[%dma_wait3A_276, %add3A, %dma_wait3A_280] : memref<4x32x4352xf32, #tpu.memory_space<hbm>> -> memref<1x1x4352xf32, #tpu.memory_space<hbm>>
    %dma_wait3A_282 = tpu.memref_squeeze %dma_wait3A_281 : memref<1x1x4352xf32, #tpu.memory_space<hbm>> -> memref<4352xf32, #tpu.memory_space<hbm>>
    tpu.wait_dma2 semaphore(%arg50 : memref<!tpu.dma_semaphore, #tpu.memory_space<semaphore_mem>>) src(%arg35 : memref<4352xf32, #tpu.memory_space<vmem>>) dst(%dma_wait3A_282 : memref<4352xf32, #tpu.memory_space<hbm>>)
    %dma_wait3A_283 = arith.constant 2 : i32
    %dma_wait3A_284 = arith.constant 0 : i32
    %dma_wait3A_285 = tpu.memref_slice %arg14[%dma_wait3A_283, %add3A, %dma_wait3A_284] : memref<4x32x4352xf32, #tpu.memory_space<hbm>> -> memref<1x1x4352xf32, #tpu.memory_space<hbm>>
    %dma_wait3A_286 = tpu.memref_squeeze %dma_wait3A_285 : memref<1x1x4352xf32, #tpu.memory_space<hbm>> -> memref<4352xf32, #tpu.memory_space<hbm>>
    %dma_wait3A_287 = arith.constant 0 : i32
    %dma_wait3A_288 = tpu.memref_slice %arg14[%dma_wait3A_283, %add3A, %dma_wait3A_287] : memref<4x32x4352xf32, #tpu.memory_space<hbm>> -> memref<1x1x4352xf32, #tpu.memory_space<hbm>>
    %dma_wait3A_289 = tpu.memref_squeeze %dma_wait3A_288 : memref<1x1x4352xf32, #tpu.memory_space<hbm>> -> memref<4352xf32, #tpu.memory_space<hbm>>
    tpu.wait_dma2 semaphore(%arg50 : memref<!tpu.dma_semaphore, #tpu.memory_space<semaphore_mem>>) src(%arg39 : memref<4352xf32, #tpu.memory_space<vmem>>) dst(%dma_wait3A_289 : memref<4352xf32, #tpu.memory_space<hbm>>)
    %dma_wait3A_290 = arith.constant 2 : i32
    %dma_wait3A_291 = arith.constant 0 : i32
    %dma_wait3A_292 = tpu.memref_slice %arg15[%dma_wait3A_290, %add3A, %dma_wait3A_291] : memref<4x32x4352xf32, #tpu.memory_space<hbm>> -> memref<1x1x4352xf32, #tpu.memory_space<hbm>>
    %dma_wait3A_293 = tpu.memref_squeeze %dma_wait3A_292 : memref<1x1x4352xf32, #tpu.memory_space<hbm>> -> memref<4352xf32, #tpu.memory_space<hbm>>
    %dma_wait3A_294 = arith.constant 0 : i32
    %dma_wait3A_295 = tpu.memref_slice %arg15[%dma_wait3A_290, %add3A, %dma_wait3A_294] : memref<4x32x4352xf32, #tpu.memory_space<hbm>> -> memref<1x1x4352xf32, #tpu.memory_space<hbm>>
    %dma_wait3A_296 = tpu.memref_squeeze %dma_wait3A_295 : memref<1x1x4352xf32, #tpu.memory_space<hbm>> -> memref<4352xf32, #tpu.memory_space<hbm>>
    tpu.wait_dma2 semaphore(%arg50 : memref<!tpu.dma_semaphore, #tpu.memory_space<semaphore_mem>>) src(%arg43 : memref<4352xf32, #tpu.memory_space<vmem>>) dst(%dma_wait3A_296 : memref<4352xf32, #tpu.memory_space<hbm>>)
    %dma_wait3A_297 = arith.constant 3 : i32
    %dma_wait3A_298 = arith.constant 0 : i32
    %dma_wait3A_299 = tpu.memref_slice %arg11[%dma_wait3A_297, %add3A, %dma_wait3A_298] : memref<4x32x4352xf32, #tpu.memory_space<hbm>> -> memref<1x1x4352xf32, #tpu.memory_space<hbm>>
    %dma_wait3A_300 = tpu.memref_squeeze %dma_wait3A_299 : memref<1x1x4352xf32, #tpu.memory_space<hbm>> -> memref<4352xf32, #tpu.memory_space<hbm>>
    %dma_wait3A_301 = arith.constant 0 : i32
    %dma_wait3A_302 = tpu.memref_slice %arg11[%dma_wait3A_297, %add3A, %dma_wait3A_301] : memref<4x32x4352xf32, #tpu.memory_space<hbm>> -> memref<1x1x4352xf32, #tpu.memory_space<hbm>>
    %dma_wait3A_303 = tpu.memref_squeeze %dma_wait3A_302 : memref<1x1x4352xf32, #tpu.memory_space<hbm>> -> memref<4352xf32, #tpu.memory_space<hbm>>
    tpu.wait_dma2 semaphore(%arg50 : memref<!tpu.dma_semaphore, #tpu.memory_space<semaphore_mem>>) src(%arg28 : memref<4352xf32, #tpu.memory_space<vmem>>) dst(%dma_wait3A_303 : memref<4352xf32, #tpu.memory_space<hbm>>)
    %dma_wait3A_304 = arith.constant 3 : i32
    %dma_wait3A_305 = arith.constant 0 : i32
    %dma_wait3A_306 = tpu.memref_slice %arg12[%dma_wait3A_304, %add3A, %dma_wait3A_305] : memref<4x32x4352xi32, #tpu.memory_space<hbm>> -> memref<1x1x4352xi32, #tpu.memory_space<hbm>>
    %dma_wait3A_307 = tpu.memref_squeeze %dma_wait3A_306 : memref<1x1x4352xi32, #tpu.memory_space<hbm>> -> memref<4352xi32, #tpu.memory_space<hbm>>
    %dma_wait3A_308 = arith.constant 0 : i32
    %dma_wait3A_309 = tpu.memref_slice %arg12[%dma_wait3A_304, %add3A, %dma_wait3A_308] : memref<4x32x4352xi32, #tpu.memory_space<hbm>> -> memref<1x1x4352xi32, #tpu.memory_space<hbm>>
    %dma_wait3A_310 = tpu.memref_squeeze %dma_wait3A_309 : memref<1x1x4352xi32, #tpu.memory_space<hbm>> -> memref<4352xi32, #tpu.memory_space<hbm>>
    tpu.wait_dma2 semaphore(%arg50 : memref<!tpu.dma_semaphore, #tpu.memory_space<semaphore_mem>>) src(%arg32 : memref<4352xi32, #tpu.memory_space<vmem>>) dst(%dma_wait3A_310 : memref<4352xi32, #tpu.memory_space<hbm>>)
    %dma_wait3A_311 = arith.constant 3 : i32
    %dma_wait3A_312 = arith.constant 0 : i32
    %dma_wait3A_313 = tpu.memref_slice %arg13[%dma_wait3A_311, %add3A, %dma_wait3A_312] : memref<4x32x4352xf32, #tpu.memory_space<hbm>> -> memref<1x1x4352xf32, #tpu.memory_space<hbm>>
    %dma_wait3A_314 = tpu.memref_squeeze %dma_wait3A_313 : memref<1x1x4352xf32, #tpu.memory_space<hbm>> -> memref<4352xf32, #tpu.memory_space<hbm>>
    %dma_wait3A_315 = arith.constant 0 : i32
    %dma_wait3A_316 = tpu.memref_slice %arg13[%dma_wait3A_311, %add3A, %dma_wait3A_315] : memref<4x32x4352xf32, #tpu.memory_space<hbm>> -> memref<1x1x4352xf32, #tpu.memory_space<hbm>>
    %dma_wait3A_317 = tpu.memref_squeeze %dma_wait3A_316 : memref<1x1x4352xf32, #tpu.memory_space<hbm>> -> memref<4352xf32, #tpu.memory_space<hbm>>
    tpu.wait_dma2 semaphore(%arg50 : memref<!tpu.dma_semaphore, #tpu.memory_space<semaphore_mem>>) src(%arg36 : memref<4352xf32, #tpu.memory_space<vmem>>) dst(%dma_wait3A_317 : memref<4352xf32, #tpu.memory_space<hbm>>)
    %dma_wait3A_318 = arith.constant 3 : i32
    %dma_wait3A_319 = arith.constant 0 : i32
    %dma_wait3A_320 = tpu.memref_slice %arg14[%dma_wait3A_318, %add3A, %dma_wait3A_319] : memref<4x32x4352xf32, #tpu.memory_space<hbm>> -> memref<1x1x4352xf32, #tpu.memory_space<hbm>>
    %dma_wait3A_321 = tpu.memref_squeeze %dma_wait3A_320 : memref<1x1x4352xf32, #tpu.memory_space<hbm>> -> memref<4352xf32, #tpu.memory_space<hbm>>
    %dma_wait3A_322 = arith.constant 0 : i32
    %dma_wait3A_323 = tpu.memref_slice %arg14[%dma_wait3A_318, %add3A, %dma_wait3A_322] : memref<4x32x4352xf32, #tpu.memory_space<hbm>> -> memref<1x1x4352xf32, #tpu.memory_space<hbm>>
    %dma_wait3A_324 = tpu.memref_squeeze %dma_wait3A_323 : memref<1x1x4352xf32, #tpu.memory_space<hbm>> -> memref<4352xf32, #tpu.memory_space<hbm>>
    tpu.wait_dma2 semaphore(%arg50 : memref<!tpu.dma_semaphore, #tpu.memory_space<semaphore_mem>>) src(%arg40 : memref<4352xf32, #tpu.memory_space<vmem>>) dst(%dma_wait3A_324 : memref<4352xf32, #tpu.memory_space<hbm>>)
    %dma_wait3A_325 = arith.constant 3 : i32
    %dma_wait3A_326 = arith.constant 0 : i32
    %dma_wait3A_327 = tpu.memref_slice %arg15[%dma_wait3A_325, %add3A, %dma_wait3A_326] : memref<4x32x4352xf32, #tpu.memory_space<hbm>> -> memref<1x1x4352xf32, #tpu.memory_space<hbm>>
    %dma_wait3A_328 = tpu.memref_squeeze %dma_wait3A_327 : memref<1x1x4352xf32, #tpu.memory_space<hbm>> -> memref<4352xf32, #tpu.memory_space<hbm>>
    %dma_wait3A_329 = arith.constant 0 : i32
    %dma_wait3A_330 = tpu.memref_slice %arg15[%dma_wait3A_325, %add3A, %dma_wait3A_329] : memref<4x32x4352xf32, #tpu.memory_space<hbm>> -> memref<1x1x4352xf32, #tpu.memory_space<hbm>>
    %dma_wait3A_331 = tpu.memref_squeeze %dma_wait3A_330 : memref<1x1x4352xf32, #tpu.memory_space<hbm>> -> memref<4352xf32, #tpu.memory_space<hbm>>
    tpu.wait_dma2 semaphore(%arg50 : memref<!tpu.dma_semaphore, #tpu.memory_space<semaphore_mem>>) src(%arg44 : memref<4352xf32, #tpu.memory_space<vmem>>) dst(%dma_wait3A_331 : memref<4352xf32, #tpu.memory_space<hbm>>)
    return
  }
}

module attributes {stable_mosaic.version = 14 : i64} {
  func.func @_combine_body(%arg0: memref<4x32x4352xf32, #tpu.memory_space<vmem>>, %arg1: memref<4x32x4352xi32, #tpu.memory_space<vmem>>, %arg2: memref<4x32x4352xf32, #tpu.memory_space<vmem>>, %arg3: memref<4x32x4352xf32, #tpu.memory_space<vmem>>, %arg4: memref<4x32x4352xf32, #tpu.memory_space<vmem>>, %arg5: memref<4x256xi32, #tpu.memory_space<vmem>>, %arg6: memref<4x256xf32, #tpu.memory_space<vmem>>, %arg7: memref<4x256xf32, #tpu.memory_space<vmem>>) attributes {dimension_semantics = [], scalar_prefetch = 0 : i64, scratch_operands = 0 : i64, tpu.core_type = #tpu.core_type<tc>} {
    %get3A = arith.constant 0 : index
    %get3A_0 = arith.constant 0 : index
    %get3A_1 = arith.constant 0 : index
    %get3A_2 = vector.load %arg0[%get3A, %get3A_0, %get3A_1] : memref<4x32x4352xf32, #tpu.memory_space<vmem>>, vector<1x32x4352xf32>
    %get3A_3 = vector.shape_cast %get3A_2 : vector<1x32x4352xf32> to vector<32x4352xf32>
    %get3A_4 = arith.constant 0 : index
    %get3A_5 = arith.constant 0 : index
    %get3A_6 = arith.constant 0 : index
    %get3A_7 = vector.load %arg1[%get3A_4, %get3A_5, %get3A_6] : memref<4x32x4352xi32, #tpu.memory_space<vmem>>, vector<1x32x4352xi32>
    %get3A_8 = vector.shape_cast %get3A_7 : vector<1x32x4352xi32> to vector<32x4352xi32>
    %get3A_9 = arith.constant 0 : index
    %get3A_10 = arith.constant 0 : index
    %get3A_11 = arith.constant 0 : index
    %get3A_12 = vector.load %arg2[%get3A_9, %get3A_10, %get3A_11] : memref<4x32x4352xf32, #tpu.memory_space<vmem>>, vector<1x32x4352xf32>
    %get3A_13 = vector.shape_cast %get3A_12 : vector<1x32x4352xf32> to vector<32x4352xf32>
    %reduce_max3A = arith.constant dense<0xFF800000> : vector<4352xf32>
    %reduce_max3A_14 = vector.multi_reduction <maximumf>, %get3A_3, %reduce_max3A [0] : vector<32x4352xf32> to vector<4352xf32>
    %broadcast_in_dim3A = vector.shape_cast %reduce_max3A_14 : vector<4352xf32> to vector<1x4352xf32>
    %eq3A = vector.broadcast %broadcast_in_dim3A : vector<1x4352xf32> to vector<32x4352xf32>
    %eq3A_15 = arith.cmpf oeq, %get3A_3, %eq3A : vector<32x4352xf32>
    %jit3A = arith.constant 2147483647 : i32
    %broadcast_in_dim3A_16 = vector.broadcast %jit3A : i32 to vector<32x4352xi32>
    %select_n3A = arith.select %eq3A_15, %get3A_8, %broadcast_in_dim3A_16 : vector<32x4352xi1>, vector<32x4352xi32>
    %reduce_min3A = arith.constant dense<2147483647> : vector<4352xi32>
    %reduce_min3A_17 = vector.multi_reduction <minsi>, %select_n3A, %reduce_min3A [0] : vector<32x4352xi32> to vector<4352xi32>
    %broadcast_in_dim3A_18 = vector.shape_cast %reduce_min3A_17 : vector<4352xi32> to vector<1x4352xi32>
    %eq3A_19 = vector.broadcast %broadcast_in_dim3A_18 : vector<1x4352xi32> to vector<32x4352xi32>
    %eq3A_20 = arith.cmpi eq, %get3A_8, %eq3A_19 : vector<32x4352xi32>
    %and3A = arith.andi %eq3A_15, %eq3A_20 : vector<32x4352xi1>
    %jit3A_21 = arith.constant -3.000000e+38 : f32
    %broadcast_in_dim3A_22 = vector.broadcast %jit3A_21 : f32 to vector<32x4352xf32>
    %select_n3A_23 = arith.select %and3A, %get3A_13, %broadcast_in_dim3A_22 : vector<32x4352xi1>, vector<32x4352xf32>
    %reduce_max3A_24 = arith.constant dense<0xFF800000> : vector<4352xf32>
    %reduce_max3A_25 = vector.multi_reduction <maximumf>, %select_n3A_23, %reduce_max3A_24 [0] : vector<32x4352xf32> to vector<4352xf32>
    %broadcast_in_dim3A_26 = vector.shape_cast %reduce_max3A_25 : vector<4352xf32> to vector<1x4352xf32>
    %get3A_27 = arith.constant 0 : index
    %get3A_28 = arith.constant 0 : index
    %get3A_29 = arith.constant 0 : index
    %get3A_30 = vector.load %arg3[%get3A_27, %get3A_28, %get3A_29] : memref<4x32x4352xf32, #tpu.memory_space<vmem>>, vector<1x32x4352xf32>
    %get3A_31 = vector.shape_cast %get3A_30 : vector<1x32x4352xf32> to vector<32x4352xf32>
    %reduce_sum3A = arith.constant dense<0.000000e+00> : vector<4352xf32>
    %reduce_sum3A_32 = vector.multi_reduction <add>, %get3A_31, %reduce_sum3A [0] : vector<32x4352xf32> to vector<4352xf32>
    %broadcast_in_dim3A_33 = vector.shape_cast %reduce_sum3A_32 : vector<4352xf32> to vector<1x4352xf32>
    %get3A_34 = arith.constant 0 : index
    %get3A_35 = arith.constant 0 : index
    %get3A_36 = arith.constant 0 : index
    %get3A_37 = vector.load %arg4[%get3A_34, %get3A_35, %get3A_36] : memref<4x32x4352xf32, #tpu.memory_space<vmem>>, vector<1x32x4352xf32>
    %get3A_38 = vector.shape_cast %get3A_37 : vector<1x32x4352xf32> to vector<32x4352xf32>
    %reduce_sum3A_39 = arith.constant dense<0.000000e+00> : vector<4352xf32>
    %reduce_sum3A_40 = vector.multi_reduction <add>, %get3A_38, %reduce_sum3A_39 [0] : vector<32x4352xf32> to vector<4352xf32>
    %broadcast_in_dim3A_41 = vector.shape_cast %reduce_sum3A_40 : vector<4352xf32> to vector<1x4352xf32>
    %slice3A = vector.extract_strided_slice %broadcast_in_dim3A {offsets = [0, 0], sizes = [1, 256], strides = [1, 1]} : vector<1x4352xf32> to vector<1x256xf32>
    %slice3A_42 = vector.extract_strided_slice %broadcast_in_dim3A_18 {offsets = [0, 0], sizes = [1, 256], strides = [1, 1]} : vector<1x4352xi32> to vector<1x256xi32>
    %slice3A_43 = vector.extract_strided_slice %broadcast_in_dim3A_26 {offsets = [0, 0], sizes = [1, 256], strides = [1, 1]} : vector<1x4352xf32> to vector<1x256xf32>
    %slice3A_44 = vector.extract_strided_slice %broadcast_in_dim3A_33 {offsets = [0, 0], sizes = [1, 256], strides = [1, 1]} : vector<1x4352xf32> to vector<1x256xf32>
    %slice3A_45 = vector.extract_strided_slice %broadcast_in_dim3A_41 {offsets = [0, 0], sizes = [1, 256], strides = [1, 1]} : vector<1x4352xf32> to vector<1x256xf32>
    %slice3A_46 = vector.extract_strided_slice %broadcast_in_dim3A {offsets = [0, 272], sizes = [1, 256], strides = [1, 1]} : vector<1x4352xf32> to vector<1x256xf32>
    %slice3A_47 = vector.extract_strided_slice %broadcast_in_dim3A_18 {offsets = [0, 272], sizes = [1, 256], strides = [1, 1]} : vector<1x4352xi32> to vector<1x256xi32>
    %slice3A_48 = vector.extract_strided_slice %broadcast_in_dim3A_26 {offsets = [0, 272], sizes = [1, 256], strides = [1, 1]} : vector<1x4352xf32> to vector<1x256xf32>
    %slice3A_49 = vector.extract_strided_slice %broadcast_in_dim3A_33 {offsets = [0, 272], sizes = [1, 256], strides = [1, 1]} : vector<1x4352xf32> to vector<1x256xf32>
    %slice3A_50 = vector.extract_strided_slice %broadcast_in_dim3A_41 {offsets = [0, 272], sizes = [1, 256], strides = [1, 1]} : vector<1x4352xf32> to vector<1x256xf32>
    %slice3A_51 = vector.extract_strided_slice %broadcast_in_dim3A {offsets = [0, 544], sizes = [1, 256], strides = [1, 1]} : vector<1x4352xf32> to vector<1x256xf32>
    %slice3A_52 = vector.extract_strided_slice %broadcast_in_dim3A_18 {offsets = [0, 544], sizes = [1, 256], strides = [1, 1]} : vector<1x4352xi32> to vector<1x256xi32>
    %slice3A_53 = vector.extract_strided_slice %broadcast_in_dim3A_26 {offsets = [0, 544], sizes = [1, 256], strides = [1, 1]} : vector<1x4352xf32> to vector<1x256xf32>
    %slice3A_54 = vector.extract_strided_slice %broadcast_in_dim3A_33 {offsets = [0, 544], sizes = [1, 256], strides = [1, 1]} : vector<1x4352xf32> to vector<1x256xf32>
    %slice3A_55 = vector.extract_strided_slice %broadcast_in_dim3A_41 {offsets = [0, 544], sizes = [1, 256], strides = [1, 1]} : vector<1x4352xf32> to vector<1x256xf32>
    %slice3A_56 = vector.extract_strided_slice %broadcast_in_dim3A {offsets = [0, 816], sizes = [1, 256], strides = [1, 1]} : vector<1x4352xf32> to vector<1x256xf32>
    %slice3A_57 = vector.extract_strided_slice %broadcast_in_dim3A_18 {offsets = [0, 816], sizes = [1, 256], strides = [1, 1]} : vector<1x4352xi32> to vector<1x256xi32>
    %slice3A_58 = vector.extract_strided_slice %broadcast_in_dim3A_26 {offsets = [0, 816], sizes = [1, 256], strides = [1, 1]} : vector<1x4352xf32> to vector<1x256xf32>
    %slice3A_59 = vector.extract_strided_slice %broadcast_in_dim3A_33 {offsets = [0, 816], sizes = [1, 256], strides = [1, 1]} : vector<1x4352xf32> to vector<1x256xf32>
    %slice3A_60 = vector.extract_strided_slice %broadcast_in_dim3A_41 {offsets = [0, 816], sizes = [1, 256], strides = [1, 1]} : vector<1x4352xf32> to vector<1x256xf32>
    %slice3A_61 = vector.extract_strided_slice %broadcast_in_dim3A {offsets = [0, 1088], sizes = [1, 256], strides = [1, 1]} : vector<1x4352xf32> to vector<1x256xf32>
    %slice3A_62 = vector.extract_strided_slice %broadcast_in_dim3A_18 {offsets = [0, 1088], sizes = [1, 256], strides = [1, 1]} : vector<1x4352xi32> to vector<1x256xi32>
    %slice3A_63 = vector.extract_strided_slice %broadcast_in_dim3A_26 {offsets = [0, 1088], sizes = [1, 256], strides = [1, 1]} : vector<1x4352xf32> to vector<1x256xf32>
    %slice3A_64 = vector.extract_strided_slice %broadcast_in_dim3A_33 {offsets = [0, 1088], sizes = [1, 256], strides = [1, 1]} : vector<1x4352xf32> to vector<1x256xf32>
    %slice3A_65 = vector.extract_strided_slice %broadcast_in_dim3A_41 {offsets = [0, 1088], sizes = [1, 256], strides = [1, 1]} : vector<1x4352xf32> to vector<1x256xf32>
    %slice3A_66 = vector.extract_strided_slice %broadcast_in_dim3A {offsets = [0, 1360], sizes = [1, 256], strides = [1, 1]} : vector<1x4352xf32> to vector<1x256xf32>
    %slice3A_67 = vector.extract_strided_slice %broadcast_in_dim3A_18 {offsets = [0, 1360], sizes = [1, 256], strides = [1, 1]} : vector<1x4352xi32> to vector<1x256xi32>
    %slice3A_68 = vector.extract_strided_slice %broadcast_in_dim3A_26 {offsets = [0, 1360], sizes = [1, 256], strides = [1, 1]} : vector<1x4352xf32> to vector<1x256xf32>
    %slice3A_69 = vector.extract_strided_slice %broadcast_in_dim3A_33 {offsets = [0, 1360], sizes = [1, 256], strides = [1, 1]} : vector<1x4352xf32> to vector<1x256xf32>
    %slice3A_70 = vector.extract_strided_slice %broadcast_in_dim3A_41 {offsets = [0, 1360], sizes = [1, 256], strides = [1, 1]} : vector<1x4352xf32> to vector<1x256xf32>
    %slice3A_71 = vector.extract_strided_slice %broadcast_in_dim3A {offsets = [0, 1632], sizes = [1, 256], strides = [1, 1]} : vector<1x4352xf32> to vector<1x256xf32>
    %slice3A_72 = vector.extract_strided_slice %broadcast_in_dim3A_18 {offsets = [0, 1632], sizes = [1, 256], strides = [1, 1]} : vector<1x4352xi32> to vector<1x256xi32>
    %slice3A_73 = vector.extract_strided_slice %broadcast_in_dim3A_26 {offsets = [0, 1632], sizes = [1, 256], strides = [1, 1]} : vector<1x4352xf32> to vector<1x256xf32>
    %slice3A_74 = vector.extract_strided_slice %broadcast_in_dim3A_33 {offsets = [0, 1632], sizes = [1, 256], strides = [1, 1]} : vector<1x4352xf32> to vector<1x256xf32>
    %slice3A_75 = vector.extract_strided_slice %broadcast_in_dim3A_41 {offsets = [0, 1632], sizes = [1, 256], strides = [1, 1]} : vector<1x4352xf32> to vector<1x256xf32>
    %slice3A_76 = vector.extract_strided_slice %broadcast_in_dim3A {offsets = [0, 1904], sizes = [1, 256], strides = [1, 1]} : vector<1x4352xf32> to vector<1x256xf32>
    %slice3A_77 = vector.extract_strided_slice %broadcast_in_dim3A_18 {offsets = [0, 1904], sizes = [1, 256], strides = [1, 1]} : vector<1x4352xi32> to vector<1x256xi32>
    %slice3A_78 = vector.extract_strided_slice %broadcast_in_dim3A_26 {offsets = [0, 1904], sizes = [1, 256], strides = [1, 1]} : vector<1x4352xf32> to vector<1x256xf32>
    %slice3A_79 = vector.extract_strided_slice %broadcast_in_dim3A_33 {offsets = [0, 1904], sizes = [1, 256], strides = [1, 1]} : vector<1x4352xf32> to vector<1x256xf32>
    %slice3A_80 = vector.extract_strided_slice %broadcast_in_dim3A_41 {offsets = [0, 1904], sizes = [1, 256], strides = [1, 1]} : vector<1x4352xf32> to vector<1x256xf32>
    %slice3A_81 = vector.extract_strided_slice %broadcast_in_dim3A {offsets = [0, 2176], sizes = [1, 256], strides = [1, 1]} : vector<1x4352xf32> to vector<1x256xf32>
    %slice3A_82 = vector.extract_strided_slice %broadcast_in_dim3A_18 {offsets = [0, 2176], sizes = [1, 256], strides = [1, 1]} : vector<1x4352xi32> to vector<1x256xi32>
    %slice3A_83 = vector.extract_strided_slice %broadcast_in_dim3A_26 {offsets = [0, 2176], sizes = [1, 256], strides = [1, 1]} : vector<1x4352xf32> to vector<1x256xf32>
    %slice3A_84 = vector.extract_strided_slice %broadcast_in_dim3A_33 {offsets = [0, 2176], sizes = [1, 256], strides = [1, 1]} : vector<1x4352xf32> to vector<1x256xf32>
    %slice3A_85 = vector.extract_strided_slice %broadcast_in_dim3A_41 {offsets = [0, 2176], sizes = [1, 256], strides = [1, 1]} : vector<1x4352xf32> to vector<1x256xf32>
    %slice3A_86 = vector.extract_strided_slice %broadcast_in_dim3A {offsets = [0, 2448], sizes = [1, 256], strides = [1, 1]} : vector<1x4352xf32> to vector<1x256xf32>
    %slice3A_87 = vector.extract_strided_slice %broadcast_in_dim3A_18 {offsets = [0, 2448], sizes = [1, 256], strides = [1, 1]} : vector<1x4352xi32> to vector<1x256xi32>
    %slice3A_88 = vector.extract_strided_slice %broadcast_in_dim3A_26 {offsets = [0, 2448], sizes = [1, 256], strides = [1, 1]} : vector<1x4352xf32> to vector<1x256xf32>
    %slice3A_89 = vector.extract_strided_slice %broadcast_in_dim3A_33 {offsets = [0, 2448], sizes = [1, 256], strides = [1, 1]} : vector<1x4352xf32> to vector<1x256xf32>
    %slice3A_90 = vector.extract_strided_slice %broadcast_in_dim3A_41 {offsets = [0, 2448], sizes = [1, 256], strides = [1, 1]} : vector<1x4352xf32> to vector<1x256xf32>
    %slice3A_91 = vector.extract_strided_slice %broadcast_in_dim3A {offsets = [0, 2720], sizes = [1, 256], strides = [1, 1]} : vector<1x4352xf32> to vector<1x256xf32>
    %slice3A_92 = vector.extract_strided_slice %broadcast_in_dim3A_18 {offsets = [0, 2720], sizes = [1, 256], strides = [1, 1]} : vector<1x4352xi32> to vector<1x256xi32>
    %slice3A_93 = vector.extract_strided_slice %broadcast_in_dim3A_26 {offsets = [0, 2720], sizes = [1, 256], strides = [1, 1]} : vector<1x4352xf32> to vector<1x256xf32>
    %slice3A_94 = vector.extract_strided_slice %broadcast_in_dim3A_33 {offsets = [0, 2720], sizes = [1, 256], strides = [1, 1]} : vector<1x4352xf32> to vector<1x256xf32>
    %slice3A_95 = vector.extract_strided_slice %broadcast_in_dim3A_41 {offsets = [0, 2720], sizes = [1, 256], strides = [1, 1]} : vector<1x4352xf32> to vector<1x256xf32>
    %slice3A_96 = vector.extract_strided_slice %broadcast_in_dim3A {offsets = [0, 2992], sizes = [1, 256], strides = [1, 1]} : vector<1x4352xf32> to vector<1x256xf32>
    %slice3A_97 = vector.extract_strided_slice %broadcast_in_dim3A_18 {offsets = [0, 2992], sizes = [1, 256], strides = [1, 1]} : vector<1x4352xi32> to vector<1x256xi32>
    %slice3A_98 = vector.extract_strided_slice %broadcast_in_dim3A_26 {offsets = [0, 2992], sizes = [1, 256], strides = [1, 1]} : vector<1x4352xf32> to vector<1x256xf32>
    %slice3A_99 = vector.extract_strided_slice %broadcast_in_dim3A_33 {offsets = [0, 2992], sizes = [1, 256], strides = [1, 1]} : vector<1x4352xf32> to vector<1x256xf32>
    %slice3A_100 = vector.extract_strided_slice %broadcast_in_dim3A_41 {offsets = [0, 2992], sizes = [1, 256], strides = [1, 1]} : vector<1x4352xf32> to vector<1x256xf32>
    %slice3A_101 = vector.extract_strided_slice %broadcast_in_dim3A {offsets = [0, 3264], sizes = [1, 256], strides = [1, 1]} : vector<1x4352xf32> to vector<1x256xf32>
    %slice3A_102 = vector.extract_strided_slice %broadcast_in_dim3A_18 {offsets = [0, 3264], sizes = [1, 256], strides = [1, 1]} : vector<1x4352xi32> to vector<1x256xi32>
    %slice3A_103 = vector.extract_strided_slice %broadcast_in_dim3A_26 {offsets = [0, 3264], sizes = [1, 256], strides = [1, 1]} : vector<1x4352xf32> to vector<1x256xf32>
    %slice3A_104 = vector.extract_strided_slice %broadcast_in_dim3A_33 {offsets = [0, 3264], sizes = [1, 256], strides = [1, 1]} : vector<1x4352xf32> to vector<1x256xf32>
    %slice3A_105 = vector.extract_strided_slice %broadcast_in_dim3A_41 {offsets = [0, 3264], sizes = [1, 256], strides = [1, 1]} : vector<1x4352xf32> to vector<1x256xf32>
    %slice3A_106 = vector.extract_strided_slice %broadcast_in_dim3A {offsets = [0, 3536], sizes = [1, 256], strides = [1, 1]} : vector<1x4352xf32> to vector<1x256xf32>
    %slice3A_107 = vector.extract_strided_slice %broadcast_in_dim3A_18 {offsets = [0, 3536], sizes = [1, 256], strides = [1, 1]} : vector<1x4352xi32> to vector<1x256xi32>
    %slice3A_108 = vector.extract_strided_slice %broadcast_in_dim3A_26 {offsets = [0, 3536], sizes = [1, 256], strides = [1, 1]} : vector<1x4352xf32> to vector<1x256xf32>
    %slice3A_109 = vector.extract_strided_slice %broadcast_in_dim3A_33 {offsets = [0, 3536], sizes = [1, 256], strides = [1, 1]} : vector<1x4352xf32> to vector<1x256xf32>
    %slice3A_110 = vector.extract_strided_slice %broadcast_in_dim3A_41 {offsets = [0, 3536], sizes = [1, 256], strides = [1, 1]} : vector<1x4352xf32> to vector<1x256xf32>
    %slice3A_111 = vector.extract_strided_slice %broadcast_in_dim3A {offsets = [0, 3808], sizes = [1, 256], strides = [1, 1]} : vector<1x4352xf32> to vector<1x256xf32>
    %slice3A_112 = vector.extract_strided_slice %broadcast_in_dim3A_18 {offsets = [0, 3808], sizes = [1, 256], strides = [1, 1]} : vector<1x4352xi32> to vector<1x256xi32>
    %slice3A_113 = vector.extract_strided_slice %broadcast_in_dim3A_26 {offsets = [0, 3808], sizes = [1, 256], strides = [1, 1]} : vector<1x4352xf32> to vector<1x256xf32>
    %slice3A_114 = vector.extract_strided_slice %broadcast_in_dim3A_33 {offsets = [0, 3808], sizes = [1, 256], strides = [1, 1]} : vector<1x4352xf32> to vector<1x256xf32>
    %slice3A_115 = vector.extract_strided_slice %broadcast_in_dim3A_41 {offsets = [0, 3808], sizes = [1, 256], strides = [1, 1]} : vector<1x4352xf32> to vector<1x256xf32>
    %slice3A_116 = vector.extract_strided_slice %broadcast_in_dim3A {offsets = [0, 4080], sizes = [1, 256], strides = [1, 1]} : vector<1x4352xf32> to vector<1x256xf32>
    %slice3A_117 = vector.extract_strided_slice %broadcast_in_dim3A_18 {offsets = [0, 4080], sizes = [1, 256], strides = [1, 1]} : vector<1x4352xi32> to vector<1x256xi32>
    %slice3A_118 = vector.extract_strided_slice %broadcast_in_dim3A_26 {offsets = [0, 4080], sizes = [1, 256], strides = [1, 1]} : vector<1x4352xf32> to vector<1x256xf32>
    %slice3A_119 = vector.extract_strided_slice %broadcast_in_dim3A_33 {offsets = [0, 4080], sizes = [1, 256], strides = [1, 1]} : vector<1x4352xf32> to vector<1x256xf32>
    %slice3A_120 = vector.extract_strided_slice %broadcast_in_dim3A_41 {offsets = [0, 4080], sizes = [1, 256], strides = [1, 1]} : vector<1x4352xf32> to vector<1x256xf32>
    %max3A = arith.maximumf %slice3A, %slice3A_46 : vector<1x256xf32>
    %max3A_121 = arith.maximumf %max3A, %slice3A_51 : vector<1x256xf32>
    %max3A_122 = arith.maximumf %max3A_121, %slice3A_56 : vector<1x256xf32>
    %max3A_123 = arith.maximumf %max3A_122, %slice3A_61 : vector<1x256xf32>
    %max3A_124 = arith.maximumf %max3A_123, %slice3A_66 : vector<1x256xf32>
    %max3A_125 = arith.maximumf %max3A_124, %slice3A_71 : vector<1x256xf32>
    %max3A_126 = arith.maximumf %max3A_125, %slice3A_76 : vector<1x256xf32>
    %max3A_127 = arith.maximumf %max3A_126, %slice3A_81 : vector<1x256xf32>
    %max3A_128 = arith.maximumf %max3A_127, %slice3A_86 : vector<1x256xf32>
    %max3A_129 = arith.maximumf %max3A_128, %slice3A_91 : vector<1x256xf32>
    %max3A_130 = arith.maximumf %max3A_129, %slice3A_96 : vector<1x256xf32>
    %max3A_131 = arith.maximumf %max3A_130, %slice3A_101 : vector<1x256xf32>
    %max3A_132 = arith.maximumf %max3A_131, %slice3A_106 : vector<1x256xf32>
    %max3A_133 = arith.maximumf %max3A_132, %slice3A_111 : vector<1x256xf32>
    %max3A_134 = arith.maximumf %max3A_133, %slice3A_116 : vector<1x256xf32>
    %eq3A_135 = arith.cmpf oeq, %slice3A, %max3A_134 : vector<1x256xf32>
    %jit3A_136 = arith.constant 2147483647 : i32
    %broadcast_in_dim3A_137 = vector.broadcast %jit3A_136 : i32 to vector<1x256xi32>
    %select_n3A_138 = arith.select %eq3A_135, %slice3A_42, %broadcast_in_dim3A_137 : vector<1x256xi1>, vector<1x256xi32>
    %eq3A_139 = arith.cmpf oeq, %slice3A_46, %max3A_134 : vector<1x256xf32>
    %jit3A_140 = arith.constant 2147483647 : i32
    %broadcast_in_dim3A_141 = vector.broadcast %jit3A_140 : i32 to vector<1x256xi32>
    %select_n3A_142 = arith.select %eq3A_139, %slice3A_47, %broadcast_in_dim3A_141 : vector<1x256xi1>, vector<1x256xi32>
    %eq3A_143 = arith.cmpf oeq, %slice3A_51, %max3A_134 : vector<1x256xf32>
    %jit3A_144 = arith.constant 2147483647 : i32
    %broadcast_in_dim3A_145 = vector.broadcast %jit3A_144 : i32 to vector<1x256xi32>
    %select_n3A_146 = arith.select %eq3A_143, %slice3A_52, %broadcast_in_dim3A_145 : vector<1x256xi1>, vector<1x256xi32>
    %eq3A_147 = arith.cmpf oeq, %slice3A_56, %max3A_134 : vector<1x256xf32>
    %jit3A_148 = arith.constant 2147483647 : i32
    %broadcast_in_dim3A_149 = vector.broadcast %jit3A_148 : i32 to vector<1x256xi32>
    %select_n3A_150 = arith.select %eq3A_147, %slice3A_57, %broadcast_in_dim3A_149 : vector<1x256xi1>, vector<1x256xi32>
    %eq3A_151 = arith.cmpf oeq, %slice3A_61, %max3A_134 : vector<1x256xf32>
    %jit3A_152 = arith.constant 2147483647 : i32
    %broadcast_in_dim3A_153 = vector.broadcast %jit3A_152 : i32 to vector<1x256xi32>
    %select_n3A_154 = arith.select %eq3A_151, %slice3A_62, %broadcast_in_dim3A_153 : vector<1x256xi1>, vector<1x256xi32>
    %eq3A_155 = arith.cmpf oeq, %slice3A_66, %max3A_134 : vector<1x256xf32>
    %jit3A_156 = arith.constant 2147483647 : i32
    %broadcast_in_dim3A_157 = vector.broadcast %jit3A_156 : i32 to vector<1x256xi32>
    %select_n3A_158 = arith.select %eq3A_155, %slice3A_67, %broadcast_in_dim3A_157 : vector<1x256xi1>, vector<1x256xi32>
    %eq3A_159 = arith.cmpf oeq, %slice3A_71, %max3A_134 : vector<1x256xf32>
    %jit3A_160 = arith.constant 2147483647 : i32
    %broadcast_in_dim3A_161 = vector.broadcast %jit3A_160 : i32 to vector<1x256xi32>
    %select_n3A_162 = arith.select %eq3A_159, %slice3A_72, %broadcast_in_dim3A_161 : vector<1x256xi1>, vector<1x256xi32>
    %eq3A_163 = arith.cmpf oeq, %slice3A_76, %max3A_134 : vector<1x256xf32>
    %jit3A_164 = arith.constant 2147483647 : i32
    %broadcast_in_dim3A_165 = vector.broadcast %jit3A_164 : i32 to vector<1x256xi32>
    %select_n3A_166 = arith.select %eq3A_163, %slice3A_77, %broadcast_in_dim3A_165 : vector<1x256xi1>, vector<1x256xi32>
    %eq3A_167 = arith.cmpf oeq, %slice3A_81, %max3A_134 : vector<1x256xf32>
    %jit3A_168 = arith.constant 2147483647 : i32
    %broadcast_in_dim3A_169 = vector.broadcast %jit3A_168 : i32 to vector<1x256xi32>
    %select_n3A_170 = arith.select %eq3A_167, %slice3A_82, %broadcast_in_dim3A_169 : vector<1x256xi1>, vector<1x256xi32>
    %eq3A_171 = arith.cmpf oeq, %slice3A_86, %max3A_134 : vector<1x256xf32>
    %jit3A_172 = arith.constant 2147483647 : i32
    %broadcast_in_dim3A_173 = vector.broadcast %jit3A_172 : i32 to vector<1x256xi32>
    %select_n3A_174 = arith.select %eq3A_171, %slice3A_87, %broadcast_in_dim3A_173 : vector<1x256xi1>, vector<1x256xi32>
    %eq3A_175 = arith.cmpf oeq, %slice3A_91, %max3A_134 : vector<1x256xf32>
    %jit3A_176 = arith.constant 2147483647 : i32
    %broadcast_in_dim3A_177 = vector.broadcast %jit3A_176 : i32 to vector<1x256xi32>
    %select_n3A_178 = arith.select %eq3A_175, %slice3A_92, %broadcast_in_dim3A_177 : vector<1x256xi1>, vector<1x256xi32>
    %eq3A_179 = arith.cmpf oeq, %slice3A_96, %max3A_134 : vector<1x256xf32>
    %jit3A_180 = arith.constant 2147483647 : i32
    %broadcast_in_dim3A_181 = vector.broadcast %jit3A_180 : i32 to vector<1x256xi32>
    %select_n3A_182 = arith.select %eq3A_179, %slice3A_97, %broadcast_in_dim3A_181 : vector<1x256xi1>, vector<1x256xi32>
    %eq3A_183 = arith.cmpf oeq, %slice3A_101, %max3A_134 : vector<1x256xf32>
    %jit3A_184 = arith.constant 2147483647 : i32
    %broadcast_in_dim3A_185 = vector.broadcast %jit3A_184 : i32 to vector<1x256xi32>
    %select_n3A_186 = arith.select %eq3A_183, %slice3A_102, %broadcast_in_dim3A_185 : vector<1x256xi1>, vector<1x256xi32>
    %eq3A_187 = arith.cmpf oeq, %slice3A_106, %max3A_134 : vector<1x256xf32>
    %jit3A_188 = arith.constant 2147483647 : i32
    %broadcast_in_dim3A_189 = vector.broadcast %jit3A_188 : i32 to vector<1x256xi32>
    %select_n3A_190 = arith.select %eq3A_187, %slice3A_107, %broadcast_in_dim3A_189 : vector<1x256xi1>, vector<1x256xi32>
    %eq3A_191 = arith.cmpf oeq, %slice3A_111, %max3A_134 : vector<1x256xf32>
    %jit3A_192 = arith.constant 2147483647 : i32
    %broadcast_in_dim3A_193 = vector.broadcast %jit3A_192 : i32 to vector<1x256xi32>
    %select_n3A_194 = arith.select %eq3A_191, %slice3A_112, %broadcast_in_dim3A_193 : vector<1x256xi1>, vector<1x256xi32>
    %eq3A_195 = arith.cmpf oeq, %slice3A_116, %max3A_134 : vector<1x256xf32>
    %jit3A_196 = arith.constant 2147483647 : i32
    %broadcast_in_dim3A_197 = vector.broadcast %jit3A_196 : i32 to vector<1x256xi32>
    %select_n3A_198 = arith.select %eq3A_195, %slice3A_117, %broadcast_in_dim3A_197 : vector<1x256xi1>, vector<1x256xi32>
    %min3A = arith.minsi %select_n3A_138, %select_n3A_142 : vector<1x256xi32>
    %min3A_199 = arith.minsi %min3A, %select_n3A_146 : vector<1x256xi32>
    %min3A_200 = arith.minsi %min3A_199, %select_n3A_150 : vector<1x256xi32>
    %min3A_201 = arith.minsi %min3A_200, %select_n3A_154 : vector<1x256xi32>
    %min3A_202 = arith.minsi %min3A_201, %select_n3A_158 : vector<1x256xi32>
    %min3A_203 = arith.minsi %min3A_202, %select_n3A_162 : vector<1x256xi32>
    %min3A_204 = arith.minsi %min3A_203, %select_n3A_166 : vector<1x256xi32>
    %min3A_205 = arith.minsi %min3A_204, %select_n3A_170 : vector<1x256xi32>
    %min3A_206 = arith.minsi %min3A_205, %select_n3A_174 : vector<1x256xi32>
    %min3A_207 = arith.minsi %min3A_206, %select_n3A_178 : vector<1x256xi32>
    %min3A_208 = arith.minsi %min3A_207, %select_n3A_182 : vector<1x256xi32>
    %min3A_209 = arith.minsi %min3A_208, %select_n3A_186 : vector<1x256xi32>
    %min3A_210 = arith.minsi %min3A_209, %select_n3A_190 : vector<1x256xi32>
    %min3A_211 = arith.minsi %min3A_210, %select_n3A_194 : vector<1x256xi32>
    %min3A_212 = arith.minsi %min3A_211, %select_n3A_198 : vector<1x256xi32>
    %eq3A_213 = arith.cmpf oeq, %slice3A, %max3A_134 : vector<1x256xf32>
    %eq3A_214 = arith.cmpi eq, %slice3A_42, %min3A_212 : vector<1x256xi32>
    %and3A_215 = arith.andi %eq3A_213, %eq3A_214 : vector<1x256xi1>
    %jit3A_216 = arith.constant -3.000000e+38 : f32
    %broadcast_in_dim3A_217 = vector.broadcast %jit3A_216 : f32 to vector<1x256xf32>
    %select_n3A_218 = arith.select %and3A_215, %slice3A_43, %broadcast_in_dim3A_217 : vector<1x256xi1>, vector<1x256xf32>
    %eq3A_219 = arith.cmpf oeq, %slice3A_46, %max3A_134 : vector<1x256xf32>
    %eq3A_220 = arith.cmpi eq, %slice3A_47, %min3A_212 : vector<1x256xi32>
    %and3A_221 = arith.andi %eq3A_219, %eq3A_220 : vector<1x256xi1>
    %jit3A_222 = arith.constant -3.000000e+38 : f32
    %broadcast_in_dim3A_223 = vector.broadcast %jit3A_222 : f32 to vector<1x256xf32>
    %select_n3A_224 = arith.select %and3A_221, %slice3A_48, %broadcast_in_dim3A_223 : vector<1x256xi1>, vector<1x256xf32>
    %eq3A_225 = arith.cmpf oeq, %slice3A_51, %max3A_134 : vector<1x256xf32>
    %eq3A_226 = arith.cmpi eq, %slice3A_52, %min3A_212 : vector<1x256xi32>
    %and3A_227 = arith.andi %eq3A_225, %eq3A_226 : vector<1x256xi1>
    %jit3A_228 = arith.constant -3.000000e+38 : f32
    %broadcast_in_dim3A_229 = vector.broadcast %jit3A_228 : f32 to vector<1x256xf32>
    %select_n3A_230 = arith.select %and3A_227, %slice3A_53, %broadcast_in_dim3A_229 : vector<1x256xi1>, vector<1x256xf32>
    %eq3A_231 = arith.cmpf oeq, %slice3A_56, %max3A_134 : vector<1x256xf32>
    %eq3A_232 = arith.cmpi eq, %slice3A_57, %min3A_212 : vector<1x256xi32>
    %and3A_233 = arith.andi %eq3A_231, %eq3A_232 : vector<1x256xi1>
    %jit3A_234 = arith.constant -3.000000e+38 : f32
    %broadcast_in_dim3A_235 = vector.broadcast %jit3A_234 : f32 to vector<1x256xf32>
    %select_n3A_236 = arith.select %and3A_233, %slice3A_58, %broadcast_in_dim3A_235 : vector<1x256xi1>, vector<1x256xf32>
    %eq3A_237 = arith.cmpf oeq, %slice3A_61, %max3A_134 : vector<1x256xf32>
    %eq3A_238 = arith.cmpi eq, %slice3A_62, %min3A_212 : vector<1x256xi32>
    %and3A_239 = arith.andi %eq3A_237, %eq3A_238 : vector<1x256xi1>
    %jit3A_240 = arith.constant -3.000000e+38 : f32
    %broadcast_in_dim3A_241 = vector.broadcast %jit3A_240 : f32 to vector<1x256xf32>
    %select_n3A_242 = arith.select %and3A_239, %slice3A_63, %broadcast_in_dim3A_241 : vector<1x256xi1>, vector<1x256xf32>
    %eq3A_243 = arith.cmpf oeq, %slice3A_66, %max3A_134 : vector<1x256xf32>
    %eq3A_244 = arith.cmpi eq, %slice3A_67, %min3A_212 : vector<1x256xi32>
    %and3A_245 = arith.andi %eq3A_243, %eq3A_244 : vector<1x256xi1>
    %jit3A_246 = arith.constant -3.000000e+38 : f32
    %broadcast_in_dim3A_247 = vector.broadcast %jit3A_246 : f32 to vector<1x256xf32>
    %select_n3A_248 = arith.select %and3A_245, %slice3A_68, %broadcast_in_dim3A_247 : vector<1x256xi1>, vector<1x256xf32>
    %eq3A_249 = arith.cmpf oeq, %slice3A_71, %max3A_134 : vector<1x256xf32>
    %eq3A_250 = arith.cmpi eq, %slice3A_72, %min3A_212 : vector<1x256xi32>
    %and3A_251 = arith.andi %eq3A_249, %eq3A_250 : vector<1x256xi1>
    %jit3A_252 = arith.constant -3.000000e+38 : f32
    %broadcast_in_dim3A_253 = vector.broadcast %jit3A_252 : f32 to vector<1x256xf32>
    %select_n3A_254 = arith.select %and3A_251, %slice3A_73, %broadcast_in_dim3A_253 : vector<1x256xi1>, vector<1x256xf32>
    %eq3A_255 = arith.cmpf oeq, %slice3A_76, %max3A_134 : vector<1x256xf32>
    %eq3A_256 = arith.cmpi eq, %slice3A_77, %min3A_212 : vector<1x256xi32>
    %and3A_257 = arith.andi %eq3A_255, %eq3A_256 : vector<1x256xi1>
    %jit3A_258 = arith.constant -3.000000e+38 : f32
    %broadcast_in_dim3A_259 = vector.broadcast %jit3A_258 : f32 to vector<1x256xf32>
    %select_n3A_260 = arith.select %and3A_257, %slice3A_78, %broadcast_in_dim3A_259 : vector<1x256xi1>, vector<1x256xf32>
    %eq3A_261 = arith.cmpf oeq, %slice3A_81, %max3A_134 : vector<1x256xf32>
    %eq3A_262 = arith.cmpi eq, %slice3A_82, %min3A_212 : vector<1x256xi32>
    %and3A_263 = arith.andi %eq3A_261, %eq3A_262 : vector<1x256xi1>
    %jit3A_264 = arith.constant -3.000000e+38 : f32
    %broadcast_in_dim3A_265 = vector.broadcast %jit3A_264 : f32 to vector<1x256xf32>
    %select_n3A_266 = arith.select %and3A_263, %slice3A_83, %broadcast_in_dim3A_265 : vector<1x256xi1>, vector<1x256xf32>
    %eq3A_267 = arith.cmpf oeq, %slice3A_86, %max3A_134 : vector<1x256xf32>
    %eq3A_268 = arith.cmpi eq, %slice3A_87, %min3A_212 : vector<1x256xi32>
    %and3A_269 = arith.andi %eq3A_267, %eq3A_268 : vector<1x256xi1>
    %jit3A_270 = arith.constant -3.000000e+38 : f32
    %broadcast_in_dim3A_271 = vector.broadcast %jit3A_270 : f32 to vector<1x256xf32>
    %select_n3A_272 = arith.select %and3A_269, %slice3A_88, %broadcast_in_dim3A_271 : vector<1x256xi1>, vector<1x256xf32>
    %eq3A_273 = arith.cmpf oeq, %slice3A_91, %max3A_134 : vector<1x256xf32>
    %eq3A_274 = arith.cmpi eq, %slice3A_92, %min3A_212 : vector<1x256xi32>
    %and3A_275 = arith.andi %eq3A_273, %eq3A_274 : vector<1x256xi1>
    %jit3A_276 = arith.constant -3.000000e+38 : f32
    %broadcast_in_dim3A_277 = vector.broadcast %jit3A_276 : f32 to vector<1x256xf32>
    %select_n3A_278 = arith.select %and3A_275, %slice3A_93, %broadcast_in_dim3A_277 : vector<1x256xi1>, vector<1x256xf32>
    %eq3A_279 = arith.cmpf oeq, %slice3A_96, %max3A_134 : vector<1x256xf32>
    %eq3A_280 = arith.cmpi eq, %slice3A_97, %min3A_212 : vector<1x256xi32>
    %and3A_281 = arith.andi %eq3A_279, %eq3A_280 : vector<1x256xi1>
    %jit3A_282 = arith.constant -3.000000e+38 : f32
    %broadcast_in_dim3A_283 = vector.broadcast %jit3A_282 : f32 to vector<1x256xf32>
    %select_n3A_284 = arith.select %and3A_281, %slice3A_98, %broadcast_in_dim3A_283 : vector<1x256xi1>, vector<1x256xf32>
    %eq3A_285 = arith.cmpf oeq, %slice3A_101, %max3A_134 : vector<1x256xf32>
    %eq3A_286 = arith.cmpi eq, %slice3A_102, %min3A_212 : vector<1x256xi32>
    %and3A_287 = arith.andi %eq3A_285, %eq3A_286 : vector<1x256xi1>
    %jit3A_288 = arith.constant -3.000000e+38 : f32
    %broadcast_in_dim3A_289 = vector.broadcast %jit3A_288 : f32 to vector<1x256xf32>
    %select_n3A_290 = arith.select %and3A_287, %slice3A_103, %broadcast_in_dim3A_289 : vector<1x256xi1>, vector<1x256xf32>
    %eq3A_291 = arith.cmpf oeq, %slice3A_106, %max3A_134 : vector<1x256xf32>
    %eq3A_292 = arith.cmpi eq, %slice3A_107, %min3A_212 : vector<1x256xi32>
    %and3A_293 = arith.andi %eq3A_291, %eq3A_292 : vector<1x256xi1>
    %jit3A_294 = arith.constant -3.000000e+38 : f32
    %broadcast_in_dim3A_295 = vector.broadcast %jit3A_294 : f32 to vector<1x256xf32>
    %select_n3A_296 = arith.select %and3A_293, %slice3A_108, %broadcast_in_dim3A_295 : vector<1x256xi1>, vector<1x256xf32>
    %eq3A_297 = arith.cmpf oeq, %slice3A_111, %max3A_134 : vector<1x256xf32>
    %eq3A_298 = arith.cmpi eq, %slice3A_112, %min3A_212 : vector<1x256xi32>
    %and3A_299 = arith.andi %eq3A_297, %eq3A_298 : vector<1x256xi1>
    %jit3A_300 = arith.constant -3.000000e+38 : f32
    %broadcast_in_dim3A_301 = vector.broadcast %jit3A_300 : f32 to vector<1x256xf32>
    %select_n3A_302 = arith.select %and3A_299, %slice3A_113, %broadcast_in_dim3A_301 : vector<1x256xi1>, vector<1x256xf32>
    %eq3A_303 = arith.cmpf oeq, %slice3A_116, %max3A_134 : vector<1x256xf32>
    %eq3A_304 = arith.cmpi eq, %slice3A_117, %min3A_212 : vector<1x256xi32>
    %and3A_305 = arith.andi %eq3A_303, %eq3A_304 : vector<1x256xi1>
    %jit3A_306 = arith.constant -3.000000e+38 : f32
    %broadcast_in_dim3A_307 = vector.broadcast %jit3A_306 : f32 to vector<1x256xf32>
    %select_n3A_308 = arith.select %and3A_305, %slice3A_118, %broadcast_in_dim3A_307 : vector<1x256xi1>, vector<1x256xf32>
    %max3A_309 = arith.maximumf %select_n3A_218, %select_n3A_224 : vector<1x256xf32>
    %max3A_310 = arith.maximumf %max3A_309, %select_n3A_230 : vector<1x256xf32>
    %max3A_311 = arith.maximumf %max3A_310, %select_n3A_236 : vector<1x256xf32>
    %max3A_312 = arith.maximumf %max3A_311, %select_n3A_242 : vector<1x256xf32>
    %max3A_313 = arith.maximumf %max3A_312, %select_n3A_248 : vector<1x256xf32>
    %max3A_314 = arith.maximumf %max3A_313, %select_n3A_254 : vector<1x256xf32>
    %max3A_315 = arith.maximumf %max3A_314, %select_n3A_260 : vector<1x256xf32>
    %max3A_316 = arith.maximumf %max3A_315, %select_n3A_266 : vector<1x256xf32>
    %max3A_317 = arith.maximumf %max3A_316, %select_n3A_272 : vector<1x256xf32>
    %max3A_318 = arith.maximumf %max3A_317, %select_n3A_278 : vector<1x256xf32>
    %max3A_319 = arith.maximumf %max3A_318, %select_n3A_284 : vector<1x256xf32>
    %max3A_320 = arith.maximumf %max3A_319, %select_n3A_290 : vector<1x256xf32>
    %max3A_321 = arith.maximumf %max3A_320, %select_n3A_296 : vector<1x256xf32>
    %max3A_322 = arith.maximumf %max3A_321, %select_n3A_302 : vector<1x256xf32>
    %max3A_323 = arith.maximumf %max3A_322, %select_n3A_308 : vector<1x256xf32>
    %add3A = arith.constant 0.000000e+00 : f32
    %add3A_324 = vector.broadcast %add3A : f32 to vector<1x256xf32>
    %add3A_325 = arith.addf %add3A_324, %slice3A_44 : vector<1x256xf32>
    %add3A_326 = arith.addf %add3A_325, %slice3A_49 : vector<1x256xf32>
    %add3A_327 = arith.addf %add3A_326, %slice3A_54 : vector<1x256xf32>
    %add3A_328 = arith.addf %add3A_327, %slice3A_59 : vector<1x256xf32>
    %add3A_329 = arith.addf %add3A_328, %slice3A_64 : vector<1x256xf32>
    %add3A_330 = arith.addf %add3A_329, %slice3A_69 : vector<1x256xf32>
    %add3A_331 = arith.addf %add3A_330, %slice3A_74 : vector<1x256xf32>
    %add3A_332 = arith.addf %add3A_331, %slice3A_79 : vector<1x256xf32>
    %add3A_333 = arith.addf %add3A_332, %slice3A_84 : vector<1x256xf32>
    %add3A_334 = arith.addf %add3A_333, %slice3A_89 : vector<1x256xf32>
    %add3A_335 = arith.addf %add3A_334, %slice3A_94 : vector<1x256xf32>
    %add3A_336 = arith.addf %add3A_335, %slice3A_99 : vector<1x256xf32>
    %add3A_337 = arith.addf %add3A_336, %slice3A_104 : vector<1x256xf32>
    %add3A_338 = arith.addf %add3A_337, %slice3A_109 : vector<1x256xf32>
    %add3A_339 = arith.addf %add3A_338, %slice3A_114 : vector<1x256xf32>
    %add3A_340 = arith.addf %add3A_339, %slice3A_119 : vector<1x256xf32>
    %add3A_341 = arith.constant 0.000000e+00 : f32
    %add3A_342 = vector.broadcast %add3A_341 : f32 to vector<1x256xf32>
    %add3A_343 = arith.addf %add3A_342, %slice3A_45 : vector<1x256xf32>
    %add3A_344 = arith.addf %add3A_343, %slice3A_50 : vector<1x256xf32>
    %add3A_345 = arith.addf %add3A_344, %slice3A_55 : vector<1x256xf32>
    %add3A_346 = arith.addf %add3A_345, %slice3A_60 : vector<1x256xf32>
    %add3A_347 = arith.addf %add3A_346, %slice3A_65 : vector<1x256xf32>
    %add3A_348 = arith.addf %add3A_347, %slice3A_70 : vector<1x256xf32>
    %add3A_349 = arith.addf %add3A_348, %slice3A_75 : vector<1x256xf32>
    %add3A_350 = arith.addf %add3A_349, %slice3A_80 : vector<1x256xf32>
    %add3A_351 = arith.addf %add3A_350, %slice3A_85 : vector<1x256xf32>
    %add3A_352 = arith.addf %add3A_351, %slice3A_90 : vector<1x256xf32>
    %add3A_353 = arith.addf %add3A_352, %slice3A_95 : vector<1x256xf32>
    %add3A_354 = arith.addf %add3A_353, %slice3A_100 : vector<1x256xf32>
    %add3A_355 = arith.addf %add3A_354, %slice3A_105 : vector<1x256xf32>
    %add3A_356 = arith.addf %add3A_355, %slice3A_110 : vector<1x256xf32>
    %add3A_357 = arith.addf %add3A_356, %slice3A_115 : vector<1x256xf32>
    %add3A_358 = arith.addf %add3A_357, %slice3A_120 : vector<1x256xf32>
    %log3A = math.log %add3A_340 : vector<1x256xf32>
    %swap3A = arith.constant 0 : index
    %swap3A_359 = arith.constant 0 : index
    %swap3A_360 = vector.load %arg5[%swap3A, %swap3A_359] : memref<4x256xi32, #tpu.memory_space<vmem>>, vector<1x256xi32>
    tpu.vector_store %arg5[%swap3A, %swap3A_359], %min3A_212 {strides = array<i32>} : memref<4x256xi32, #tpu.memory_space<vmem>>, vector<1x256xi32>,
    %sub3A = arith.subf %max3A_323, %log3A : vector<1x256xf32>
    %swap3A_361 = arith.constant 0 : index
    %swap3A_362 = arith.constant 0 : index
    %swap3A_363 = vector.load %arg6[%swap3A_361, %swap3A_362] : memref<4x256xf32, #tpu.memory_space<vmem>>, vector<1x256xf32>
    tpu.vector_store %arg6[%swap3A_361, %swap3A_362], %sub3A {strides = array<i32>} : memref<4x256xf32, #tpu.memory_space<vmem>>, vector<1x256xf32>,
    %div3A = arith.divf %add3A_358, %add3A_340 : vector<1x256xf32>
    %sub3A_364 = arith.subf %div3A, %log3A : vector<1x256xf32>
    %swap3A_365 = arith.constant 0 : index
    %swap3A_366 = arith.constant 0 : index
    %swap3A_367 = vector.load %arg7[%swap3A_365, %swap3A_366] : memref<4x256xf32, #tpu.memory_space<vmem>>, vector<1x256xf32>
    tpu.vector_store %arg7[%swap3A_365, %swap3A_366], %sub3A_364 {strides = array<i32>} : memref<4x256xf32, #tpu.memory_space<vmem>>, vector<1x256xf32>,
    %get3A_368 = arith.constant 1 : index
    %get3A_369 = arith.constant 0 : index
    %get3A_370 = arith.constant 0 : index
    %get3A_371 = vector.load %arg0[%get3A_368, %get3A_369, %get3A_370] : memref<4x32x4352xf32, #tpu.memory_space<vmem>>, vector<1x32x4352xf32>
    %get3A_372 = vector.shape_cast %get3A_371 : vector<1x32x4352xf32> to vector<32x4352xf32>
    %get3A_373 = arith.constant 1 : index
    %get3A_374 = arith.constant 0 : index
    %get3A_375 = arith.constant 0 : index
    %get3A_376 = vector.load %arg1[%get3A_373, %get3A_374, %get3A_375] : memref<4x32x4352xi32, #tpu.memory_space<vmem>>, vector<1x32x4352xi32>
    %get3A_377 = vector.shape_cast %get3A_376 : vector<1x32x4352xi32> to vector<32x4352xi32>
    %get3A_378 = arith.constant 1 : index
    %get3A_379 = arith.constant 0 : index
    %get3A_380 = arith.constant 0 : index
    %get3A_381 = vector.load %arg2[%get3A_378, %get3A_379, %get3A_380] : memref<4x32x4352xf32, #tpu.memory_space<vmem>>, vector<1x32x4352xf32>
    %get3A_382 = vector.shape_cast %get3A_381 : vector<1x32x4352xf32> to vector<32x4352xf32>
    %reduce_max3A_383 = arith.constant dense<0xFF800000> : vector<4352xf32>
    %reduce_max3A_384 = vector.multi_reduction <maximumf>, %get3A_372, %reduce_max3A_383 [0] : vector<32x4352xf32> to vector<4352xf32>
    %broadcast_in_dim3A_385 = vector.shape_cast %reduce_max3A_384 : vector<4352xf32> to vector<1x4352xf32>
    %eq3A_386 = vector.broadcast %broadcast_in_dim3A_385 : vector<1x4352xf32> to vector<32x4352xf32>
    %eq3A_387 = arith.cmpf oeq, %get3A_372, %eq3A_386 : vector<32x4352xf32>
    %jit3A_388 = arith.constant 2147483647 : i32
    %broadcast_in_dim3A_389 = vector.broadcast %jit3A_388 : i32 to vector<32x4352xi32>
    %select_n3A_390 = arith.select %eq3A_387, %get3A_377, %broadcast_in_dim3A_389 : vector<32x4352xi1>, vector<32x4352xi32>
    %reduce_min3A_391 = arith.constant dense<2147483647> : vector<4352xi32>
    %reduce_min3A_392 = vector.multi_reduction <minsi>, %select_n3A_390, %reduce_min3A_391 [0] : vector<32x4352xi32> to vector<4352xi32>
    %broadcast_in_dim3A_393 = vector.shape_cast %reduce_min3A_392 : vector<4352xi32> to vector<1x4352xi32>
    %eq3A_394 = vector.broadcast %broadcast_in_dim3A_393 : vector<1x4352xi32> to vector<32x4352xi32>
    %eq3A_395 = arith.cmpi eq, %get3A_377, %eq3A_394 : vector<32x4352xi32>
    %and3A_396 = arith.andi %eq3A_387, %eq3A_395 : vector<32x4352xi1>
    %jit3A_397 = arith.constant -3.000000e+38 : f32
    %broadcast_in_dim3A_398 = vector.broadcast %jit3A_397 : f32 to vector<32x4352xf32>
    %select_n3A_399 = arith.select %and3A_396, %get3A_382, %broadcast_in_dim3A_398 : vector<32x4352xi1>, vector<32x4352xf32>
    %reduce_max3A_400 = arith.constant dense<0xFF800000> : vector<4352xf32>
    %reduce_max3A_401 = vector.multi_reduction <maximumf>, %select_n3A_399, %reduce_max3A_400 [0] : vector<32x4352xf32> to vector<4352xf32>
    %broadcast_in_dim3A_402 = vector.shape_cast %reduce_max3A_401 : vector<4352xf32> to vector<1x4352xf32>
    %get3A_403 = arith.constant 1 : index
    %get3A_404 = arith.constant 0 : index
    %get3A_405 = arith.constant 0 : index
    %get3A_406 = vector.load %arg3[%get3A_403, %get3A_404, %get3A_405] : memref<4x32x4352xf32, #tpu.memory_space<vmem>>, vector<1x32x4352xf32>
    %get3A_407 = vector.shape_cast %get3A_406 : vector<1x32x4352xf32> to vector<32x4352xf32>
    %reduce_sum3A_408 = arith.constant dense<0.000000e+00> : vector<4352xf32>
    %reduce_sum3A_409 = vector.multi_reduction <add>, %get3A_407, %reduce_sum3A_408 [0] : vector<32x4352xf32> to vector<4352xf32>
    %broadcast_in_dim3A_410 = vector.shape_cast %reduce_sum3A_409 : vector<4352xf32> to vector<1x4352xf32>
    %get3A_411 = arith.constant 1 : index
    %get3A_412 = arith.constant 0 : index
    %get3A_413 = arith.constant 0 : index
    %get3A_414 = vector.load %arg4[%get3A_411, %get3A_412, %get3A_413] : memref<4x32x4352xf32, #tpu.memory_space<vmem>>, vector<1x32x4352xf32>
    %get3A_415 = vector.shape_cast %get3A_414 : vector<1x32x4352xf32> to vector<32x4352xf32>
    %reduce_sum3A_416 = arith.constant dense<0.000000e+00> : vector<4352xf32>
    %reduce_sum3A_417 = vector.multi_reduction <add>, %get3A_415, %reduce_sum3A_416 [0] : vector<32x4352xf32> to vector<4352xf32>
    %broadcast_in_dim3A_418 = vector.shape_cast %reduce_sum3A_417 : vector<4352xf32> to vector<1x4352xf32>
    %slice3A_419 = vector.extract_strided_slice %broadcast_in_dim3A_385 {offsets = [0, 0], sizes = [1, 256], strides = [1, 1]} : vector<1x4352xf32> to vector<1x256xf32>
    %slice3A_420 = vector.extract_strided_slice %broadcast_in_dim3A_393 {offsets = [0, 0], sizes = [1, 256], strides = [1, 1]} : vector<1x4352xi32> to vector<1x256xi32>
    %slice3A_421 = vector.extract_strided_slice %broadcast_in_dim3A_402 {offsets = [0, 0], sizes = [1, 256], strides = [1, 1]} : vector<1x4352xf32> to vector<1x256xf32>
    %slice3A_422 = vector.extract_strided_slice %broadcast_in_dim3A_410 {offsets = [0, 0], sizes = [1, 256], strides = [1, 1]} : vector<1x4352xf32> to vector<1x256xf32>
    %slice3A_423 = vector.extract_strided_slice %broadcast_in_dim3A_418 {offsets = [0, 0], sizes = [1, 256], strides = [1, 1]} : vector<1x4352xf32> to vector<1x256xf32>
    %slice3A_424 = vector.extract_strided_slice %broadcast_in_dim3A_385 {offsets = [0, 272], sizes = [1, 256], strides = [1, 1]} : vector<1x4352xf32> to vector<1x256xf32>
    %slice3A_425 = vector.extract_strided_slice %broadcast_in_dim3A_393 {offsets = [0, 272], sizes = [1, 256], strides = [1, 1]} : vector<1x4352xi32> to vector<1x256xi32>
    %slice3A_426 = vector.extract_strided_slice %broadcast_in_dim3A_402 {offsets = [0, 272], sizes = [1, 256], strides = [1, 1]} : vector<1x4352xf32> to vector<1x256xf32>
    %slice3A_427 = vector.extract_strided_slice %broadcast_in_dim3A_410 {offsets = [0, 272], sizes = [1, 256], strides = [1, 1]} : vector<1x4352xf32> to vector<1x256xf32>
    %slice3A_428 = vector.extract_strided_slice %broadcast_in_dim3A_418 {offsets = [0, 272], sizes = [1, 256], strides = [1, 1]} : vector<1x4352xf32> to vector<1x256xf32>
    %slice3A_429 = vector.extract_strided_slice %broadcast_in_dim3A_385 {offsets = [0, 544], sizes = [1, 256], strides = [1, 1]} : vector<1x4352xf32> to vector<1x256xf32>
    %slice3A_430 = vector.extract_strided_slice %broadcast_in_dim3A_393 {offsets = [0, 544], sizes = [1, 256], strides = [1, 1]} : vector<1x4352xi32> to vector<1x256xi32>
    %slice3A_431 = vector.extract_strided_slice %broadcast_in_dim3A_402 {offsets = [0, 544], sizes = [1, 256], strides = [1, 1]} : vector<1x4352xf32> to vector<1x256xf32>
    %slice3A_432 = vector.extract_strided_slice %broadcast_in_dim3A_410 {offsets = [0, 544], sizes = [1, 256], strides = [1, 1]} : vector<1x4352xf32> to vector<1x256xf32>
    %slice3A_433 = vector.extract_strided_slice %broadcast_in_dim3A_418 {offsets = [0, 544], sizes = [1, 256], strides = [1, 1]} : vector<1x4352xf32> to vector<1x256xf32>
    %slice3A_434 = vector.extract_strided_slice %broadcast_in_dim3A_385 {offsets = [0, 816], sizes = [1, 256], strides = [1, 1]} : vector<1x4352xf32> to vector<1x256xf32>
    %slice3A_435 = vector.extract_strided_slice %broadcast_in_dim3A_393 {offsets = [0, 816], sizes = [1, 256], strides = [1, 1]} : vector<1x4352xi32> to vector<1x256xi32>
    %slice3A_436 = vector.extract_strided_slice %broadcast_in_dim3A_402 {offsets = [0, 816], sizes = [1, 256], strides = [1, 1]} : vector<1x4352xf32> to vector<1x256xf32>
    %slice3A_437 = vector.extract_strided_slice %broadcast_in_dim3A_410 {offsets = [0, 816], sizes = [1, 256], strides = [1, 1]} : vector<1x4352xf32> to vector<1x256xf32>
    %slice3A_438 = vector.extract_strided_slice %broadcast_in_dim3A_418 {offsets = [0, 816], sizes = [1, 256], strides = [1, 1]} : vector<1x4352xf32> to vector<1x256xf32>
    %slice3A_439 = vector.extract_strided_slice %broadcast_in_dim3A_385 {offsets = [0, 1088], sizes = [1, 256], strides = [1, 1]} : vector<1x4352xf32> to vector<1x256xf32>
    %slice3A_440 = vector.extract_strided_slice %broadcast_in_dim3A_393 {offsets = [0, 1088], sizes = [1, 256], strides = [1, 1]} : vector<1x4352xi32> to vector<1x256xi32>
    %slice3A_441 = vector.extract_strided_slice %broadcast_in_dim3A_402 {offsets = [0, 1088], sizes = [1, 256], strides = [1, 1]} : vector<1x4352xf32> to vector<1x256xf32>
    %slice3A_442 = vector.extract_strided_slice %broadcast_in_dim3A_410 {offsets = [0, 1088], sizes = [1, 256], strides = [1, 1]} : vector<1x4352xf32> to vector<1x256xf32>
    %slice3A_443 = vector.extract_strided_slice %broadcast_in_dim3A_418 {offsets = [0, 1088], sizes = [1, 256], strides = [1, 1]} : vector<1x4352xf32> to vector<1x256xf32>
    %slice3A_444 = vector.extract_strided_slice %broadcast_in_dim3A_385 {offsets = [0, 1360], sizes = [1, 256], strides = [1, 1]} : vector<1x4352xf32> to vector<1x256xf32>
    %slice3A_445 = vector.extract_strided_slice %broadcast_in_dim3A_393 {offsets = [0, 1360], sizes = [1, 256], strides = [1, 1]} : vector<1x4352xi32> to vector<1x256xi32>
    %slice3A_446 = vector.extract_strided_slice %broadcast_in_dim3A_402 {offsets = [0, 1360], sizes = [1, 256], strides = [1, 1]} : vector<1x4352xf32> to vector<1x256xf32>
    %slice3A_447 = vector.extract_strided_slice %broadcast_in_dim3A_410 {offsets = [0, 1360], sizes = [1, 256], strides = [1, 1]} : vector<1x4352xf32> to vector<1x256xf32>
    %slice3A_448 = vector.extract_strided_slice %broadcast_in_dim3A_418 {offsets = [0, 1360], sizes = [1, 256], strides = [1, 1]} : vector<1x4352xf32> to vector<1x256xf32>
    %slice3A_449 = vector.extract_strided_slice %broadcast_in_dim3A_385 {offsets = [0, 1632], sizes = [1, 256], strides = [1, 1]} : vector<1x4352xf32> to vector<1x256xf32>
    %slice3A_450 = vector.extract_strided_slice %broadcast_in_dim3A_393 {offsets = [0, 1632], sizes = [1, 256], strides = [1, 1]} : vector<1x4352xi32> to vector<1x256xi32>
    %slice3A_451 = vector.extract_strided_slice %broadcast_in_dim3A_402 {offsets = [0, 1632], sizes = [1, 256], strides = [1, 1]} : vector<1x4352xf32> to vector<1x256xf32>
    %slice3A_452 = vector.extract_strided_slice %broadcast_in_dim3A_410 {offsets = [0, 1632], sizes = [1, 256], strides = [1, 1]} : vector<1x4352xf32> to vector<1x256xf32>
    %slice3A_453 = vector.extract_strided_slice %broadcast_in_dim3A_418 {offsets = [0, 1632], sizes = [1, 256], strides = [1, 1]} : vector<1x4352xf32> to vector<1x256xf32>
    %slice3A_454 = vector.extract_strided_slice %broadcast_in_dim3A_385 {offsets = [0, 1904], sizes = [1, 256], strides = [1, 1]} : vector<1x4352xf32> to vector<1x256xf32>
    %slice3A_455 = vector.extract_strided_slice %broadcast_in_dim3A_393 {offsets = [0, 1904], sizes = [1, 256], strides = [1, 1]} : vector<1x4352xi32> to vector<1x256xi32>
    %slice3A_456 = vector.extract_strided_slice %broadcast_in_dim3A_402 {offsets = [0, 1904], sizes = [1, 256], strides = [1, 1]} : vector<1x4352xf32> to vector<1x256xf32>
    %slice3A_457 = vector.extract_strided_slice %broadcast_in_dim3A_410 {offsets = [0, 1904], sizes = [1, 256], strides = [1, 1]} : vector<1x4352xf32> to vector<1x256xf32>
    %slice3A_458 = vector.extract_strided_slice %broadcast_in_dim3A_418 {offsets = [0, 1904], sizes = [1, 256], strides = [1, 1]} : vector<1x4352xf32> to vector<1x256xf32>
    %slice3A_459 = vector.extract_strided_slice %broadcast_in_dim3A_385 {offsets = [0, 2176], sizes = [1, 256], strides = [1, 1]} : vector<1x4352xf32> to vector<1x256xf32>
    %slice3A_460 = vector.extract_strided_slice %broadcast_in_dim3A_393 {offsets = [0, 2176], sizes = [1, 256], strides = [1, 1]} : vector<1x4352xi32> to vector<1x256xi32>
    %slice3A_461 = vector.extract_strided_slice %broadcast_in_dim3A_402 {offsets = [0, 2176], sizes = [1, 256], strides = [1, 1]} : vector<1x4352xf32> to vector<1x256xf32>
    %slice3A_462 = vector.extract_strided_slice %broadcast_in_dim3A_410 {offsets = [0, 2176], sizes = [1, 256], strides = [1, 1]} : vector<1x4352xf32> to vector<1x256xf32>
    %slice3A_463 = vector.extract_strided_slice %broadcast_in_dim3A_418 {offsets = [0, 2176], sizes = [1, 256], strides = [1, 1]} : vector<1x4352xf32> to vector<1x256xf32>
    %slice3A_464 = vector.extract_strided_slice %broadcast_in_dim3A_385 {offsets = [0, 2448], sizes = [1, 256], strides = [1, 1]} : vector<1x4352xf32> to vector<1x256xf32>
    %slice3A_465 = vector.extract_strided_slice %broadcast_in_dim3A_393 {offsets = [0, 2448], sizes = [1, 256], strides = [1, 1]} : vector<1x4352xi32> to vector<1x256xi32>
    %slice3A_466 = vector.extract_strided_slice %broadcast_in_dim3A_402 {offsets = [0, 2448], sizes = [1, 256], strides = [1, 1]} : vector<1x4352xf32> to vector<1x256xf32>
    %slice3A_467 = vector.extract_strided_slice %broadcast_in_dim3A_410 {offsets = [0, 2448], sizes = [1, 256], strides = [1, 1]} : vector<1x4352xf32> to vector<1x256xf32>
    %slice3A_468 = vector.extract_strided_slice %broadcast_in_dim3A_418 {offsets = [0, 2448], sizes = [1, 256], strides = [1, 1]} : vector<1x4352xf32> to vector<1x256xf32>
    %slice3A_469 = vector.extract_strided_slice %broadcast_in_dim3A_385 {offsets = [0, 2720], sizes = [1, 256], strides = [1, 1]} : vector<1x4352xf32> to vector<1x256xf32>
    %slice3A_470 = vector.extract_strided_slice %broadcast_in_dim3A_393 {offsets = [0, 2720], sizes = [1, 256], strides = [1, 1]} : vector<1x4352xi32> to vector<1x256xi32>
    %slice3A_471 = vector.extract_strided_slice %broadcast_in_dim3A_402 {offsets = [0, 2720], sizes = [1, 256], strides = [1, 1]} : vector<1x4352xf32> to vector<1x256xf32>
    %slice3A_472 = vector.extract_strided_slice %broadcast_in_dim3A_410 {offsets = [0, 2720], sizes = [1, 256], strides = [1, 1]} : vector<1x4352xf32> to vector<1x256xf32>
    %slice3A_473 = vector.extract_strided_slice %broadcast_in_dim3A_418 {offsets = [0, 2720], sizes = [1, 256], strides = [1, 1]} : vector<1x4352xf32> to vector<1x256xf32>
    %slice3A_474 = vector.extract_strided_slice %broadcast_in_dim3A_385 {offsets = [0, 2992], sizes = [1, 256], strides = [1, 1]} : vector<1x4352xf32> to vector<1x256xf32>
    %slice3A_475 = vector.extract_strided_slice %broadcast_in_dim3A_393 {offsets = [0, 2992], sizes = [1, 256], strides = [1, 1]} : vector<1x4352xi32> to vector<1x256xi32>
    %slice3A_476 = vector.extract_strided_slice %broadcast_in_dim3A_402 {offsets = [0, 2992], sizes = [1, 256], strides = [1, 1]} : vector<1x4352xf32> to vector<1x256xf32>
    %slice3A_477 = vector.extract_strided_slice %broadcast_in_dim3A_410 {offsets = [0, 2992], sizes = [1, 256], strides = [1, 1]} : vector<1x4352xf32> to vector<1x256xf32>
    %slice3A_478 = vector.extract_strided_slice %broadcast_in_dim3A_418 {offsets = [0, 2992], sizes = [1, 256], strides = [1, 1]} : vector<1x4352xf32> to vector<1x256xf32>
    %slice3A_479 = vector.extract_strided_slice %broadcast_in_dim3A_385 {offsets = [0, 3264], sizes = [1, 256], strides = [1, 1]} : vector<1x4352xf32> to vector<1x256xf32>
    %slice3A_480 = vector.extract_strided_slice %broadcast_in_dim3A_393 {offsets = [0, 3264], sizes = [1, 256], strides = [1, 1]} : vector<1x4352xi32> to vector<1x256xi32>
    %slice3A_481 = vector.extract_strided_slice %broadcast_in_dim3A_402 {offsets = [0, 3264], sizes = [1, 256], strides = [1, 1]} : vector<1x4352xf32> to vector<1x256xf32>
    %slice3A_482 = vector.extract_strided_slice %broadcast_in_dim3A_410 {offsets = [0, 3264], sizes = [1, 256], strides = [1, 1]} : vector<1x4352xf32> to vector<1x256xf32>
    %slice3A_483 = vector.extract_strided_slice %broadcast_in_dim3A_418 {offsets = [0, 3264], sizes = [1, 256], strides = [1, 1]} : vector<1x4352xf32> to vector<1x256xf32>
    %slice3A_484 = vector.extract_strided_slice %broadcast_in_dim3A_385 {offsets = [0, 3536], sizes = [1, 256], strides = [1, 1]} : vector<1x4352xf32> to vector<1x256xf32>
    %slice3A_485 = vector.extract_strided_slice %broadcast_in_dim3A_393 {offsets = [0, 3536], sizes = [1, 256], strides = [1, 1]} : vector<1x4352xi32> to vector<1x256xi32>
    %slice3A_486 = vector.extract_strided_slice %broadcast_in_dim3A_402 {offsets = [0, 3536], sizes = [1, 256], strides = [1, 1]} : vector<1x4352xf32> to vector<1x256xf32>
    %slice3A_487 = vector.extract_strided_slice %broadcast_in_dim3A_410 {offsets = [0, 3536], sizes = [1, 256], strides = [1, 1]} : vector<1x4352xf32> to vector<1x256xf32>
    %slice3A_488 = vector.extract_strided_slice %broadcast_in_dim3A_418 {offsets = [0, 3536], sizes = [1, 256], strides = [1, 1]} : vector<1x4352xf32> to vector<1x256xf32>
    %slice3A_489 = vector.extract_strided_slice %broadcast_in_dim3A_385 {offsets = [0, 3808], sizes = [1, 256], strides = [1, 1]} : vector<1x4352xf32> to vector<1x256xf32>
    %slice3A_490 = vector.extract_strided_slice %broadcast_in_dim3A_393 {offsets = [0, 3808], sizes = [1, 256], strides = [1, 1]} : vector<1x4352xi32> to vector<1x256xi32>
    %slice3A_491 = vector.extract_strided_slice %broadcast_in_dim3A_402 {offsets = [0, 3808], sizes = [1, 256], strides = [1, 1]} : vector<1x4352xf32> to vector<1x256xf32>
    %slice3A_492 = vector.extract_strided_slice %broadcast_in_dim3A_410 {offsets = [0, 3808], sizes = [1, 256], strides = [1, 1]} : vector<1x4352xf32> to vector<1x256xf32>
    %slice3A_493 = vector.extract_strided_slice %broadcast_in_dim3A_418 {offsets = [0, 3808], sizes = [1, 256], strides = [1, 1]} : vector<1x4352xf32> to vector<1x256xf32>
    %slice3A_494 = vector.extract_strided_slice %broadcast_in_dim3A_385 {offsets = [0, 4080], sizes = [1, 256], strides = [1, 1]} : vector<1x4352xf32> to vector<1x256xf32>
    %slice3A_495 = vector.extract_strided_slice %broadcast_in_dim3A_393 {offsets = [0, 4080], sizes = [1, 256], strides = [1, 1]} : vector<1x4352xi32> to vector<1x256xi32>
    %slice3A_496 = vector.extract_strided_slice %broadcast_in_dim3A_402 {offsets = [0, 4080], sizes = [1, 256], strides = [1, 1]} : vector<1x4352xf32> to vector<1x256xf32>
    %slice3A_497 = vector.extract_strided_slice %broadcast_in_dim3A_410 {offsets = [0, 4080], sizes = [1, 256], strides = [1, 1]} : vector<1x4352xf32> to vector<1x256xf32>
    %slice3A_498 = vector.extract_strided_slice %broadcast_in_dim3A_418 {offsets = [0, 4080], sizes = [1, 256], strides = [1, 1]} : vector<1x4352xf32> to vector<1x256xf32>
    %max3A_499 = arith.maximumf %slice3A_419, %slice3A_424 : vector<1x256xf32>
    %max3A_500 = arith.maximumf %max3A_499, %slice3A_429 : vector<1x256xf32>
    %max3A_501 = arith.maximumf %max3A_500, %slice3A_434 : vector<1x256xf32>
    %max3A_502 = arith.maximumf %max3A_501, %slice3A_439 : vector<1x256xf32>
    %max3A_503 = arith.maximumf %max3A_502, %slice3A_444 : vector<1x256xf32>
    %max3A_504 = arith.maximumf %max3A_503, %slice3A_449 : vector<1x256xf32>
    %max3A_505 = arith.maximumf %max3A_504, %slice3A_454 : vector<1x256xf32>
    %max3A_506 = arith.maximumf %max3A_505, %slice3A_459 : vector<1x256xf32>
    %max3A_507 = arith.maximumf %max3A_506, %slice3A_464 : vector<1x256xf32>
    %max3A_508 = arith.maximumf %max3A_507, %slice3A_469 : vector<1x256xf32>
    %max3A_509 = arith.maximumf %max3A_508, %slice3A_474 : vector<1x256xf32>
    %max3A_510 = arith.maximumf %max3A_509, %slice3A_479 : vector<1x256xf32>
    %max3A_511 = arith.maximumf %max3A_510, %slice3A_484 : vector<1x256xf32>
    %max3A_512 = arith.maximumf %max3A_511, %slice3A_489 : vector<1x256xf32>
    %max3A_513 = arith.maximumf %max3A_512, %slice3A_494 : vector<1x256xf32>
    %eq3A_514 = arith.cmpf oeq, %slice3A_419, %max3A_513 : vector<1x256xf32>
    %jit3A_515 = arith.constant 2147483647 : i32
    %broadcast_in_dim3A_516 = vector.broadcast %jit3A_515 : i32 to vector<1x256xi32>
    %select_n3A_517 = arith.select %eq3A_514, %slice3A_420, %broadcast_in_dim3A_516 : vector<1x256xi1>, vector<1x256xi32>
    %eq3A_518 = arith.cmpf oeq, %slice3A_424, %max3A_513 : vector<1x256xf32>
    %jit3A_519 = arith.constant 2147483647 : i32
    %broadcast_in_dim3A_520 = vector.broadcast %jit3A_519 : i32 to vector<1x256xi32>
    %select_n3A_521 = arith.select %eq3A_518, %slice3A_425, %broadcast_in_dim3A_520 : vector<1x256xi1>, vector<1x256xi32>
    %eq3A_522 = arith.cmpf oeq, %slice3A_429, %max3A_513 : vector<1x256xf32>
    %jit3A_523 = arith.constant 2147483647 : i32
    %broadcast_in_dim3A_524 = vector.broadcast %jit3A_523 : i32 to vector<1x256xi32>
    %select_n3A_525 = arith.select %eq3A_522, %slice3A_430, %broadcast_in_dim3A_524 : vector<1x256xi1>, vector<1x256xi32>
    %eq3A_526 = arith.cmpf oeq, %slice3A_434, %max3A_513 : vector<1x256xf32>
    %jit3A_527 = arith.constant 2147483647 : i32
    %broadcast_in_dim3A_528 = vector.broadcast %jit3A_527 : i32 to vector<1x256xi32>
    %select_n3A_529 = arith.select %eq3A_526, %slice3A_435, %broadcast_in_dim3A_528 : vector<1x256xi1>, vector<1x256xi32>
    %eq3A_530 = arith.cmpf oeq, %slice3A_439, %max3A_513 : vector<1x256xf32>
    %jit3A_531 = arith.constant 2147483647 : i32
    %broadcast_in_dim3A_532 = vector.broadcast %jit3A_531 : i32 to vector<1x256xi32>
    %select_n3A_533 = arith.select %eq3A_530, %slice3A_440, %broadcast_in_dim3A_532 : vector<1x256xi1>, vector<1x256xi32>
    %eq3A_534 = arith.cmpf oeq, %slice3A_444, %max3A_513 : vector<1x256xf32>
    %jit3A_535 = arith.constant 2147483647 : i32
    %broadcast_in_dim3A_536 = vector.broadcast %jit3A_535 : i32 to vector<1x256xi32>
    %select_n3A_537 = arith.select %eq3A_534, %slice3A_445, %broadcast_in_dim3A_536 : vector<1x256xi1>, vector<1x256xi32>
    %eq3A_538 = arith.cmpf oeq, %slice3A_449, %max3A_513 : vector<1x256xf32>
    %jit3A_539 = arith.constant 2147483647 : i32
    %broadcast_in_dim3A_540 = vector.broadcast %jit3A_539 : i32 to vector<1x256xi32>
    %select_n3A_541 = arith.select %eq3A_538, %slice3A_450, %broadcast_in_dim3A_540 : vector<1x256xi1>, vector<1x256xi32>
    %eq3A_542 = arith.cmpf oeq, %slice3A_454, %max3A_513 : vector<1x256xf32>
    %jit3A_543 = arith.constant 2147483647 : i32
    %broadcast_in_dim3A_544 = vector.broadcast %jit3A_543 : i32 to vector<1x256xi32>
    %select_n3A_545 = arith.select %eq3A_542, %slice3A_455, %broadcast_in_dim3A_544 : vector<1x256xi1>, vector<1x256xi32>
    %eq3A_546 = arith.cmpf oeq, %slice3A_459, %max3A_513 : vector<1x256xf32>
    %jit3A_547 = arith.constant 2147483647 : i32
    %broadcast_in_dim3A_548 = vector.broadcast %jit3A_547 : i32 to vector<1x256xi32>
    %select_n3A_549 = arith.select %eq3A_546, %slice3A_460, %broadcast_in_dim3A_548 : vector<1x256xi1>, vector<1x256xi32>
    %eq3A_550 = arith.cmpf oeq, %slice3A_464, %max3A_513 : vector<1x256xf32>
    %jit3A_551 = arith.constant 2147483647 : i32
    %broadcast_in_dim3A_552 = vector.broadcast %jit3A_551 : i32 to vector<1x256xi32>
    %select_n3A_553 = arith.select %eq3A_550, %slice3A_465, %broadcast_in_dim3A_552 : vector<1x256xi1>, vector<1x256xi32>
    %eq3A_554 = arith.cmpf oeq, %slice3A_469, %max3A_513 : vector<1x256xf32>
    %jit3A_555 = arith.constant 2147483647 : i32
    %broadcast_in_dim3A_556 = vector.broadcast %jit3A_555 : i32 to vector<1x256xi32>
    %select_n3A_557 = arith.select %eq3A_554, %slice3A_470, %broadcast_in_dim3A_556 : vector<1x256xi1>, vector<1x256xi32>
    %eq3A_558 = arith.cmpf oeq, %slice3A_474, %max3A_513 : vector<1x256xf32>
    %jit3A_559 = arith.constant 2147483647 : i32
    %broadcast_in_dim3A_560 = vector.broadcast %jit3A_559 : i32 to vector<1x256xi32>
    %select_n3A_561 = arith.select %eq3A_558, %slice3A_475, %broadcast_in_dim3A_560 : vector<1x256xi1>, vector<1x256xi32>
    %eq3A_562 = arith.cmpf oeq, %slice3A_479, %max3A_513 : vector<1x256xf32>
    %jit3A_563 = arith.constant 2147483647 : i32
    %broadcast_in_dim3A_564 = vector.broadcast %jit3A_563 : i32 to vector<1x256xi32>
    %select_n3A_565 = arith.select %eq3A_562, %slice3A_480, %broadcast_in_dim3A_564 : vector<1x256xi1>, vector<1x256xi32>
    %eq3A_566 = arith.cmpf oeq, %slice3A_484, %max3A_513 : vector<1x256xf32>
    %jit3A_567 = arith.constant 2147483647 : i32
    %broadcast_in_dim3A_568 = vector.broadcast %jit3A_567 : i32 to vector<1x256xi32>
    %select_n3A_569 = arith.select %eq3A_566, %slice3A_485, %broadcast_in_dim3A_568 : vector<1x256xi1>, vector<1x256xi32>
    %eq3A_570 = arith.cmpf oeq, %slice3A_489, %max3A_513 : vector<1x256xf32>
    %jit3A_571 = arith.constant 2147483647 : i32
    %broadcast_in_dim3A_572 = vector.broadcast %jit3A_571 : i32 to vector<1x256xi32>
    %select_n3A_573 = arith.select %eq3A_570, %slice3A_490, %broadcast_in_dim3A_572 : vector<1x256xi1>, vector<1x256xi32>
    %eq3A_574 = arith.cmpf oeq, %slice3A_494, %max3A_513 : vector<1x256xf32>
    %jit3A_575 = arith.constant 2147483647 : i32
    %broadcast_in_dim3A_576 = vector.broadcast %jit3A_575 : i32 to vector<1x256xi32>
    %select_n3A_577 = arith.select %eq3A_574, %slice3A_495, %broadcast_in_dim3A_576 : vector<1x256xi1>, vector<1x256xi32>
    %min3A_578 = arith.minsi %select_n3A_517, %select_n3A_521 : vector<1x256xi32>
    %min3A_579 = arith.minsi %min3A_578, %select_n3A_525 : vector<1x256xi32>
    %min3A_580 = arith.minsi %min3A_579, %select_n3A_529 : vector<1x256xi32>
    %min3A_581 = arith.minsi %min3A_580, %select_n3A_533 : vector<1x256xi32>
    %min3A_582 = arith.minsi %min3A_581, %select_n3A_537 : vector<1x256xi32>
    %min3A_583 = arith.minsi %min3A_582, %select_n3A_541 : vector<1x256xi32>
    %min3A_584 = arith.minsi %min3A_583, %select_n3A_545 : vector<1x256xi32>
    %min3A_585 = arith.minsi %min3A_584, %select_n3A_549 : vector<1x256xi32>
    %min3A_586 = arith.minsi %min3A_585, %select_n3A_553 : vector<1x256xi32>
    %min3A_587 = arith.minsi %min3A_586, %select_n3A_557 : vector<1x256xi32>
    %min3A_588 = arith.minsi %min3A_587, %select_n3A_561 : vector<1x256xi32>
    %min3A_589 = arith.minsi %min3A_588, %select_n3A_565 : vector<1x256xi32>
    %min3A_590 = arith.minsi %min3A_589, %select_n3A_569 : vector<1x256xi32>
    %min3A_591 = arith.minsi %min3A_590, %select_n3A_573 : vector<1x256xi32>
    %min3A_592 = arith.minsi %min3A_591, %select_n3A_577 : vector<1x256xi32>
    %eq3A_593 = arith.cmpf oeq, %slice3A_419, %max3A_513 : vector<1x256xf32>
    %eq3A_594 = arith.cmpi eq, %slice3A_420, %min3A_592 : vector<1x256xi32>
    %and3A_595 = arith.andi %eq3A_593, %eq3A_594 : vector<1x256xi1>
    %jit3A_596 = arith.constant -3.000000e+38 : f32
    %broadcast_in_dim3A_597 = vector.broadcast %jit3A_596 : f32 to vector<1x256xf32>
    %select_n3A_598 = arith.select %and3A_595, %slice3A_421, %broadcast_in_dim3A_597 : vector<1x256xi1>, vector<1x256xf32>
    %eq3A_599 = arith.cmpf oeq, %slice3A_424, %max3A_513 : vector<1x256xf32>
    %eq3A_600 = arith.cmpi eq, %slice3A_425, %min3A_592 : vector<1x256xi32>
    %and3A_601 = arith.andi %eq3A_599, %eq3A_600 : vector<1x256xi1>
    %jit3A_602 = arith.constant -3.000000e+38 : f32
    %broadcast_in_dim3A_603 = vector.broadcast %jit3A_602 : f32 to vector<1x256xf32>
    %select_n3A_604 = arith.select %and3A_601, %slice3A_426, %broadcast_in_dim3A_603 : vector<1x256xi1>, vector<1x256xf32>
    %eq3A_605 = arith.cmpf oeq, %slice3A_429, %max3A_513 : vector<1x256xf32>
    %eq3A_606 = arith.cmpi eq, %slice3A_430, %min3A_592 : vector<1x256xi32>
    %and3A_607 = arith.andi %eq3A_605, %eq3A_606 : vector<1x256xi1>
    %jit3A_608 = arith.constant -3.000000e+38 : f32
    %broadcast_in_dim3A_609 = vector.broadcast %jit3A_608 : f32 to vector<1x256xf32>
    %select_n3A_610 = arith.select %and3A_607, %slice3A_431, %broadcast_in_dim3A_609 : vector<1x256xi1>, vector<1x256xf32>
    %eq3A_611 = arith.cmpf oeq, %slice3A_434, %max3A_513 : vector<1x256xf32>
    %eq3A_612 = arith.cmpi eq, %slice3A_435, %min3A_592 : vector<1x256xi32>
    %and3A_613 = arith.andi %eq3A_611, %eq3A_612 : vector<1x256xi1>
    %jit3A_614 = arith.constant -3.000000e+38 : f32
    %broadcast_in_dim3A_615 = vector.broadcast %jit3A_614 : f32 to vector<1x256xf32>
    %select_n3A_616 = arith.select %and3A_613, %slice3A_436, %broadcast_in_dim3A_615 : vector<1x256xi1>, vector<1x256xf32>
    %eq3A_617 = arith.cmpf oeq, %slice3A_439, %max3A_513 : vector<1x256xf32>
    %eq3A_618 = arith.cmpi eq, %slice3A_440, %min3A_592 : vector<1x256xi32>
    %and3A_619 = arith.andi %eq3A_617, %eq3A_618 : vector<1x256xi1>
    %jit3A_620 = arith.constant -3.000000e+38 : f32
    %broadcast_in_dim3A_621 = vector.broadcast %jit3A_620 : f32 to vector<1x256xf32>
    %select_n3A_622 = arith.select %and3A_619, %slice3A_441, %broadcast_in_dim3A_621 : vector<1x256xi1>, vector<1x256xf32>
    %eq3A_623 = arith.cmpf oeq, %slice3A_444, %max3A_513 : vector<1x256xf32>
    %eq3A_624 = arith.cmpi eq, %slice3A_445, %min3A_592 : vector<1x256xi32>
    %and3A_625 = arith.andi %eq3A_623, %eq3A_624 : vector<1x256xi1>
    %jit3A_626 = arith.constant -3.000000e+38 : f32
    %broadcast_in_dim3A_627 = vector.broadcast %jit3A_626 : f32 to vector<1x256xf32>
    %select_n3A_628 = arith.select %and3A_625, %slice3A_446, %broadcast_in_dim3A_627 : vector<1x256xi1>, vector<1x256xf32>
    %eq3A_629 = arith.cmpf oeq, %slice3A_449, %max3A_513 : vector<1x256xf32>
    %eq3A_630 = arith.cmpi eq, %slice3A_450, %min3A_592 : vector<1x256xi32>
    %and3A_631 = arith.andi %eq3A_629, %eq3A_630 : vector<1x256xi1>
    %jit3A_632 = arith.constant -3.000000e+38 : f32
    %broadcast_in_dim3A_633 = vector.broadcast %jit3A_632 : f32 to vector<1x256xf32>
    %select_n3A_634 = arith.select %and3A_631, %slice3A_451, %broadcast_in_dim3A_633 : vector<1x256xi1>, vector<1x256xf32>
    %eq3A_635 = arith.cmpf oeq, %slice3A_454, %max3A_513 : vector<1x256xf32>
    %eq3A_636 = arith.cmpi eq, %slice3A_455, %min3A_592 : vector<1x256xi32>
    %and3A_637 = arith.andi %eq3A_635, %eq3A_636 : vector<1x256xi1>
    %jit3A_638 = arith.constant -3.000000e+38 : f32
    %broadcast_in_dim3A_639 = vector.broadcast %jit3A_638 : f32 to vector<1x256xf32>
    %select_n3A_640 = arith.select %and3A_637, %slice3A_456, %broadcast_in_dim3A_639 : vector<1x256xi1>, vector<1x256xf32>
    %eq3A_641 = arith.cmpf oeq, %slice3A_459, %max3A_513 : vector<1x256xf32>
    %eq3A_642 = arith.cmpi eq, %slice3A_460, %min3A_592 : vector<1x256xi32>
    %and3A_643 = arith.andi %eq3A_641, %eq3A_642 : vector<1x256xi1>
    %jit3A_644 = arith.constant -3.000000e+38 : f32
    %broadcast_in_dim3A_645 = vector.broadcast %jit3A_644 : f32 to vector<1x256xf32>
    %select_n3A_646 = arith.select %and3A_643, %slice3A_461, %broadcast_in_dim3A_645 : vector<1x256xi1>, vector<1x256xf32>
    %eq3A_647 = arith.cmpf oeq, %slice3A_464, %max3A_513 : vector<1x256xf32>
    %eq3A_648 = arith.cmpi eq, %slice3A_465, %min3A_592 : vector<1x256xi32>
    %and3A_649 = arith.andi %eq3A_647, %eq3A_648 : vector<1x256xi1>
    %jit3A_650 = arith.constant -3.000000e+38 : f32
    %broadcast_in_dim3A_651 = vector.broadcast %jit3A_650 : f32 to vector<1x256xf32>
    %select_n3A_652 = arith.select %and3A_649, %slice3A_466, %broadcast_in_dim3A_651 : vector<1x256xi1>, vector<1x256xf32>
    %eq3A_653 = arith.cmpf oeq, %slice3A_469, %max3A_513 : vector<1x256xf32>
    %eq3A_654 = arith.cmpi eq, %slice3A_470, %min3A_592 : vector<1x256xi32>
    %and3A_655 = arith.andi %eq3A_653, %eq3A_654 : vector<1x256xi1>
    %jit3A_656 = arith.constant -3.000000e+38 : f32
    %broadcast_in_dim3A_657 = vector.broadcast %jit3A_656 : f32 to vector<1x256xf32>
    %select_n3A_658 = arith.select %and3A_655, %slice3A_471, %broadcast_in_dim3A_657 : vector<1x256xi1>, vector<1x256xf32>
    %eq3A_659 = arith.cmpf oeq, %slice3A_474, %max3A_513 : vector<1x256xf32>
    %eq3A_660 = arith.cmpi eq, %slice3A_475, %min3A_592 : vector<1x256xi32>
    %and3A_661 = arith.andi %eq3A_659, %eq3A_660 : vector<1x256xi1>
    %jit3A_662 = arith.constant -3.000000e+38 : f32
    %broadcast_in_dim3A_663 = vector.broadcast %jit3A_662 : f32 to vector<1x256xf32>
    %select_n3A_664 = arith.select %and3A_661, %slice3A_476, %broadcast_in_dim3A_663 : vector<1x256xi1>, vector<1x256xf32>
    %eq3A_665 = arith.cmpf oeq, %slice3A_479, %max3A_513 : vector<1x256xf32>
    %eq3A_666 = arith.cmpi eq, %slice3A_480, %min3A_592 : vector<1x256xi32>
    %and3A_667 = arith.andi %eq3A_665, %eq3A_666 : vector<1x256xi1>
    %jit3A_668 = arith.constant -3.000000e+38 : f32
    %broadcast_in_dim3A_669 = vector.broadcast %jit3A_668 : f32 to vector<1x256xf32>
    %select_n3A_670 = arith.select %and3A_667, %slice3A_481, %broadcast_in_dim3A_669 : vector<1x256xi1>, vector<1x256xf32>
    %eq3A_671 = arith.cmpf oeq, %slice3A_484, %max3A_513 : vector<1x256xf32>
    %eq3A_672 = arith.cmpi eq, %slice3A_485, %min3A_592 : vector<1x256xi32>
    %and3A_673 = arith.andi %eq3A_671, %eq3A_672 : vector<1x256xi1>
    %jit3A_674 = arith.constant -3.000000e+38 : f32
    %broadcast_in_dim3A_675 = vector.broadcast %jit3A_674 : f32 to vector<1x256xf32>
    %select_n3A_676 = arith.select %and3A_673, %slice3A_486, %broadcast_in_dim3A_675 : vector<1x256xi1>, vector<1x256xf32>
    %eq3A_677 = arith.cmpf oeq, %slice3A_489, %max3A_513 : vector<1x256xf32>
    %eq3A_678 = arith.cmpi eq, %slice3A_490, %min3A_592 : vector<1x256xi32>
    %and3A_679 = arith.andi %eq3A_677, %eq3A_678 : vector<1x256xi1>
    %jit3A_680 = arith.constant -3.000000e+38 : f32
    %broadcast_in_dim3A_681 = vector.broadcast %jit3A_680 : f32 to vector<1x256xf32>
    %select_n3A_682 = arith.select %and3A_679, %slice3A_491, %broadcast_in_dim3A_681 : vector<1x256xi1>, vector<1x256xf32>
    %eq3A_683 = arith.cmpf oeq, %slice3A_494, %max3A_513 : vector<1x256xf32>
    %eq3A_684 = arith.cmpi eq, %slice3A_495, %min3A_592 : vector<1x256xi32>
    %and3A_685 = arith.andi %eq3A_683, %eq3A_684 : vector<1x256xi1>
    %jit3A_686 = arith.constant -3.000000e+38 : f32
    %broadcast_in_dim3A_687 = vector.broadcast %jit3A_686 : f32 to vector<1x256xf32>
    %select_n3A_688 = arith.select %and3A_685, %slice3A_496, %broadcast_in_dim3A_687 : vector<1x256xi1>, vector<1x256xf32>
    %max3A_689 = arith.maximumf %select_n3A_598, %select_n3A_604 : vector<1x256xf32>
    %max3A_690 = arith.maximumf %max3A_689, %select_n3A_610 : vector<1x256xf32>
    %max3A_691 = arith.maximumf %max3A_690, %select_n3A_616 : vector<1x256xf32>
    %max3A_692 = arith.maximumf %max3A_691, %select_n3A_622 : vector<1x256xf32>
    %max3A_693 = arith.maximumf %max3A_692, %select_n3A_628 : vector<1x256xf32>
    %max3A_694 = arith.maximumf %max3A_693, %select_n3A_634 : vector<1x256xf32>
    %max3A_695 = arith.maximumf %max3A_694, %select_n3A_640 : vector<1x256xf32>
    %max3A_696 = arith.maximumf %max3A_695, %select_n3A_646 : vector<1x256xf32>
    %max3A_697 = arith.maximumf %max3A_696, %select_n3A_652 : vector<1x256xf32>
    %max3A_698 = arith.maximumf %max3A_697, %select_n3A_658 : vector<1x256xf32>
    %max3A_699 = arith.maximumf %max3A_698, %select_n3A_664 : vector<1x256xf32>
    %max3A_700 = arith.maximumf %max3A_699, %select_n3A_670 : vector<1x256xf32>
    %max3A_701 = arith.maximumf %max3A_700, %select_n3A_676 : vector<1x256xf32>
    %max3A_702 = arith.maximumf %max3A_701, %select_n3A_682 : vector<1x256xf32>
    %max3A_703 = arith.maximumf %max3A_702, %select_n3A_688 : vector<1x256xf32>
    %add3A_704 = arith.constant 0.000000e+00 : f32
    %add3A_705 = vector.broadcast %add3A_704 : f32 to vector<1x256xf32>
    %add3A_706 = arith.addf %add3A_705, %slice3A_422 : vector<1x256xf32>
    %add3A_707 = arith.addf %add3A_706, %slice3A_427 : vector<1x256xf32>
    %add3A_708 = arith.addf %add3A_707, %slice3A_432 : vector<1x256xf32>
    %add3A_709 = arith.addf %add3A_708, %slice3A_437 : vector<1x256xf32>
    %add3A_710 = arith.addf %add3A_709, %slice3A_442 : vector<1x256xf32>
    %add3A_711 = arith.addf %add3A_710, %slice3A_447 : vector<1x256xf32>
    %add3A_712 = arith.addf %add3A_711, %slice3A_452 : vector<1x256xf32>
    %add3A_713 = arith.addf %add3A_712, %slice3A_457 : vector<1x256xf32>
    %add3A_714 = arith.addf %add3A_713, %slice3A_462 : vector<1x256xf32>
    %add3A_715 = arith.addf %add3A_714, %slice3A_467 : vector<1x256xf32>
    %add3A_716 = arith.addf %add3A_715, %slice3A_472 : vector<1x256xf32>
    %add3A_717 = arith.addf %add3A_716, %slice3A_477 : vector<1x256xf32>
    %add3A_718 = arith.addf %add3A_717, %slice3A_482 : vector<1x256xf32>
    %add3A_719 = arith.addf %add3A_718, %slice3A_487 : vector<1x256xf32>
    %add3A_720 = arith.addf %add3A_719, %slice3A_492 : vector<1x256xf32>
    %add3A_721 = arith.addf %add3A_720, %slice3A_497 : vector<1x256xf32>
    %add3A_722 = arith.constant 0.000000e+00 : f32
    %add3A_723 = vector.broadcast %add3A_722 : f32 to vector<1x256xf32>
    %add3A_724 = arith.addf %add3A_723, %slice3A_423 : vector<1x256xf32>
    %add3A_725 = arith.addf %add3A_724, %slice3A_428 : vector<1x256xf32>
    %add3A_726 = arith.addf %add3A_725, %slice3A_433 : vector<1x256xf32>
    %add3A_727 = arith.addf %add3A_726, %slice3A_438 : vector<1x256xf32>
    %add3A_728 = arith.addf %add3A_727, %slice3A_443 : vector<1x256xf32>
    %add3A_729 = arith.addf %add3A_728, %slice3A_448 : vector<1x256xf32>
    %add3A_730 = arith.addf %add3A_729, %slice3A_453 : vector<1x256xf32>
    %add3A_731 = arith.addf %add3A_730, %slice3A_458 : vector<1x256xf32>
    %add3A_732 = arith.addf %add3A_731, %slice3A_463 : vector<1x256xf32>
    %add3A_733 = arith.addf %add3A_732, %slice3A_468 : vector<1x256xf32>
    %add3A_734 = arith.addf %add3A_733, %slice3A_473 : vector<1x256xf32>
    %add3A_735 = arith.addf %add3A_734, %slice3A_478 : vector<1x256xf32>
    %add3A_736 = arith.addf %add3A_735, %slice3A_483 : vector<1x256xf32>
    %add3A_737 = arith.addf %add3A_736, %slice3A_488 : vector<1x256xf32>
    %add3A_738 = arith.addf %add3A_737, %slice3A_493 : vector<1x256xf32>
    %add3A_739 = arith.addf %add3A_738, %slice3A_498 : vector<1x256xf32>
    %log3A_740 = math.log %add3A_721 : vector<1x256xf32>
    %swap3A_741 = arith.constant 1 : index
    %swap3A_742 = arith.constant 0 : index
    %swap3A_743 = vector.load %arg5[%swap3A_741, %swap3A_742] : memref<4x256xi32, #tpu.memory_space<vmem>>, vector<1x256xi32>
    tpu.vector_store %arg5[%swap3A_741, %swap3A_742], %min3A_592 {strides = array<i32>} : memref<4x256xi32, #tpu.memory_space<vmem>>, vector<1x256xi32>,
    %sub3A_744 = arith.subf %max3A_703, %log3A_740 : vector<1x256xf32>
    %swap3A_745 = arith.constant 1 : index
    %swap3A_746 = arith.constant 0 : index
    %swap3A_747 = vector.load %arg6[%swap3A_745, %swap3A_746] : memref<4x256xf32, #tpu.memory_space<vmem>>, vector<1x256xf32>
    tpu.vector_store %arg6[%swap3A_745, %swap3A_746], %sub3A_744 {strides = array<i32>} : memref<4x256xf32, #tpu.memory_space<vmem>>, vector<1x256xf32>,
    %div3A_748 = arith.divf %add3A_739, %add3A_721 : vector<1x256xf32>
    %sub3A_749 = arith.subf %div3A_748, %log3A_740 : vector<1x256xf32>
    %swap3A_750 = arith.constant 1 : index
    %swap3A_751 = arith.constant 0 : index
    %swap3A_752 = vector.load %arg7[%swap3A_750, %swap3A_751] : memref<4x256xf32, #tpu.memory_space<vmem>>, vector<1x256xf32>
    tpu.vector_store %arg7[%swap3A_750, %swap3A_751], %sub3A_749 {strides = array<i32>} : memref<4x256xf32, #tpu.memory_space<vmem>>, vector<1x256xf32>,
    %get3A_753 = arith.constant 2 : index
    %get3A_754 = arith.constant 0 : index
    %get3A_755 = arith.constant 0 : index
    %get3A_756 = vector.load %arg0[%get3A_753, %get3A_754, %get3A_755] : memref<4x32x4352xf32, #tpu.memory_space<vmem>>, vector<1x32x4352xf32>
    %get3A_757 = vector.shape_cast %get3A_756 : vector<1x32x4352xf32> to vector<32x4352xf32>
    %get3A_758 = arith.constant 2 : index
    %get3A_759 = arith.constant 0 : index
    %get3A_760 = arith.constant 0 : index
    %get3A_761 = vector.load %arg1[%get3A_758, %get3A_759, %get3A_760] : memref<4x32x4352xi32, #tpu.memory_space<vmem>>, vector<1x32x4352xi32>
    %get3A_762 = vector.shape_cast %get3A_761 : vector<1x32x4352xi32> to vector<32x4352xi32>
    %get3A_763 = arith.constant 2 : index
    %get3A_764 = arith.constant 0 : index
    %get3A_765 = arith.constant 0 : index
    %get3A_766 = vector.load %arg2[%get3A_763, %get3A_764, %get3A_765] : memref<4x32x4352xf32, #tpu.memory_space<vmem>>, vector<1x32x4352xf32>
    %get3A_767 = vector.shape_cast %get3A_766 : vector<1x32x4352xf32> to vector<32x4352xf32>
    %reduce_max3A_768 = arith.constant dense<0xFF800000> : vector<4352xf32>
    %reduce_max3A_769 = vector.multi_reduction <maximumf>, %get3A_757, %reduce_max3A_768 [0] : vector<32x4352xf32> to vector<4352xf32>
    %broadcast_in_dim3A_770 = vector.shape_cast %reduce_max3A_769 : vector<4352xf32> to vector<1x4352xf32>
    %eq3A_771 = vector.broadcast %broadcast_in_dim3A_770 : vector<1x4352xf32> to vector<32x4352xf32>
    %eq3A_772 = arith.cmpf oeq, %get3A_757, %eq3A_771 : vector<32x4352xf32>
    %jit3A_773 = arith.constant 2147483647 : i32
    %broadcast_in_dim3A_774 = vector.broadcast %jit3A_773 : i32 to vector<32x4352xi32>
    %select_n3A_775 = arith.select %eq3A_772, %get3A_762, %broadcast_in_dim3A_774 : vector<32x4352xi1>, vector<32x4352xi32>
    %reduce_min3A_776 = arith.constant dense<2147483647> : vector<4352xi32>
    %reduce_min3A_777 = vector.multi_reduction <minsi>, %select_n3A_775, %reduce_min3A_776 [0] : vector<32x4352xi32> to vector<4352xi32>
    %broadcast_in_dim3A_778 = vector.shape_cast %reduce_min3A_777 : vector<4352xi32> to vector<1x4352xi32>
    %eq3A_779 = vector.broadcast %broadcast_in_dim3A_778 : vector<1x4352xi32> to vector<32x4352xi32>
    %eq3A_780 = arith.cmpi eq, %get3A_762, %eq3A_779 : vector<32x4352xi32>
    %and3A_781 = arith.andi %eq3A_772, %eq3A_780 : vector<32x4352xi1>
    %jit3A_782 = arith.constant -3.000000e+38 : f32
    %broadcast_in_dim3A_783 = vector.broadcast %jit3A_782 : f32 to vector<32x4352xf32>
    %select_n3A_784 = arith.select %and3A_781, %get3A_767, %broadcast_in_dim3A_783 : vector<32x4352xi1>, vector<32x4352xf32>
    %reduce_max3A_785 = arith.constant dense<0xFF800000> : vector<4352xf32>
    %reduce_max3A_786 = vector.multi_reduction <maximumf>, %select_n3A_784, %reduce_max3A_785 [0] : vector<32x4352xf32> to vector<4352xf32>
    %broadcast_in_dim3A_787 = vector.shape_cast %reduce_max3A_786 : vector<4352xf32> to vector<1x4352xf32>
    %get3A_788 = arith.constant 2 : index
    %get3A_789 = arith.constant 0 : index
    %get3A_790 = arith.constant 0 : index
    %get3A_791 = vector.load %arg3[%get3A_788, %get3A_789, %get3A_790] : memref<4x32x4352xf32, #tpu.memory_space<vmem>>, vector<1x32x4352xf32>
    %get3A_792 = vector.shape_cast %get3A_791 : vector<1x32x4352xf32> to vector<32x4352xf32>
    %reduce_sum3A_793 = arith.constant dense<0.000000e+00> : vector<4352xf32>
    %reduce_sum3A_794 = vector.multi_reduction <add>, %get3A_792, %reduce_sum3A_793 [0] : vector<32x4352xf32> to vector<4352xf32>
    %broadcast_in_dim3A_795 = vector.shape_cast %reduce_sum3A_794 : vector<4352xf32> to vector<1x4352xf32>
    %get3A_796 = arith.constant 2 : index
    %get3A_797 = arith.constant 0 : index
    %get3A_798 = arith.constant 0 : index
    %get3A_799 = vector.load %arg4[%get3A_796, %get3A_797, %get3A_798] : memref<4x32x4352xf32, #tpu.memory_space<vmem>>, vector<1x32x4352xf32>
    %get3A_800 = vector.shape_cast %get3A_799 : vector<1x32x4352xf32> to vector<32x4352xf32>
    %reduce_sum3A_801 = arith.constant dense<0.000000e+00> : vector<4352xf32>
    %reduce_sum3A_802 = vector.multi_reduction <add>, %get3A_800, %reduce_sum3A_801 [0] : vector<32x4352xf32> to vector<4352xf32>
    %broadcast_in_dim3A_803 = vector.shape_cast %reduce_sum3A_802 : vector<4352xf32> to vector<1x4352xf32>
    %slice3A_804 = vector.extract_strided_slice %broadcast_in_dim3A_770 {offsets = [0, 0], sizes = [1, 256], strides = [1, 1]} : vector<1x4352xf32> to vector<1x256xf32>
    %slice3A_805 = vector.extract_strided_slice %broadcast_in_dim3A_778 {offsets = [0, 0], sizes = [1, 256], strides = [1, 1]} : vector<1x4352xi32> to vector<1x256xi32>
    %slice3A_806 = vector.extract_strided_slice %broadcast_in_dim3A_787 {offsets = [0, 0], sizes = [1, 256], strides = [1, 1]} : vector<1x4352xf32> to vector<1x256xf32>
    %slice3A_807 = vector.extract_strided_slice %broadcast_in_dim3A_795 {offsets = [0, 0], sizes = [1, 256], strides = [1, 1]} : vector<1x4352xf32> to vector<1x256xf32>
    %slice3A_808 = vector.extract_strided_slice %broadcast_in_dim3A_803 {offsets = [0, 0], sizes = [1, 256], strides = [1, 1]} : vector<1x4352xf32> to vector<1x256xf32>
    %slice3A_809 = vector.extract_strided_slice %broadcast_in_dim3A_770 {offsets = [0, 272], sizes = [1, 256], strides = [1, 1]} : vector<1x4352xf32> to vector<1x256xf32>
    %slice3A_810 = vector.extract_strided_slice %broadcast_in_dim3A_778 {offsets = [0, 272], sizes = [1, 256], strides = [1, 1]} : vector<1x4352xi32> to vector<1x256xi32>
    %slice3A_811 = vector.extract_strided_slice %broadcast_in_dim3A_787 {offsets = [0, 272], sizes = [1, 256], strides = [1, 1]} : vector<1x4352xf32> to vector<1x256xf32>
    %slice3A_812 = vector.extract_strided_slice %broadcast_in_dim3A_795 {offsets = [0, 272], sizes = [1, 256], strides = [1, 1]} : vector<1x4352xf32> to vector<1x256xf32>
    %slice3A_813 = vector.extract_strided_slice %broadcast_in_dim3A_803 {offsets = [0, 272], sizes = [1, 256], strides = [1, 1]} : vector<1x4352xf32> to vector<1x256xf32>
    %slice3A_814 = vector.extract_strided_slice %broadcast_in_dim3A_770 {offsets = [0, 544], sizes = [1, 256], strides = [1, 1]} : vector<1x4352xf32> to vector<1x256xf32>
    %slice3A_815 = vector.extract_strided_slice %broadcast_in_dim3A_778 {offsets = [0, 544], sizes = [1, 256], strides = [1, 1]} : vector<1x4352xi32> to vector<1x256xi32>
    %slice3A_816 = vector.extract_strided_slice %broadcast_in_dim3A_787 {offsets = [0, 544], sizes = [1, 256], strides = [1, 1]} : vector<1x4352xf32> to vector<1x256xf32>
    %slice3A_817 = vector.extract_strided_slice %broadcast_in_dim3A_795 {offsets = [0, 544], sizes = [1, 256], strides = [1, 1]} : vector<1x4352xf32> to vector<1x256xf32>
    %slice3A_818 = vector.extract_strided_slice %broadcast_in_dim3A_803 {offsets = [0, 544], sizes = [1, 256], strides = [1, 1]} : vector<1x4352xf32> to vector<1x256xf32>
    %slice3A_819 = vector.extract_strided_slice %broadcast_in_dim3A_770 {offsets = [0, 816], sizes = [1, 256], strides = [1, 1]} : vector<1x4352xf32> to vector<1x256xf32>
    %slice3A_820 = vector.extract_strided_slice %broadcast_in_dim3A_778 {offsets = [0, 816], sizes = [1, 256], strides = [1, 1]} : vector<1x4352xi32> to vector<1x256xi32>
    %slice3A_821 = vector.extract_strided_slice %broadcast_in_dim3A_787 {offsets = [0, 816], sizes = [1, 256], strides = [1, 1]} : vector<1x4352xf32> to vector<1x256xf32>
    %slice3A_822 = vector.extract_strided_slice %broadcast_in_dim3A_795 {offsets = [0, 816], sizes = [1, 256], strides = [1, 1]} : vector<1x4352xf32> to vector<1x256xf32>
    %slice3A_823 = vector.extract_strided_slice %broadcast_in_dim3A_803 {offsets = [0, 816], sizes = [1, 256], strides = [1, 1]} : vector<1x4352xf32> to vector<1x256xf32>
    %slice3A_824 = vector.extract_strided_slice %broadcast_in_dim3A_770 {offsets = [0, 1088], sizes = [1, 256], strides = [1, 1]} : vector<1x4352xf32> to vector<1x256xf32>
    %slice3A_825 = vector.extract_strided_slice %broadcast_in_dim3A_778 {offsets = [0, 1088], sizes = [1, 256], strides = [1, 1]} : vector<1x4352xi32> to vector<1x256xi32>
    %slice3A_826 = vector.extract_strided_slice %broadcast_in_dim3A_787 {offsets = [0, 1088], sizes = [1, 256], strides = [1, 1]} : vector<1x4352xf32> to vector<1x256xf32>
    %slice3A_827 = vector.extract_strided_slice %broadcast_in_dim3A_795 {offsets = [0, 1088], sizes = [1, 256], strides = [1, 1]} : vector<1x4352xf32> to vector<1x256xf32>
    %slice3A_828 = vector.extract_strided_slice %broadcast_in_dim3A_803 {offsets = [0, 1088], sizes = [1, 256], strides = [1, 1]} : vector<1x4352xf32> to vector<1x256xf32>
    %slice3A_829 = vector.extract_strided_slice %broadcast_in_dim3A_770 {offsets = [0, 1360], sizes = [1, 256], strides = [1, 1]} : vector<1x4352xf32> to vector<1x256xf32>
    %slice3A_830 = vector.extract_strided_slice %broadcast_in_dim3A_778 {offsets = [0, 1360], sizes = [1, 256], strides = [1, 1]} : vector<1x4352xi32> to vector<1x256xi32>
    %slice3A_831 = vector.extract_strided_slice %broadcast_in_dim3A_787 {offsets = [0, 1360], sizes = [1, 256], strides = [1, 1]} : vector<1x4352xf32> to vector<1x256xf32>
    %slice3A_832 = vector.extract_strided_slice %broadcast_in_dim3A_795 {offsets = [0, 1360], sizes = [1, 256], strides = [1, 1]} : vector<1x4352xf32> to vector<1x256xf32>
    %slice3A_833 = vector.extract_strided_slice %broadcast_in_dim3A_803 {offsets = [0, 1360], sizes = [1, 256], strides = [1, 1]} : vector<1x4352xf32> to vector<1x256xf32>
    %slice3A_834 = vector.extract_strided_slice %broadcast_in_dim3A_770 {offsets = [0, 1632], sizes = [1, 256], strides = [1, 1]} : vector<1x4352xf32> to vector<1x256xf32>
    %slice3A_835 = vector.extract_strided_slice %broadcast_in_dim3A_778 {offsets = [0, 1632], sizes = [1, 256], strides = [1, 1]} : vector<1x4352xi32> to vector<1x256xi32>
    %slice3A_836 = vector.extract_strided_slice %broadcast_in_dim3A_787 {offsets = [0, 1632], sizes = [1, 256], strides = [1, 1]} : vector<1x4352xf32> to vector<1x256xf32>
    %slice3A_837 = vector.extract_strided_slice %broadcast_in_dim3A_795 {offsets = [0, 1632], sizes = [1, 256], strides = [1, 1]} : vector<1x4352xf32> to vector<1x256xf32>
    %slice3A_838 = vector.extract_strided_slice %broadcast_in_dim3A_803 {offsets = [0, 1632], sizes = [1, 256], strides = [1, 1]} : vector<1x4352xf32> to vector<1x256xf32>
    %slice3A_839 = vector.extract_strided_slice %broadcast_in_dim3A_770 {offsets = [0, 1904], sizes = [1, 256], strides = [1, 1]} : vector<1x4352xf32> to vector<1x256xf32>
    %slice3A_840 = vector.extract_strided_slice %broadcast_in_dim3A_778 {offsets = [0, 1904], sizes = [1, 256], strides = [1, 1]} : vector<1x4352xi32> to vector<1x256xi32>
    %slice3A_841 = vector.extract_strided_slice %broadcast_in_dim3A_787 {offsets = [0, 1904], sizes = [1, 256], strides = [1, 1]} : vector<1x4352xf32> to vector<1x256xf32>
    %slice3A_842 = vector.extract_strided_slice %broadcast_in_dim3A_795 {offsets = [0, 1904], sizes = [1, 256], strides = [1, 1]} : vector<1x4352xf32> to vector<1x256xf32>
    %slice3A_843 = vector.extract_strided_slice %broadcast_in_dim3A_803 {offsets = [0, 1904], sizes = [1, 256], strides = [1, 1]} : vector<1x4352xf32> to vector<1x256xf32>
    %slice3A_844 = vector.extract_strided_slice %broadcast_in_dim3A_770 {offsets = [0, 2176], sizes = [1, 256], strides = [1, 1]} : vector<1x4352xf32> to vector<1x256xf32>
    %slice3A_845 = vector.extract_strided_slice %broadcast_in_dim3A_778 {offsets = [0, 2176], sizes = [1, 256], strides = [1, 1]} : vector<1x4352xi32> to vector<1x256xi32>
    %slice3A_846 = vector.extract_strided_slice %broadcast_in_dim3A_787 {offsets = [0, 2176], sizes = [1, 256], strides = [1, 1]} : vector<1x4352xf32> to vector<1x256xf32>
    %slice3A_847 = vector.extract_strided_slice %broadcast_in_dim3A_795 {offsets = [0, 2176], sizes = [1, 256], strides = [1, 1]} : vector<1x4352xf32> to vector<1x256xf32>
    %slice3A_848 = vector.extract_strided_slice %broadcast_in_dim3A_803 {offsets = [0, 2176], sizes = [1, 256], strides = [1, 1]} : vector<1x4352xf32> to vector<1x256xf32>
    %slice3A_849 = vector.extract_strided_slice %broadcast_in_dim3A_770 {offsets = [0, 2448], sizes = [1, 256], strides = [1, 1]} : vector<1x4352xf32> to vector<1x256xf32>
    %slice3A_850 = vector.extract_strided_slice %broadcast_in_dim3A_778 {offsets = [0, 2448], sizes = [1, 256], strides = [1, 1]} : vector<1x4352xi32> to vector<1x256xi32>
    %slice3A_851 = vector.extract_strided_slice %broadcast_in_dim3A_787 {offsets = [0, 2448], sizes = [1, 256], strides = [1, 1]} : vector<1x4352xf32> to vector<1x256xf32>
    %slice3A_852 = vector.extract_strided_slice %broadcast_in_dim3A_795 {offsets = [0, 2448], sizes = [1, 256], strides = [1, 1]} : vector<1x4352xf32> to vector<1x256xf32>
    %slice3A_853 = vector.extract_strided_slice %broadcast_in_dim3A_803 {offsets = [0, 2448], sizes = [1, 256], strides = [1, 1]} : vector<1x4352xf32> to vector<1x256xf32>
    %slice3A_854 = vector.extract_strided_slice %broadcast_in_dim3A_770 {offsets = [0, 2720], sizes = [1, 256], strides = [1, 1]} : vector<1x4352xf32> to vector<1x256xf32>
    %slice3A_855 = vector.extract_strided_slice %broadcast_in_dim3A_778 {offsets = [0, 2720], sizes = [1, 256], strides = [1, 1]} : vector<1x4352xi32> to vector<1x256xi32>
    %slice3A_856 = vector.extract_strided_slice %broadcast_in_dim3A_787 {offsets = [0, 2720], sizes = [1, 256], strides = [1, 1]} : vector<1x4352xf32> to vector<1x256xf32>
    %slice3A_857 = vector.extract_strided_slice %broadcast_in_dim3A_795 {offsets = [0, 2720], sizes = [1, 256], strides = [1, 1]} : vector<1x4352xf32> to vector<1x256xf32>
    %slice3A_858 = vector.extract_strided_slice %broadcast_in_dim3A_803 {offsets = [0, 2720], sizes = [1, 256], strides = [1, 1]} : vector<1x4352xf32> to vector<1x256xf32>
    %slice3A_859 = vector.extract_strided_slice %broadcast_in_dim3A_770 {offsets = [0, 2992], sizes = [1, 256], strides = [1, 1]} : vector<1x4352xf32> to vector<1x256xf32>
    %slice3A_860 = vector.extract_strided_slice %broadcast_in_dim3A_778 {offsets = [0, 2992], sizes = [1, 256], strides = [1, 1]} : vector<1x4352xi32> to vector<1x256xi32>
    %slice3A_861 = vector.extract_strided_slice %broadcast_in_dim3A_787 {offsets = [0, 2992], sizes = [1, 256], strides = [1, 1]} : vector<1x4352xf32> to vector<1x256xf32>
    %slice3A_862 = vector.extract_strided_slice %broadcast_in_dim3A_795 {offsets = [0, 2992], sizes = [1, 256], strides = [1, 1]} : vector<1x4352xf32> to vector<1x256xf32>
    %slice3A_863 = vector.extract_strided_slice %broadcast_in_dim3A_803 {offsets = [0, 2992], sizes = [1, 256], strides = [1, 1]} : vector<1x4352xf32> to vector<1x256xf32>
    %slice3A_864 = vector.extract_strided_slice %broadcast_in_dim3A_770 {offsets = [0, 3264], sizes = [1, 256], strides = [1, 1]} : vector<1x4352xf32> to vector<1x256xf32>
    %slice3A_865 = vector.extract_strided_slice %broadcast_in_dim3A_778 {offsets = [0, 3264], sizes = [1, 256], strides = [1, 1]} : vector<1x4352xi32> to vector<1x256xi32>
    %slice3A_866 = vector.extract_strided_slice %broadcast_in_dim3A_787 {offsets = [0, 3264], sizes = [1, 256], strides = [1, 1]} : vector<1x4352xf32> to vector<1x256xf32>
    %slice3A_867 = vector.extract_strided_slice %broadcast_in_dim3A_795 {offsets = [0, 3264], sizes = [1, 256], strides = [1, 1]} : vector<1x4352xf32> to vector<1x256xf32>
    %slice3A_868 = vector.extract_strided_slice %broadcast_in_dim3A_803 {offsets = [0, 3264], sizes = [1, 256], strides = [1, 1]} : vector<1x4352xf32> to vector<1x256xf32>
    %slice3A_869 = vector.extract_strided_slice %broadcast_in_dim3A_770 {offsets = [0, 3536], sizes = [1, 256], strides = [1, 1]} : vector<1x4352xf32> to vector<1x256xf32>
    %slice3A_870 = vector.extract_strided_slice %broadcast_in_dim3A_778 {offsets = [0, 3536], sizes = [1, 256], strides = [1, 1]} : vector<1x4352xi32> to vector<1x256xi32>
    %slice3A_871 = vector.extract_strided_slice %broadcast_in_dim3A_787 {offsets = [0, 3536], sizes = [1, 256], strides = [1, 1]} : vector<1x4352xf32> to vector<1x256xf32>
    %slice3A_872 = vector.extract_strided_slice %broadcast_in_dim3A_795 {offsets = [0, 3536], sizes = [1, 256], strides = [1, 1]} : vector<1x4352xf32> to vector<1x256xf32>
    %slice3A_873 = vector.extract_strided_slice %broadcast_in_dim3A_803 {offsets = [0, 3536], sizes = [1, 256], strides = [1, 1]} : vector<1x4352xf32> to vector<1x256xf32>
    %slice3A_874 = vector.extract_strided_slice %broadcast_in_dim3A_770 {offsets = [0, 3808], sizes = [1, 256], strides = [1, 1]} : vector<1x4352xf32> to vector<1x256xf32>
    %slice3A_875 = vector.extract_strided_slice %broadcast_in_dim3A_778 {offsets = [0, 3808], sizes = [1, 256], strides = [1, 1]} : vector<1x4352xi32> to vector<1x256xi32>
    %slice3A_876 = vector.extract_strided_slice %broadcast_in_dim3A_787 {offsets = [0, 3808], sizes = [1, 256], strides = [1, 1]} : vector<1x4352xf32> to vector<1x256xf32>
    %slice3A_877 = vector.extract_strided_slice %broadcast_in_dim3A_795 {offsets = [0, 3808], sizes = [1, 256], strides = [1, 1]} : vector<1x4352xf32> to vector<1x256xf32>
    %slice3A_878 = vector.extract_strided_slice %broadcast_in_dim3A_803 {offsets = [0, 3808], sizes = [1, 256], strides = [1, 1]} : vector<1x4352xf32> to vector<1x256xf32>
    %slice3A_879 = vector.extract_strided_slice %broadcast_in_dim3A_770 {offsets = [0, 4080], sizes = [1, 256], strides = [1, 1]} : vector<1x4352xf32> to vector<1x256xf32>
    %slice3A_880 = vector.extract_strided_slice %broadcast_in_dim3A_778 {offsets = [0, 4080], sizes = [1, 256], strides = [1, 1]} : vector<1x4352xi32> to vector<1x256xi32>
    %slice3A_881 = vector.extract_strided_slice %broadcast_in_dim3A_787 {offsets = [0, 4080], sizes = [1, 256], strides = [1, 1]} : vector<1x4352xf32> to vector<1x256xf32>
    %slice3A_882 = vector.extract_strided_slice %broadcast_in_dim3A_795 {offsets = [0, 4080], sizes = [1, 256], strides = [1, 1]} : vector<1x4352xf32> to vector<1x256xf32>
    %slice3A_883 = vector.extract_strided_slice %broadcast_in_dim3A_803 {offsets = [0, 4080], sizes = [1, 256], strides = [1, 1]} : vector<1x4352xf32> to vector<1x256xf32>
    %max3A_884 = arith.maximumf %slice3A_804, %slice3A_809 : vector<1x256xf32>
    %max3A_885 = arith.maximumf %max3A_884, %slice3A_814 : vector<1x256xf32>
    %max3A_886 = arith.maximumf %max3A_885, %slice3A_819 : vector<1x256xf32>
    %max3A_887 = arith.maximumf %max3A_886, %slice3A_824 : vector<1x256xf32>
    %max3A_888 = arith.maximumf %max3A_887, %slice3A_829 : vector<1x256xf32>
    %max3A_889 = arith.maximumf %max3A_888, %slice3A_834 : vector<1x256xf32>
    %max3A_890 = arith.maximumf %max3A_889, %slice3A_839 : vector<1x256xf32>
    %max3A_891 = arith.maximumf %max3A_890, %slice3A_844 : vector<1x256xf32>
    %max3A_892 = arith.maximumf %max3A_891, %slice3A_849 : vector<1x256xf32>
    %max3A_893 = arith.maximumf %max3A_892, %slice3A_854 : vector<1x256xf32>
    %max3A_894 = arith.maximumf %max3A_893, %slice3A_859 : vector<1x256xf32>
    %max3A_895 = arith.maximumf %max3A_894, %slice3A_864 : vector<1x256xf32>
    %max3A_896 = arith.maximumf %max3A_895, %slice3A_869 : vector<1x256xf32>
    %max3A_897 = arith.maximumf %max3A_896, %slice3A_874 : vector<1x256xf32>
    %max3A_898 = arith.maximumf %max3A_897, %slice3A_879 : vector<1x256xf32>
    %eq3A_899 = arith.cmpf oeq, %slice3A_804, %max3A_898 : vector<1x256xf32>
    %jit3A_900 = arith.constant 2147483647 : i32
    %broadcast_in_dim3A_901 = vector.broadcast %jit3A_900 : i32 to vector<1x256xi32>
    %select_n3A_902 = arith.select %eq3A_899, %slice3A_805, %broadcast_in_dim3A_901 : vector<1x256xi1>, vector<1x256xi32>
    %eq3A_903 = arith.cmpf oeq, %slice3A_809, %max3A_898 : vector<1x256xf32>
    %jit3A_904 = arith.constant 2147483647 : i32
    %broadcast_in_dim3A_905 = vector.broadcast %jit3A_904 : i32 to vector<1x256xi32>
    %select_n3A_906 = arith.select %eq3A_903, %slice3A_810, %broadcast_in_dim3A_905 : vector<1x256xi1>, vector<1x256xi32>
    %eq3A_907 = arith.cmpf oeq, %slice3A_814, %max3A_898 : vector<1x256xf32>
    %jit3A_908 = arith.constant 2147483647 : i32
    %broadcast_in_dim3A_909 = vector.broadcast %jit3A_908 : i32 to vector<1x256xi32>
    %select_n3A_910 = arith.select %eq3A_907, %slice3A_815, %broadcast_in_dim3A_909 : vector<1x256xi1>, vector<1x256xi32>
    %eq3A_911 = arith.cmpf oeq, %slice3A_819, %max3A_898 : vector<1x256xf32>
    %jit3A_912 = arith.constant 2147483647 : i32
    %broadcast_in_dim3A_913 = vector.broadcast %jit3A_912 : i32 to vector<1x256xi32>
    %select_n3A_914 = arith.select %eq3A_911, %slice3A_820, %broadcast_in_dim3A_913 : vector<1x256xi1>, vector<1x256xi32>
    %eq3A_915 = arith.cmpf oeq, %slice3A_824, %max3A_898 : vector<1x256xf32>
    %jit3A_916 = arith.constant 2147483647 : i32
    %broadcast_in_dim3A_917 = vector.broadcast %jit3A_916 : i32 to vector<1x256xi32>
    %select_n3A_918 = arith.select %eq3A_915, %slice3A_825, %broadcast_in_dim3A_917 : vector<1x256xi1>, vector<1x256xi32>
    %eq3A_919 = arith.cmpf oeq, %slice3A_829, %max3A_898 : vector<1x256xf32>
    %jit3A_920 = arith.constant 2147483647 : i32
    %broadcast_in_dim3A_921 = vector.broadcast %jit3A_920 : i32 to vector<1x256xi32>
    %select_n3A_922 = arith.select %eq3A_919, %slice3A_830, %broadcast_in_dim3A_921 : vector<1x256xi1>, vector<1x256xi32>
    %eq3A_923 = arith.cmpf oeq, %slice3A_834, %max3A_898 : vector<1x256xf32>
    %jit3A_924 = arith.constant 2147483647 : i32
    %broadcast_in_dim3A_925 = vector.broadcast %jit3A_924 : i32 to vector<1x256xi32>
    %select_n3A_926 = arith.select %eq3A_923, %slice3A_835, %broadcast_in_dim3A_925 : vector<1x256xi1>, vector<1x256xi32>
    %eq3A_927 = arith.cmpf oeq, %slice3A_839, %max3A_898 : vector<1x256xf32>
    %jit3A_928 = arith.constant 2147483647 : i32
    %broadcast_in_dim3A_929 = vector.broadcast %jit3A_928 : i32 to vector<1x256xi32>
    %select_n3A_930 = arith.select %eq3A_927, %slice3A_840, %broadcast_in_dim3A_929 : vector<1x256xi1>, vector<1x256xi32>
    %eq3A_931 = arith.cmpf oeq, %slice3A_844, %max3A_898 : vector<1x256xf32>
    %jit3A_932 = arith.constant 2147483647 : i32
    %broadcast_in_dim3A_933 = vector.broadcast %jit3A_932 : i32 to vector<1x256xi32>
    %select_n3A_934 = arith.select %eq3A_931, %slice3A_845, %broadcast_in_dim3A_933 : vector<1x256xi1>, vector<1x256xi32>
    %eq3A_935 = arith.cmpf oeq, %slice3A_849, %max3A_898 : vector<1x256xf32>
    %jit3A_936 = arith.constant 2147483647 : i32
    %broadcast_in_dim3A_937 = vector.broadcast %jit3A_936 : i32 to vector<1x256xi32>
    %select_n3A_938 = arith.select %eq3A_935, %slice3A_850, %broadcast_in_dim3A_937 : vector<1x256xi1>, vector<1x256xi32>
    %eq3A_939 = arith.cmpf oeq, %slice3A_854, %max3A_898 : vector<1x256xf32>
    %jit3A_940 = arith.constant 2147483647 : i32
    %broadcast_in_dim3A_941 = vector.broadcast %jit3A_940 : i32 to vector<1x256xi32>
    %select_n3A_942 = arith.select %eq3A_939, %slice3A_855, %broadcast_in_dim3A_941 : vector<1x256xi1>, vector<1x256xi32>
    %eq3A_943 = arith.cmpf oeq, %slice3A_859, %max3A_898 : vector<1x256xf32>
    %jit3A_944 = arith.constant 2147483647 : i32
    %broadcast_in_dim3A_945 = vector.broadcast %jit3A_944 : i32 to vector<1x256xi32>
    %select_n3A_946 = arith.select %eq3A_943, %slice3A_860, %broadcast_in_dim3A_945 : vector<1x256xi1>, vector<1x256xi32>
    %eq3A_947 = arith.cmpf oeq, %slice3A_864, %max3A_898 : vector<1x256xf32>
    %jit3A_948 = arith.constant 2147483647 : i32
    %broadcast_in_dim3A_949 = vector.broadcast %jit3A_948 : i32 to vector<1x256xi32>
    %select_n3A_950 = arith.select %eq3A_947, %slice3A_865, %broadcast_in_dim3A_949 : vector<1x256xi1>, vector<1x256xi32>
    %eq3A_951 = arith.cmpf oeq, %slice3A_869, %max3A_898 : vector<1x256xf32>
    %jit3A_952 = arith.constant 2147483647 : i32
    %broadcast_in_dim3A_953 = vector.broadcast %jit3A_952 : i32 to vector<1x256xi32>
    %select_n3A_954 = arith.select %eq3A_951, %slice3A_870, %broadcast_in_dim3A_953 : vector<1x256xi1>, vector<1x256xi32>
    %eq3A_955 = arith.cmpf oeq, %slice3A_874, %max3A_898 : vector<1x256xf32>
    %jit3A_956 = arith.constant 2147483647 : i32
    %broadcast_in_dim3A_957 = vector.broadcast %jit3A_956 : i32 to vector<1x256xi32>
    %select_n3A_958 = arith.select %eq3A_955, %slice3A_875, %broadcast_in_dim3A_957 : vector<1x256xi1>, vector<1x256xi32>
    %eq3A_959 = arith.cmpf oeq, %slice3A_879, %max3A_898 : vector<1x256xf32>
    %jit3A_960 = arith.constant 2147483647 : i32
    %broadcast_in_dim3A_961 = vector.broadcast %jit3A_960 : i32 to vector<1x256xi32>
    %select_n3A_962 = arith.select %eq3A_959, %slice3A_880, %broadcast_in_dim3A_961 : vector<1x256xi1>, vector<1x256xi32>
    %min3A_963 = arith.minsi %select_n3A_902, %select_n3A_906 : vector<1x256xi32>
    %min3A_964 = arith.minsi %min3A_963, %select_n3A_910 : vector<1x256xi32>
    %min3A_965 = arith.minsi %min3A_964, %select_n3A_914 : vector<1x256xi32>
    %min3A_966 = arith.minsi %min3A_965, %select_n3A_918 : vector<1x256xi32>
    %min3A_967 = arith.minsi %min3A_966, %select_n3A_922 : vector<1x256xi32>
    %min3A_968 = arith.minsi %min3A_967, %select_n3A_926 : vector<1x256xi32>
    %min3A_969 = arith.minsi %min3A_968, %select_n3A_930 : vector<1x256xi32>
    %min3A_970 = arith.minsi %min3A_969, %select_n3A_934 : vector<1x256xi32>
    %min3A_971 = arith.minsi %min3A_970, %select_n3A_938 : vector<1x256xi32>
    %min3A_972 = arith.minsi %min3A_971, %select_n3A_942 : vector<1x256xi32>
    %min3A_973 = arith.minsi %min3A_972, %select_n3A_946 : vector<1x256xi32>
    %min3A_974 = arith.minsi %min3A_973, %select_n3A_950 : vector<1x256xi32>
    %min3A_975 = arith.minsi %min3A_974, %select_n3A_954 : vector<1x256xi32>
    %min3A_976 = arith.minsi %min3A_975, %select_n3A_958 : vector<1x256xi32>
    %min3A_977 = arith.minsi %min3A_976, %select_n3A_962 : vector<1x256xi32>
    %eq3A_978 = arith.cmpf oeq, %slice3A_804, %max3A_898 : vector<1x256xf32>
    %eq3A_979 = arith.cmpi eq, %slice3A_805, %min3A_977 : vector<1x256xi32>
    %and3A_980 = arith.andi %eq3A_978, %eq3A_979 : vector<1x256xi1>
    %jit3A_981 = arith.constant -3.000000e+38 : f32
    %broadcast_in_dim3A_982 = vector.broadcast %jit3A_981 : f32 to vector<1x256xf32>
    %select_n3A_983 = arith.select %and3A_980, %slice3A_806, %broadcast_in_dim3A_982 : vector<1x256xi1>, vector<1x256xf32>
    %eq3A_984 = arith.cmpf oeq, %slice3A_809, %max3A_898 : vector<1x256xf32>
    %eq3A_985 = arith.cmpi eq, %slice3A_810, %min3A_977 : vector<1x256xi32>
    %and3A_986 = arith.andi %eq3A_984, %eq3A_985 : vector<1x256xi1>
    %jit3A_987 = arith.constant -3.000000e+38 : f32
    %broadcast_in_dim3A_988 = vector.broadcast %jit3A_987 : f32 to vector<1x256xf32>
    %select_n3A_989 = arith.select %and3A_986, %slice3A_811, %broadcast_in_dim3A_988 : vector<1x256xi1>, vector<1x256xf32>
    %eq3A_990 = arith.cmpf oeq, %slice3A_814, %max3A_898 : vector<1x256xf32>
    %eq3A_991 = arith.cmpi eq, %slice3A_815, %min3A_977 : vector<1x256xi32>
    %and3A_992 = arith.andi %eq3A_990, %eq3A_991 : vector<1x256xi1>
    %jit3A_993 = arith.constant -3.000000e+38 : f32
    %broadcast_in_dim3A_994 = vector.broadcast %jit3A_993 : f32 to vector<1x256xf32>
    %select_n3A_995 = arith.select %and3A_992, %slice3A_816, %broadcast_in_dim3A_994 : vector<1x256xi1>, vector<1x256xf32>
    %eq3A_996 = arith.cmpf oeq, %slice3A_819, %max3A_898 : vector<1x256xf32>
    %eq3A_997 = arith.cmpi eq, %slice3A_820, %min3A_977 : vector<1x256xi32>
    %and3A_998 = arith.andi %eq3A_996, %eq3A_997 : vector<1x256xi1>
    %jit3A_999 = arith.constant -3.000000e+38 : f32
    %broadcast_in_dim3A_1000 = vector.broadcast %jit3A_999 : f32 to vector<1x256xf32>
    %select_n3A_1001 = arith.select %and3A_998, %slice3A_821, %broadcast_in_dim3A_1000 : vector<1x256xi1>, vector<1x256xf32>
    %eq3A_1002 = arith.cmpf oeq, %slice3A_824, %max3A_898 : vector<1x256xf32>
    %eq3A_1003 = arith.cmpi eq, %slice3A_825, %min3A_977 : vector<1x256xi32>
    %and3A_1004 = arith.andi %eq3A_1002, %eq3A_1003 : vector<1x256xi1>
    %jit3A_1005 = arith.constant -3.000000e+38 : f32
    %broadcast_in_dim3A_1006 = vector.broadcast %jit3A_1005 : f32 to vector<1x256xf32>
    %select_n3A_1007 = arith.select %and3A_1004, %slice3A_826, %broadcast_in_dim3A_1006 : vector<1x256xi1>, vector<1x256xf32>
    %eq3A_1008 = arith.cmpf oeq, %slice3A_829, %max3A_898 : vector<1x256xf32>
    %eq3A_1009 = arith.cmpi eq, %slice3A_830, %min3A_977 : vector<1x256xi32>
    %and3A_1010 = arith.andi %eq3A_1008, %eq3A_1009 : vector<1x256xi1>
    %jit3A_1011 = arith.constant -3.000000e+38 : f32
    %broadcast_in_dim3A_1012 = vector.broadcast %jit3A_1011 : f32 to vector<1x256xf32>
    %select_n3A_1013 = arith.select %and3A_1010, %slice3A_831, %broadcast_in_dim3A_1012 : vector<1x256xi1>, vector<1x256xf32>
    %eq3A_1014 = arith.cmpf oeq, %slice3A_834, %max3A_898 : vector<1x256xf32>
    %eq3A_1015 = arith.cmpi eq, %slice3A_835, %min3A_977 : vector<1x256xi32>
    %and3A_1016 = arith.andi %eq3A_1014, %eq3A_1015 : vector<1x256xi1>
    %jit3A_1017 = arith.constant -3.000000e+38 : f32
    %broadcast_in_dim3A_1018 = vector.broadcast %jit3A_1017 : f32 to vector<1x256xf32>
    %select_n3A_1019 = arith.select %and3A_1016, %slice3A_836, %broadcast_in_dim3A_1018 : vector<1x256xi1>, vector<1x256xf32>
    %eq3A_1020 = arith.cmpf oeq, %slice3A_839, %max3A_898 : vector<1x256xf32>
    %eq3A_1021 = arith.cmpi eq, %slice3A_840, %min3A_977 : vector<1x256xi32>
    %and3A_1022 = arith.andi %eq3A_1020, %eq3A_1021 : vector<1x256xi1>
    %jit3A_1023 = arith.constant -3.000000e+38 : f32
    %broadcast_in_dim3A_1024 = vector.broadcast %jit3A_1023 : f32 to vector<1x256xf32>
    %select_n3A_1025 = arith.select %and3A_1022, %slice3A_841, %broadcast_in_dim3A_1024 : vector<1x256xi1>, vector<1x256xf32>
    %eq3A_1026 = arith.cmpf oeq, %slice3A_844, %max3A_898 : vector<1x256xf32>
    %eq3A_1027 = arith.cmpi eq, %slice3A_845, %min3A_977 : vector<1x256xi32>
    %and3A_1028 = arith.andi %eq3A_1026, %eq3A_1027 : vector<1x256xi1>
    %jit3A_1029 = arith.constant -3.000000e+38 : f32
    %broadcast_in_dim3A_1030 = vector.broadcast %jit3A_1029 : f32 to vector<1x256xf32>
    %select_n3A_1031 = arith.select %and3A_1028, %slice3A_846, %broadcast_in_dim3A_1030 : vector<1x256xi1>, vector<1x256xf32>
    %eq3A_1032 = arith.cmpf oeq, %slice3A_849, %max3A_898 : vector<1x256xf32>
    %eq3A_1033 = arith.cmpi eq, %slice3A_850, %min3A_977 : vector<1x256xi32>
    %and3A_1034 = arith.andi %eq3A_1032, %eq3A_1033 : vector<1x256xi1>
    %jit3A_1035 = arith.constant -3.000000e+38 : f32
    %broadcast_in_dim3A_1036 = vector.broadcast %jit3A_1035 : f32 to vector<1x256xf32>
    %select_n3A_1037 = arith.select %and3A_1034, %slice3A_851, %broadcast_in_dim3A_1036 : vector<1x256xi1>, vector<1x256xf32>
    %eq3A_1038 = arith.cmpf oeq, %slice3A_854, %max3A_898 : vector<1x256xf32>
    %eq3A_1039 = arith.cmpi eq, %slice3A_855, %min3A_977 : vector<1x256xi32>
    %and3A_1040 = arith.andi %eq3A_1038, %eq3A_1039 : vector<1x256xi1>
    %jit3A_1041 = arith.constant -3.000000e+38 : f32
    %broadcast_in_dim3A_1042 = vector.broadcast %jit3A_1041 : f32 to vector<1x256xf32>
    %select_n3A_1043 = arith.select %and3A_1040, %slice3A_856, %broadcast_in_dim3A_1042 : vector<1x256xi1>, vector<1x256xf32>
    %eq3A_1044 = arith.cmpf oeq, %slice3A_859, %max3A_898 : vector<1x256xf32>
    %eq3A_1045 = arith.cmpi eq, %slice3A_860, %min3A_977 : vector<1x256xi32>
    %and3A_1046 = arith.andi %eq3A_1044, %eq3A_1045 : vector<1x256xi1>
    %jit3A_1047 = arith.constant -3.000000e+38 : f32
    %broadcast_in_dim3A_1048 = vector.broadcast %jit3A_1047 : f32 to vector<1x256xf32>
    %select_n3A_1049 = arith.select %and3A_1046, %slice3A_861, %broadcast_in_dim3A_1048 : vector<1x256xi1>, vector<1x256xf32>
    %eq3A_1050 = arith.cmpf oeq, %slice3A_864, %max3A_898 : vector<1x256xf32>
    %eq3A_1051 = arith.cmpi eq, %slice3A_865, %min3A_977 : vector<1x256xi32>
    %and3A_1052 = arith.andi %eq3A_1050, %eq3A_1051 : vector<1x256xi1>
    %jit3A_1053 = arith.constant -3.000000e+38 : f32
    %broadcast_in_dim3A_1054 = vector.broadcast %jit3A_1053 : f32 to vector<1x256xf32>
    %select_n3A_1055 = arith.select %and3A_1052, %slice3A_866, %broadcast_in_dim3A_1054 : vector<1x256xi1>, vector<1x256xf32>
    %eq3A_1056 = arith.cmpf oeq, %slice3A_869, %max3A_898 : vector<1x256xf32>
    %eq3A_1057 = arith.cmpi eq, %slice3A_870, %min3A_977 : vector<1x256xi32>
    %and3A_1058 = arith.andi %eq3A_1056, %eq3A_1057 : vector<1x256xi1>
    %jit3A_1059 = arith.constant -3.000000e+38 : f32
    %broadcast_in_dim3A_1060 = vector.broadcast %jit3A_1059 : f32 to vector<1x256xf32>
    %select_n3A_1061 = arith.select %and3A_1058, %slice3A_871, %broadcast_in_dim3A_1060 : vector<1x256xi1>, vector<1x256xf32>
    %eq3A_1062 = arith.cmpf oeq, %slice3A_874, %max3A_898 : vector<1x256xf32>
    %eq3A_1063 = arith.cmpi eq, %slice3A_875, %min3A_977 : vector<1x256xi32>
    %and3A_1064 = arith.andi %eq3A_1062, %eq3A_1063 : vector<1x256xi1>
    %jit3A_1065 = arith.constant -3.000000e+38 : f32
    %broadcast_in_dim3A_1066 = vector.broadcast %jit3A_1065 : f32 to vector<1x256xf32>
    %select_n3A_1067 = arith.select %and3A_1064, %slice3A_876, %broadcast_in_dim3A_1066 : vector<1x256xi1>, vector<1x256xf32>
    %eq3A_1068 = arith.cmpf oeq, %slice3A_879, %max3A_898 : vector<1x256xf32>
    %eq3A_1069 = arith.cmpi eq, %slice3A_880, %min3A_977 : vector<1x256xi32>
    %and3A_1070 = arith.andi %eq3A_1068, %eq3A_1069 : vector<1x256xi1>
    %jit3A_1071 = arith.constant -3.000000e+38 : f32
    %broadcast_in_dim3A_1072 = vector.broadcast %jit3A_1071 : f32 to vector<1x256xf32>
    %select_n3A_1073 = arith.select %and3A_1070, %slice3A_881, %broadcast_in_dim3A_1072 : vector<1x256xi1>, vector<1x256xf32>
    %max3A_1074 = arith.maximumf %select_n3A_983, %select_n3A_989 : vector<1x256xf32>
    %max3A_1075 = arith.maximumf %max3A_1074, %select_n3A_995 : vector<1x256xf32>
    %max3A_1076 = arith.maximumf %max3A_1075, %select_n3A_1001 : vector<1x256xf32>
    %max3A_1077 = arith.maximumf %max3A_1076, %select_n3A_1007 : vector<1x256xf32>
    %max3A_1078 = arith.maximumf %max3A_1077, %select_n3A_1013 : vector<1x256xf32>
    %max3A_1079 = arith.maximumf %max3A_1078, %select_n3A_1019 : vector<1x256xf32>
    %max3A_1080 = arith.maximumf %max3A_1079, %select_n3A_1025 : vector<1x256xf32>
    %max3A_1081 = arith.maximumf %max3A_1080, %select_n3A_1031 : vector<1x256xf32>
    %max3A_1082 = arith.maximumf %max3A_1081, %select_n3A_1037 : vector<1x256xf32>
    %max3A_1083 = arith.maximumf %max3A_1082, %select_n3A_1043 : vector<1x256xf32>
    %max3A_1084 = arith.maximumf %max3A_1083, %select_n3A_1049 : vector<1x256xf32>
    %max3A_1085 = arith.maximumf %max3A_1084, %select_n3A_1055 : vector<1x256xf32>
    %max3A_1086 = arith.maximumf %max3A_1085, %select_n3A_1061 : vector<1x256xf32>
    %max3A_1087 = arith.maximumf %max3A_1086, %select_n3A_1067 : vector<1x256xf32>
    %max3A_1088 = arith.maximumf %max3A_1087, %select_n3A_1073 : vector<1x256xf32>
    %add3A_1089 = arith.constant 0.000000e+00 : f32
    %add3A_1090 = vector.broadcast %add3A_1089 : f32 to vector<1x256xf32>
    %add3A_1091 = arith.addf %add3A_1090, %slice3A_807 : vector<1x256xf32>
    %add3A_1092 = arith.addf %add3A_1091, %slice3A_812 : vector<1x256xf32>
    %add3A_1093 = arith.addf %add3A_1092, %slice3A_817 : vector<1x256xf32>
    %add3A_1094 = arith.addf %add3A_1093, %slice3A_822 : vector<1x256xf32>
    %add3A_1095 = arith.addf %add3A_1094, %slice3A_827 : vector<1x256xf32>
    %add3A_1096 = arith.addf %add3A_1095, %slice3A_832 : vector<1x256xf32>
    %add3A_1097 = arith.addf %add3A_1096, %slice3A_837 : vector<1x256xf32>
    %add3A_1098 = arith.addf %add3A_1097, %slice3A_842 : vector<1x256xf32>
    %add3A_1099 = arith.addf %add3A_1098, %slice3A_847 : vector<1x256xf32>
    %add3A_1100 = arith.addf %add3A_1099, %slice3A_852 : vector<1x256xf32>
    %add3A_1101 = arith.addf %add3A_1100, %slice3A_857 : vector<1x256xf32>
    %add3A_1102 = arith.addf %add3A_1101, %slice3A_862 : vector<1x256xf32>
    %add3A_1103 = arith.addf %add3A_1102, %slice3A_867 : vector<1x256xf32>
    %add3A_1104 = arith.addf %add3A_1103, %slice3A_872 : vector<1x256xf32>
    %add3A_1105 = arith.addf %add3A_1104, %slice3A_877 : vector<1x256xf32>
    %add3A_1106 = arith.addf %add3A_1105, %slice3A_882 : vector<1x256xf32>
    %add3A_1107 = arith.constant 0.000000e+00 : f32
    %add3A_1108 = vector.broadcast %add3A_1107 : f32 to vector<1x256xf32>
    %add3A_1109 = arith.addf %add3A_1108, %slice3A_808 : vector<1x256xf32>
    %add3A_1110 = arith.addf %add3A_1109, %slice3A_813 : vector<1x256xf32>
    %add3A_1111 = arith.addf %add3A_1110, %slice3A_818 : vector<1x256xf32>
    %add3A_1112 = arith.addf %add3A_1111, %slice3A_823 : vector<1x256xf32>
    %add3A_1113 = arith.addf %add3A_1112, %slice3A_828 : vector<1x256xf32>
    %add3A_1114 = arith.addf %add3A_1113, %slice3A_833 : vector<1x256xf32>
    %add3A_1115 = arith.addf %add3A_1114, %slice3A_838 : vector<1x256xf32>
    %add3A_1116 = arith.addf %add3A_1115, %slice3A_843 : vector<1x256xf32>
    %add3A_1117 = arith.addf %add3A_1116, %slice3A_848 : vector<1x256xf32>
    %add3A_1118 = arith.addf %add3A_1117, %slice3A_853 : vector<1x256xf32>
    %add3A_1119 = arith.addf %add3A_1118, %slice3A_858 : vector<1x256xf32>
    %add3A_1120 = arith.addf %add3A_1119, %slice3A_863 : vector<1x256xf32>
    %add3A_1121 = arith.addf %add3A_1120, %slice3A_868 : vector<1x256xf32>
    %add3A_1122 = arith.addf %add3A_1121, %slice3A_873 : vector<1x256xf32>
    %add3A_1123 = arith.addf %add3A_1122, %slice3A_878 : vector<1x256xf32>
    %add3A_1124 = arith.addf %add3A_1123, %slice3A_883 : vector<1x256xf32>
    %log3A_1125 = math.log %add3A_1106 : vector<1x256xf32>
    %swap3A_1126 = arith.constant 2 : index
    %swap3A_1127 = arith.constant 0 : index
    %swap3A_1128 = vector.load %arg5[%swap3A_1126, %swap3A_1127] : memref<4x256xi32, #tpu.memory_space<vmem>>, vector<1x256xi32>
    tpu.vector_store %arg5[%swap3A_1126, %swap3A_1127], %min3A_977 {strides = array<i32>} : memref<4x256xi32, #tpu.memory_space<vmem>>, vector<1x256xi32>,
    %sub3A_1129 = arith.subf %max3A_1088, %log3A_1125 : vector<1x256xf32>
    %swap3A_1130 = arith.constant 2 : index
    %swap3A_1131 = arith.constant 0 : index
    %swap3A_1132 = vector.load %arg6[%swap3A_1130, %swap3A_1131] : memref<4x256xf32, #tpu.memory_space<vmem>>, vector<1x256xf32>
    tpu.vector_store %arg6[%swap3A_1130, %swap3A_1131], %sub3A_1129 {strides = array<i32>} : memref<4x256xf32, #tpu.memory_space<vmem>>, vector<1x256xf32>,
    %div3A_1133 = arith.divf %add3A_1124, %add3A_1106 : vector<1x256xf32>
    %sub3A_1134 = arith.subf %div3A_1133, %log3A_1125 : vector<1x256xf32>
    %swap3A_1135 = arith.constant 2 : index
    %swap3A_1136 = arith.constant 0 : index
    %swap3A_1137 = vector.load %arg7[%swap3A_1135, %swap3A_1136] : memref<4x256xf32, #tpu.memory_space<vmem>>, vector<1x256xf32>
    tpu.vector_store %arg7[%swap3A_1135, %swap3A_1136], %sub3A_1134 {strides = array<i32>} : memref<4x256xf32, #tpu.memory_space<vmem>>, vector<1x256xf32>,
    %get3A_1138 = arith.constant 3 : index
    %get3A_1139 = arith.constant 0 : index
    %get3A_1140 = arith.constant 0 : index
    %get3A_1141 = vector.load %arg0[%get3A_1138, %get3A_1139, %get3A_1140] : memref<4x32x4352xf32, #tpu.memory_space<vmem>>, vector<1x32x4352xf32>
    %get3A_1142 = vector.shape_cast %get3A_1141 : vector<1x32x4352xf32> to vector<32x4352xf32>
    %get3A_1143 = arith.constant 3 : index
    %get3A_1144 = arith.constant 0 : index
    %get3A_1145 = arith.constant 0 : index
    %get3A_1146 = vector.load %arg1[%get3A_1143, %get3A_1144, %get3A_1145] : memref<4x32x4352xi32, #tpu.memory_space<vmem>>, vector<1x32x4352xi32>
    %get3A_1147 = vector.shape_cast %get3A_1146 : vector<1x32x4352xi32> to vector<32x4352xi32>
    %get3A_1148 = arith.constant 3 : index
    %get3A_1149 = arith.constant 0 : index
    %get3A_1150 = arith.constant 0 : index
    %get3A_1151 = vector.load %arg2[%get3A_1148, %get3A_1149, %get3A_1150] : memref<4x32x4352xf32, #tpu.memory_space<vmem>>, vector<1x32x4352xf32>
    %get3A_1152 = vector.shape_cast %get3A_1151 : vector<1x32x4352xf32> to vector<32x4352xf32>
    %reduce_max3A_1153 = arith.constant dense<0xFF800000> : vector<4352xf32>
    %reduce_max3A_1154 = vector.multi_reduction <maximumf>, %get3A_1142, %reduce_max3A_1153 [0] : vector<32x4352xf32> to vector<4352xf32>
    %broadcast_in_dim3A_1155 = vector.shape_cast %reduce_max3A_1154 : vector<4352xf32> to vector<1x4352xf32>
    %eq3A_1156 = vector.broadcast %broadcast_in_dim3A_1155 : vector<1x4352xf32> to vector<32x4352xf32>
    %eq3A_1157 = arith.cmpf oeq, %get3A_1142, %eq3A_1156 : vector<32x4352xf32>
    %jit3A_1158 = arith.constant 2147483647 : i32
    %broadcast_in_dim3A_1159 = vector.broadcast %jit3A_1158 : i32 to vector<32x4352xi32>
    %select_n3A_1160 = arith.select %eq3A_1157, %get3A_1147, %broadcast_in_dim3A_1159 : vector<32x4352xi1>, vector<32x4352xi32>
    %reduce_min3A_1161 = arith.constant dense<2147483647> : vector<4352xi32>
    %reduce_min3A_1162 = vector.multi_reduction <minsi>, %select_n3A_1160, %reduce_min3A_1161 [0] : vector<32x4352xi32> to vector<4352xi32>
    %broadcast_in_dim3A_1163 = vector.shape_cast %reduce_min3A_1162 : vector<4352xi32> to vector<1x4352xi32>
    %eq3A_1164 = vector.broadcast %broadcast_in_dim3A_1163 : vector<1x4352xi32> to vector<32x4352xi32>
    %eq3A_1165 = arith.cmpi eq, %get3A_1147, %eq3A_1164 : vector<32x4352xi32>
    %and3A_1166 = arith.andi %eq3A_1157, %eq3A_1165 : vector<32x4352xi1>
    %jit3A_1167 = arith.constant -3.000000e+38 : f32
    %broadcast_in_dim3A_1168 = vector.broadcast %jit3A_1167 : f32 to vector<32x4352xf32>
    %select_n3A_1169 = arith.select %and3A_1166, %get3A_1152, %broadcast_in_dim3A_1168 : vector<32x4352xi1>, vector<32x4352xf32>
    %reduce_max3A_1170 = arith.constant dense<0xFF800000> : vector<4352xf32>
    %reduce_max3A_1171 = vector.multi_reduction <maximumf>, %select_n3A_1169, %reduce_max3A_1170 [0] : vector<32x4352xf32> to vector<4352xf32>
    %broadcast_in_dim3A_1172 = vector.shape_cast %reduce_max3A_1171 : vector<4352xf32> to vector<1x4352xf32>
    %get3A_1173 = arith.constant 3 : index
    %get3A_1174 = arith.constant 0 : index
    %get3A_1175 = arith.constant 0 : index
    %get3A_1176 = vector.load %arg3[%get3A_1173, %get3A_1174, %get3A_1175] : memref<4x32x4352xf32, #tpu.memory_space<vmem>>, vector<1x32x4352xf32>
    %get3A_1177 = vector.shape_cast %get3A_1176 : vector<1x32x4352xf32> to vector<32x4352xf32>
    %reduce_sum3A_1178 = arith.constant dense<0.000000e+00> : vector<4352xf32>
    %reduce_sum3A_1179 = vector.multi_reduction <add>, %get3A_1177, %reduce_sum3A_1178 [0] : vector<32x4352xf32> to vector<4352xf32>
    %broadcast_in_dim3A_1180 = vector.shape_cast %reduce_sum3A_1179 : vector<4352xf32> to vector<1x4352xf32>
    %get3A_1181 = arith.constant 3 : index
    %get3A_1182 = arith.constant 0 : index
    %get3A_1183 = arith.constant 0 : index
    %get3A_1184 = vector.load %arg4[%get3A_1181, %get3A_1182, %get3A_1183] : memref<4x32x4352xf32, #tpu.memory_space<vmem>>, vector<1x32x4352xf32>
    %get3A_1185 = vector.shape_cast %get3A_1184 : vector<1x32x4352xf32> to vector<32x4352xf32>
    %reduce_sum3A_1186 = arith.constant dense<0.000000e+00> : vector<4352xf32>
    %reduce_sum3A_1187 = vector.multi_reduction <add>, %get3A_1185, %reduce_sum3A_1186 [0] : vector<32x4352xf32> to vector<4352xf32>
    %broadcast_in_dim3A_1188 = vector.shape_cast %reduce_sum3A_1187 : vector<4352xf32> to vector<1x4352xf32>
    %slice3A_1189 = vector.extract_strided_slice %broadcast_in_dim3A_1155 {offsets = [0, 0], sizes = [1, 256], strides = [1, 1]} : vector<1x4352xf32> to vector<1x256xf32>
    %slice3A_1190 = vector.extract_strided_slice %broadcast_in_dim3A_1163 {offsets = [0, 0], sizes = [1, 256], strides = [1, 1]} : vector<1x4352xi32> to vector<1x256xi32>
    %slice3A_1191 = vector.extract_strided_slice %broadcast_in_dim3A_1172 {offsets = [0, 0], sizes = [1, 256], strides = [1, 1]} : vector<1x4352xf32> to vector<1x256xf32>
    %slice3A_1192 = vector.extract_strided_slice %broadcast_in_dim3A_1180 {offsets = [0, 0], sizes = [1, 256], strides = [1, 1]} : vector<1x4352xf32> to vector<1x256xf32>
    %slice3A_1193 = vector.extract_strided_slice %broadcast_in_dim3A_1188 {offsets = [0, 0], sizes = [1, 256], strides = [1, 1]} : vector<1x4352xf32> to vector<1x256xf32>
    %slice3A_1194 = vector.extract_strided_slice %broadcast_in_dim3A_1155 {offsets = [0, 272], sizes = [1, 256], strides = [1, 1]} : vector<1x4352xf32> to vector<1x256xf32>
    %slice3A_1195 = vector.extract_strided_slice %broadcast_in_dim3A_1163 {offsets = [0, 272], sizes = [1, 256], strides = [1, 1]} : vector<1x4352xi32> to vector<1x256xi32>
    %slice3A_1196 = vector.extract_strided_slice %broadcast_in_dim3A_1172 {offsets = [0, 272], sizes = [1, 256], strides = [1, 1]} : vector<1x4352xf32> to vector<1x256xf32>
    %slice3A_1197 = vector.extract_strided_slice %broadcast_in_dim3A_1180 {offsets = [0, 272], sizes = [1, 256], strides = [1, 1]} : vector<1x4352xf32> to vector<1x256xf32>
    %slice3A_1198 = vector.extract_strided_slice %broadcast_in_dim3A_1188 {offsets = [0, 272], sizes = [1, 256], strides = [1, 1]} : vector<1x4352xf32> to vector<1x256xf32>
    %slice3A_1199 = vector.extract_strided_slice %broadcast_in_dim3A_1155 {offsets = [0, 544], sizes = [1, 256], strides = [1, 1]} : vector<1x4352xf32> to vector<1x256xf32>
    %slice3A_1200 = vector.extract_strided_slice %broadcast_in_dim3A_1163 {offsets = [0, 544], sizes = [1, 256], strides = [1, 1]} : vector<1x4352xi32> to vector<1x256xi32>
    %slice3A_1201 = vector.extract_strided_slice %broadcast_in_dim3A_1172 {offsets = [0, 544], sizes = [1, 256], strides = [1, 1]} : vector<1x4352xf32> to vector<1x256xf32>
    %slice3A_1202 = vector.extract_strided_slice %broadcast_in_dim3A_1180 {offsets = [0, 544], sizes = [1, 256], strides = [1, 1]} : vector<1x4352xf32> to vector<1x256xf32>
    %slice3A_1203 = vector.extract_strided_slice %broadcast_in_dim3A_1188 {offsets = [0, 544], sizes = [1, 256], strides = [1, 1]} : vector<1x4352xf32> to vector<1x256xf32>
    %slice3A_1204 = vector.extract_strided_slice %broadcast_in_dim3A_1155 {offsets = [0, 816], sizes = [1, 256], strides = [1, 1]} : vector<1x4352xf32> to vector<1x256xf32>
    %slice3A_1205 = vector.extract_strided_slice %broadcast_in_dim3A_1163 {offsets = [0, 816], sizes = [1, 256], strides = [1, 1]} : vector<1x4352xi32> to vector<1x256xi32>
    %slice3A_1206 = vector.extract_strided_slice %broadcast_in_dim3A_1172 {offsets = [0, 816], sizes = [1, 256], strides = [1, 1]} : vector<1x4352xf32> to vector<1x256xf32>
    %slice3A_1207 = vector.extract_strided_slice %broadcast_in_dim3A_1180 {offsets = [0, 816], sizes = [1, 256], strides = [1, 1]} : vector<1x4352xf32> to vector<1x256xf32>
    %slice3A_1208 = vector.extract_strided_slice %broadcast_in_dim3A_1188 {offsets = [0, 816], sizes = [1, 256], strides = [1, 1]} : vector<1x4352xf32> to vector<1x256xf32>
    %slice3A_1209 = vector.extract_strided_slice %broadcast_in_dim3A_1155 {offsets = [0, 1088], sizes = [1, 256], strides = [1, 1]} : vector<1x4352xf32> to vector<1x256xf32>
    %slice3A_1210 = vector.extract_strided_slice %broadcast_in_dim3A_1163 {offsets = [0, 1088], sizes = [1, 256], strides = [1, 1]} : vector<1x4352xi32> to vector<1x256xi32>
    %slice3A_1211 = vector.extract_strided_slice %broadcast_in_dim3A_1172 {offsets = [0, 1088], sizes = [1, 256], strides = [1, 1]} : vector<1x4352xf32> to vector<1x256xf32>
    %slice3A_1212 = vector.extract_strided_slice %broadcast_in_dim3A_1180 {offsets = [0, 1088], sizes = [1, 256], strides = [1, 1]} : vector<1x4352xf32> to vector<1x256xf32>
    %slice3A_1213 = vector.extract_strided_slice %broadcast_in_dim3A_1188 {offsets = [0, 1088], sizes = [1, 256], strides = [1, 1]} : vector<1x4352xf32> to vector<1x256xf32>
    %slice3A_1214 = vector.extract_strided_slice %broadcast_in_dim3A_1155 {offsets = [0, 1360], sizes = [1, 256], strides = [1, 1]} : vector<1x4352xf32> to vector<1x256xf32>
    %slice3A_1215 = vector.extract_strided_slice %broadcast_in_dim3A_1163 {offsets = [0, 1360], sizes = [1, 256], strides = [1, 1]} : vector<1x4352xi32> to vector<1x256xi32>
    %slice3A_1216 = vector.extract_strided_slice %broadcast_in_dim3A_1172 {offsets = [0, 1360], sizes = [1, 256], strides = [1, 1]} : vector<1x4352xf32> to vector<1x256xf32>
    %slice3A_1217 = vector.extract_strided_slice %broadcast_in_dim3A_1180 {offsets = [0, 1360], sizes = [1, 256], strides = [1, 1]} : vector<1x4352xf32> to vector<1x256xf32>
    %slice3A_1218 = vector.extract_strided_slice %broadcast_in_dim3A_1188 {offsets = [0, 1360], sizes = [1, 256], strides = [1, 1]} : vector<1x4352xf32> to vector<1x256xf32>
    %slice3A_1219 = vector.extract_strided_slice %broadcast_in_dim3A_1155 {offsets = [0, 1632], sizes = [1, 256], strides = [1, 1]} : vector<1x4352xf32> to vector<1x256xf32>
    %slice3A_1220 = vector.extract_strided_slice %broadcast_in_dim3A_1163 {offsets = [0, 1632], sizes = [1, 256], strides = [1, 1]} : vector<1x4352xi32> to vector<1x256xi32>
    %slice3A_1221 = vector.extract_strided_slice %broadcast_in_dim3A_1172 {offsets = [0, 1632], sizes = [1, 256], strides = [1, 1]} : vector<1x4352xf32> to vector<1x256xf32>
    %slice3A_1222 = vector.extract_strided_slice %broadcast_in_dim3A_1180 {offsets = [0, 1632], sizes = [1, 256], strides = [1, 1]} : vector<1x4352xf32> to vector<1x256xf32>
    %slice3A_1223 = vector.extract_strided_slice %broadcast_in_dim3A_1188 {offsets = [0, 1632], sizes = [1, 256], strides = [1, 1]} : vector<1x4352xf32> to vector<1x256xf32>
    %slice3A_1224 = vector.extract_strided_slice %broadcast_in_dim3A_1155 {offsets = [0, 1904], sizes = [1, 256], strides = [1, 1]} : vector<1x4352xf32> to vector<1x256xf32>
    %slice3A_1225 = vector.extract_strided_slice %broadcast_in_dim3A_1163 {offsets = [0, 1904], sizes = [1, 256], strides = [1, 1]} : vector<1x4352xi32> to vector<1x256xi32>
    %slice3A_1226 = vector.extract_strided_slice %broadcast_in_dim3A_1172 {offsets = [0, 1904], sizes = [1, 256], strides = [1, 1]} : vector<1x4352xf32> to vector<1x256xf32>
    %slice3A_1227 = vector.extract_strided_slice %broadcast_in_dim3A_1180 {offsets = [0, 1904], sizes = [1, 256], strides = [1, 1]} : vector<1x4352xf32> to vector<1x256xf32>
    %slice3A_1228 = vector.extract_strided_slice %broadcast_in_dim3A_1188 {offsets = [0, 1904], sizes = [1, 256], strides = [1, 1]} : vector<1x4352xf32> to vector<1x256xf32>
    %slice3A_1229 = vector.extract_strided_slice %broadcast_in_dim3A_1155 {offsets = [0, 2176], sizes = [1, 256], strides = [1, 1]} : vector<1x4352xf32> to vector<1x256xf32>
    %slice3A_1230 = vector.extract_strided_slice %broadcast_in_dim3A_1163 {offsets = [0, 2176], sizes = [1, 256], strides = [1, 1]} : vector<1x4352xi32> to vector<1x256xi32>
    %slice3A_1231 = vector.extract_strided_slice %broadcast_in_dim3A_1172 {offsets = [0, 2176], sizes = [1, 256], strides = [1, 1]} : vector<1x4352xf32> to vector<1x256xf32>
    %slice3A_1232 = vector.extract_strided_slice %broadcast_in_dim3A_1180 {offsets = [0, 2176], sizes = [1, 256], strides = [1, 1]} : vector<1x4352xf32> to vector<1x256xf32>
    %slice3A_1233 = vector.extract_strided_slice %broadcast_in_dim3A_1188 {offsets = [0, 2176], sizes = [1, 256], strides = [1, 1]} : vector<1x4352xf32> to vector<1x256xf32>
    %slice3A_1234 = vector.extract_strided_slice %broadcast_in_dim3A_1155 {offsets = [0, 2448], sizes = [1, 256], strides = [1, 1]} : vector<1x4352xf32> to vector<1x256xf32>
    %slice3A_1235 = vector.extract_strided_slice %broadcast_in_dim3A_1163 {offsets = [0, 2448], sizes = [1, 256], strides = [1, 1]} : vector<1x4352xi32> to vector<1x256xi32>
    %slice3A_1236 = vector.extract_strided_slice %broadcast_in_dim3A_1172 {offsets = [0, 2448], sizes = [1, 256], strides = [1, 1]} : vector<1x4352xf32> to vector<1x256xf32>
    %slice3A_1237 = vector.extract_strided_slice %broadcast_in_dim3A_1180 {offsets = [0, 2448], sizes = [1, 256], strides = [1, 1]} : vector<1x4352xf32> to vector<1x256xf32>
    %slice3A_1238 = vector.extract_strided_slice %broadcast_in_dim3A_1188 {offsets = [0, 2448], sizes = [1, 256], strides = [1, 1]} : vector<1x4352xf32> to vector<1x256xf32>
    %slice3A_1239 = vector.extract_strided_slice %broadcast_in_dim3A_1155 {offsets = [0, 2720], sizes = [1, 256], strides = [1, 1]} : vector<1x4352xf32> to vector<1x256xf32>
    %slice3A_1240 = vector.extract_strided_slice %broadcast_in_dim3A_1163 {offsets = [0, 2720], sizes = [1, 256], strides = [1, 1]} : vector<1x4352xi32> to vector<1x256xi32>
    %slice3A_1241 = vector.extract_strided_slice %broadcast_in_dim3A_1172 {offsets = [0, 2720], sizes = [1, 256], strides = [1, 1]} : vector<1x4352xf32> to vector<1x256xf32>
    %slice3A_1242 = vector.extract_strided_slice %broadcast_in_dim3A_1180 {offsets = [0, 2720], sizes = [1, 256], strides = [1, 1]} : vector<1x4352xf32> to vector<1x256xf32>
    %slice3A_1243 = vector.extract_strided_slice %broadcast_in_dim3A_1188 {offsets = [0, 2720], sizes = [1, 256], strides = [1, 1]} : vector<1x4352xf32> to vector<1x256xf32>
    %slice3A_1244 = vector.extract_strided_slice %broadcast_in_dim3A_1155 {offsets = [0, 2992], sizes = [1, 256], strides = [1, 1]} : vector<1x4352xf32> to vector<1x256xf32>
    %slice3A_1245 = vector.extract_strided_slice %broadcast_in_dim3A_1163 {offsets = [0, 2992], sizes = [1, 256], strides = [1, 1]} : vector<1x4352xi32> to vector<1x256xi32>
    %slice3A_1246 = vector.extract_strided_slice %broadcast_in_dim3A_1172 {offsets = [0, 2992], sizes = [1, 256], strides = [1, 1]} : vector<1x4352xf32> to vector<1x256xf32>
    %slice3A_1247 = vector.extract_strided_slice %broadcast_in_dim3A_1180 {offsets = [0, 2992], sizes = [1, 256], strides = [1, 1]} : vector<1x4352xf32> to vector<1x256xf32>
    %slice3A_1248 = vector.extract_strided_slice %broadcast_in_dim3A_1188 {offsets = [0, 2992], sizes = [1, 256], strides = [1, 1]} : vector<1x4352xf32> to vector<1x256xf32>
    %slice3A_1249 = vector.extract_strided_slice %broadcast_in_dim3A_1155 {offsets = [0, 3264], sizes = [1, 256], strides = [1, 1]} : vector<1x4352xf32> to vector<1x256xf32>
    %slice3A_1250 = vector.extract_strided_slice %broadcast_in_dim3A_1163 {offsets = [0, 3264], sizes = [1, 256], strides = [1, 1]} : vector<1x4352xi32> to vector<1x256xi32>
    %slice3A_1251 = vector.extract_strided_slice %broadcast_in_dim3A_1172 {offsets = [0, 3264], sizes = [1, 256], strides = [1, 1]} : vector<1x4352xf32> to vector<1x256xf32>
    %slice3A_1252 = vector.extract_strided_slice %broadcast_in_dim3A_1180 {offsets = [0, 3264], sizes = [1, 256], strides = [1, 1]} : vector<1x4352xf32> to vector<1x256xf32>
    %slice3A_1253 = vector.extract_strided_slice %broadcast_in_dim3A_1188 {offsets = [0, 3264], sizes = [1, 256], strides = [1, 1]} : vector<1x4352xf32> to vector<1x256xf32>
    %slice3A_1254 = vector.extract_strided_slice %broadcast_in_dim3A_1155 {offsets = [0, 3536], sizes = [1, 256], strides = [1, 1]} : vector<1x4352xf32> to vector<1x256xf32>
    %slice3A_1255 = vector.extract_strided_slice %broadcast_in_dim3A_1163 {offsets = [0, 3536], sizes = [1, 256], strides = [1, 1]} : vector<1x4352xi32> to vector<1x256xi32>
    %slice3A_1256 = vector.extract_strided_slice %broadcast_in_dim3A_1172 {offsets = [0, 3536], sizes = [1, 256], strides = [1, 1]} : vector<1x4352xf32> to vector<1x256xf32>
    %slice3A_1257 = vector.extract_strided_slice %broadcast_in_dim3A_1180 {offsets = [0, 3536], sizes = [1, 256], strides = [1, 1]} : vector<1x4352xf32> to vector<1x256xf32>
    %slice3A_1258 = vector.extract_strided_slice %broadcast_in_dim3A_1188 {offsets = [0, 3536], sizes = [1, 256], strides = [1, 1]} : vector<1x4352xf32> to vector<1x256xf32>
    %slice3A_1259 = vector.extract_strided_slice %broadcast_in_dim3A_1155 {offsets = [0, 3808], sizes = [1, 256], strides = [1, 1]} : vector<1x4352xf32> to vector<1x256xf32>
    %slice3A_1260 = vector.extract_strided_slice %broadcast_in_dim3A_1163 {offsets = [0, 3808], sizes = [1, 256], strides = [1, 1]} : vector<1x4352xi32> to vector<1x256xi32>
    %slice3A_1261 = vector.extract_strided_slice %broadcast_in_dim3A_1172 {offsets = [0, 3808], sizes = [1, 256], strides = [1, 1]} : vector<1x4352xf32> to vector<1x256xf32>
    %slice3A_1262 = vector.extract_strided_slice %broadcast_in_dim3A_1180 {offsets = [0, 3808], sizes = [1, 256], strides = [1, 1]} : vector<1x4352xf32> to vector<1x256xf32>
    %slice3A_1263 = vector.extract_strided_slice %broadcast_in_dim3A_1188 {offsets = [0, 3808], sizes = [1, 256], strides = [1, 1]} : vector<1x4352xf32> to vector<1x256xf32>
    %slice3A_1264 = vector.extract_strided_slice %broadcast_in_dim3A_1155 {offsets = [0, 4080], sizes = [1, 256], strides = [1, 1]} : vector<1x4352xf32> to vector<1x256xf32>
    %slice3A_1265 = vector.extract_strided_slice %broadcast_in_dim3A_1163 {offsets = [0, 4080], sizes = [1, 256], strides = [1, 1]} : vector<1x4352xi32> to vector<1x256xi32>
    %slice3A_1266 = vector.extract_strided_slice %broadcast_in_dim3A_1172 {offsets = [0, 4080], sizes = [1, 256], strides = [1, 1]} : vector<1x4352xf32> to vector<1x256xf32>
    %slice3A_1267 = vector.extract_strided_slice %broadcast_in_dim3A_1180 {offsets = [0, 4080], sizes = [1, 256], strides = [1, 1]} : vector<1x4352xf32> to vector<1x256xf32>
    %slice3A_1268 = vector.extract_strided_slice %broadcast_in_dim3A_1188 {offsets = [0, 4080], sizes = [1, 256], strides = [1, 1]} : vector<1x4352xf32> to vector<1x256xf32>
    %max3A_1269 = arith.maximumf %slice3A_1189, %slice3A_1194 : vector<1x256xf32>
    %max3A_1270 = arith.maximumf %max3A_1269, %slice3A_1199 : vector<1x256xf32>
    %max3A_1271 = arith.maximumf %max3A_1270, %slice3A_1204 : vector<1x256xf32>
    %max3A_1272 = arith.maximumf %max3A_1271, %slice3A_1209 : vector<1x256xf32>
    %max3A_1273 = arith.maximumf %max3A_1272, %slice3A_1214 : vector<1x256xf32>
    %max3A_1274 = arith.maximumf %max3A_1273, %slice3A_1219 : vector<1x256xf32>
    %max3A_1275 = arith.maximumf %max3A_1274, %slice3A_1224 : vector<1x256xf32>
    %max3A_1276 = arith.maximumf %max3A_1275, %slice3A_1229 : vector<1x256xf32>
    %max3A_1277 = arith.maximumf %max3A_1276, %slice3A_1234 : vector<1x256xf32>
    %max3A_1278 = arith.maximumf %max3A_1277, %slice3A_1239 : vector<1x256xf32>
    %max3A_1279 = arith.maximumf %max3A_1278, %slice3A_1244 : vector<1x256xf32>
    %max3A_1280 = arith.maximumf %max3A_1279, %slice3A_1249 : vector<1x256xf32>
    %max3A_1281 = arith.maximumf %max3A_1280, %slice3A_1254 : vector<1x256xf32>
    %max3A_1282 = arith.maximumf %max3A_1281, %slice3A_1259 : vector<1x256xf32>
    %max3A_1283 = arith.maximumf %max3A_1282, %slice3A_1264 : vector<1x256xf32>
    %eq3A_1284 = arith.cmpf oeq, %slice3A_1189, %max3A_1283 : vector<1x256xf32>
    %jit3A_1285 = arith.constant 2147483647 : i32
    %broadcast_in_dim3A_1286 = vector.broadcast %jit3A_1285 : i32 to vector<1x256xi32>
    %select_n3A_1287 = arith.select %eq3A_1284, %slice3A_1190, %broadcast_in_dim3A_1286 : vector<1x256xi1>, vector<1x256xi32>
    %eq3A_1288 = arith.cmpf oeq, %slice3A_1194, %max3A_1283 : vector<1x256xf32>
    %jit3A_1289 = arith.constant 2147483647 : i32
    %broadcast_in_dim3A_1290 = vector.broadcast %jit3A_1289 : i32 to vector<1x256xi32>
    %select_n3A_1291 = arith.select %eq3A_1288, %slice3A_1195, %broadcast_in_dim3A_1290 : vector<1x256xi1>, vector<1x256xi32>
    %eq3A_1292 = arith.cmpf oeq, %slice3A_1199, %max3A_1283 : vector<1x256xf32>
    %jit3A_1293 = arith.constant 2147483647 : i32
    %broadcast_in_dim3A_1294 = vector.broadcast %jit3A_1293 : i32 to vector<1x256xi32>
    %select_n3A_1295 = arith.select %eq3A_1292, %slice3A_1200, %broadcast_in_dim3A_1294 : vector<1x256xi1>, vector<1x256xi32>
    %eq3A_1296 = arith.cmpf oeq, %slice3A_1204, %max3A_1283 : vector<1x256xf32>
    %jit3A_1297 = arith.constant 2147483647 : i32
    %broadcast_in_dim3A_1298 = vector.broadcast %jit3A_1297 : i32 to vector<1x256xi32>
    %select_n3A_1299 = arith.select %eq3A_1296, %slice3A_1205, %broadcast_in_dim3A_1298 : vector<1x256xi1>, vector<1x256xi32>
    %eq3A_1300 = arith.cmpf oeq, %slice3A_1209, %max3A_1283 : vector<1x256xf32>
    %jit3A_1301 = arith.constant 2147483647 : i32
    %broadcast_in_dim3A_1302 = vector.broadcast %jit3A_1301 : i32 to vector<1x256xi32>
    %select_n3A_1303 = arith.select %eq3A_1300, %slice3A_1210, %broadcast_in_dim3A_1302 : vector<1x256xi1>, vector<1x256xi32>
    %eq3A_1304 = arith.cmpf oeq, %slice3A_1214, %max3A_1283 : vector<1x256xf32>
    %jit3A_1305 = arith.constant 2147483647 : i32
    %broadcast_in_dim3A_1306 = vector.broadcast %jit3A_1305 : i32 to vector<1x256xi32>
    %select_n3A_1307 = arith.select %eq3A_1304, %slice3A_1215, %broadcast_in_dim3A_1306 : vector<1x256xi1>, vector<1x256xi32>
    %eq3A_1308 = arith.cmpf oeq, %slice3A_1219, %max3A_1283 : vector<1x256xf32>
    %jit3A_1309 = arith.constant 2147483647 : i32
    %broadcast_in_dim3A_1310 = vector.broadcast %jit3A_1309 : i32 to vector<1x256xi32>
    %select_n3A_1311 = arith.select %eq3A_1308, %slice3A_1220, %broadcast_in_dim3A_1310 : vector<1x256xi1>, vector<1x256xi32>
    %eq3A_1312 = arith.cmpf oeq, %slice3A_1224, %max3A_1283 : vector<1x256xf32>
    %jit3A_1313 = arith.constant 2147483647 : i32
    %broadcast_in_dim3A_1314 = vector.broadcast %jit3A_1313 : i32 to vector<1x256xi32>
    %select_n3A_1315 = arith.select %eq3A_1312, %slice3A_1225, %broadcast_in_dim3A_1314 : vector<1x256xi1>, vector<1x256xi32>
    %eq3A_1316 = arith.cmpf oeq, %slice3A_1229, %max3A_1283 : vector<1x256xf32>
    %jit3A_1317 = arith.constant 2147483647 : i32
    %broadcast_in_dim3A_1318 = vector.broadcast %jit3A_1317 : i32 to vector<1x256xi32>
    %select_n3A_1319 = arith.select %eq3A_1316, %slice3A_1230, %broadcast_in_dim3A_1318 : vector<1x256xi1>, vector<1x256xi32>
    %eq3A_1320 = arith.cmpf oeq, %slice3A_1234, %max3A_1283 : vector<1x256xf32>
    %jit3A_1321 = arith.constant 2147483647 : i32
    %broadcast_in_dim3A_1322 = vector.broadcast %jit3A_1321 : i32 to vector<1x256xi32>
    %select_n3A_1323 = arith.select %eq3A_1320, %slice3A_1235, %broadcast_in_dim3A_1322 : vector<1x256xi1>, vector<1x256xi32>
    %eq3A_1324 = arith.cmpf oeq, %slice3A_1239, %max3A_1283 : vector<1x256xf32>
    %jit3A_1325 = arith.constant 2147483647 : i32
    %broadcast_in_dim3A_1326 = vector.broadcast %jit3A_1325 : i32 to vector<1x256xi32>
    %select_n3A_1327 = arith.select %eq3A_1324, %slice3A_1240, %broadcast_in_dim3A_1326 : vector<1x256xi1>, vector<1x256xi32>
    %eq3A_1328 = arith.cmpf oeq, %slice3A_1244, %max3A_1283 : vector<1x256xf32>
    %jit3A_1329 = arith.constant 2147483647 : i32
    %broadcast_in_dim3A_1330 = vector.broadcast %jit3A_1329 : i32 to vector<1x256xi32>
    %select_n3A_1331 = arith.select %eq3A_1328, %slice3A_1245, %broadcast_in_dim3A_1330 : vector<1x256xi1>, vector<1x256xi32>
    %eq3A_1332 = arith.cmpf oeq, %slice3A_1249, %max3A_1283 : vector<1x256xf32>
    %jit3A_1333 = arith.constant 2147483647 : i32
    %broadcast_in_dim3A_1334 = vector.broadcast %jit3A_1333 : i32 to vector<1x256xi32>
    %select_n3A_1335 = arith.select %eq3A_1332, %slice3A_1250, %broadcast_in_dim3A_1334 : vector<1x256xi1>, vector<1x256xi32>
    %eq3A_1336 = arith.cmpf oeq, %slice3A_1254, %max3A_1283 : vector<1x256xf32>
    %jit3A_1337 = arith.constant 2147483647 : i32
    %broadcast_in_dim3A_1338 = vector.broadcast %jit3A_1337 : i32 to vector<1x256xi32>
    %select_n3A_1339 = arith.select %eq3A_1336, %slice3A_1255, %broadcast_in_dim3A_1338 : vector<1x256xi1>, vector<1x256xi32>
    %eq3A_1340 = arith.cmpf oeq, %slice3A_1259, %max3A_1283 : vector<1x256xf32>
    %jit3A_1341 = arith.constant 2147483647 : i32
    %broadcast_in_dim3A_1342 = vector.broadcast %jit3A_1341 : i32 to vector<1x256xi32>
    %select_n3A_1343 = arith.select %eq3A_1340, %slice3A_1260, %broadcast_in_dim3A_1342 : vector<1x256xi1>, vector<1x256xi32>
    %eq3A_1344 = arith.cmpf oeq, %slice3A_1264, %max3A_1283 : vector<1x256xf32>
    %jit3A_1345 = arith.constant 2147483647 : i32
    %broadcast_in_dim3A_1346 = vector.broadcast %jit3A_1345 : i32 to vector<1x256xi32>
    %select_n3A_1347 = arith.select %eq3A_1344, %slice3A_1265, %broadcast_in_dim3A_1346 : vector<1x256xi1>, vector<1x256xi32>
    %min3A_1348 = arith.minsi %select_n3A_1287, %select_n3A_1291 : vector<1x256xi32>
    %min3A_1349 = arith.minsi %min3A_1348, %select_n3A_1295 : vector<1x256xi32>
    %min3A_1350 = arith.minsi %min3A_1349, %select_n3A_1299 : vector<1x256xi32>
    %min3A_1351 = arith.minsi %min3A_1350, %select_n3A_1303 : vector<1x256xi32>
    %min3A_1352 = arith.minsi %min3A_1351, %select_n3A_1307 : vector<1x256xi32>
    %min3A_1353 = arith.minsi %min3A_1352, %select_n3A_1311 : vector<1x256xi32>
    %min3A_1354 = arith.minsi %min3A_1353, %select_n3A_1315 : vector<1x256xi32>
    %min3A_1355 = arith.minsi %min3A_1354, %select_n3A_1319 : vector<1x256xi32>
    %min3A_1356 = arith.minsi %min3A_1355, %select_n3A_1323 : vector<1x256xi32>
    %min3A_1357 = arith.minsi %min3A_1356, %select_n3A_1327 : vector<1x256xi32>
    %min3A_1358 = arith.minsi %min3A_1357, %select_n3A_1331 : vector<1x256xi32>
    %min3A_1359 = arith.minsi %min3A_1358, %select_n3A_1335 : vector<1x256xi32>
    %min3A_1360 = arith.minsi %min3A_1359, %select_n3A_1339 : vector<1x256xi32>
    %min3A_1361 = arith.minsi %min3A_1360, %select_n3A_1343 : vector<1x256xi32>
    %min3A_1362 = arith.minsi %min3A_1361, %select_n3A_1347 : vector<1x256xi32>
    %eq3A_1363 = arith.cmpf oeq, %slice3A_1189, %max3A_1283 : vector<1x256xf32>
    %eq3A_1364 = arith.cmpi eq, %slice3A_1190, %min3A_1362 : vector<1x256xi32>
    %and3A_1365 = arith.andi %eq3A_1363, %eq3A_1364 : vector<1x256xi1>
    %jit3A_1366 = arith.constant -3.000000e+38 : f32
    %broadcast_in_dim3A_1367 = vector.broadcast %jit3A_1366 : f32 to vector<1x256xf32>
    %select_n3A_1368 = arith.select %and3A_1365, %slice3A_1191, %broadcast_in_dim3A_1367 : vector<1x256xi1>, vector<1x256xf32>
    %eq3A_1369 = arith.cmpf oeq, %slice3A_1194, %max3A_1283 : vector<1x256xf32>
    %eq3A_1370 = arith.cmpi eq, %slice3A_1195, %min3A_1362 : vector<1x256xi32>
    %and3A_1371 = arith.andi %eq3A_1369, %eq3A_1370 : vector<1x256xi1>
    %jit3A_1372 = arith.constant -3.000000e+38 : f32
    %broadcast_in_dim3A_1373 = vector.broadcast %jit3A_1372 : f32 to vector<1x256xf32>
    %select_n3A_1374 = arith.select %and3A_1371, %slice3A_1196, %broadcast_in_dim3A_1373 : vector<1x256xi1>, vector<1x256xf32>
    %eq3A_1375 = arith.cmpf oeq, %slice3A_1199, %max3A_1283 : vector<1x256xf32>
    %eq3A_1376 = arith.cmpi eq, %slice3A_1200, %min3A_1362 : vector<1x256xi32>
    %and3A_1377 = arith.andi %eq3A_1375, %eq3A_1376 : vector<1x256xi1>
    %jit3A_1378 = arith.constant -3.000000e+38 : f32
    %broadcast_in_dim3A_1379 = vector.broadcast %jit3A_1378 : f32 to vector<1x256xf32>
    %select_n3A_1380 = arith.select %and3A_1377, %slice3A_1201, %broadcast_in_dim3A_1379 : vector<1x256xi1>, vector<1x256xf32>
    %eq3A_1381 = arith.cmpf oeq, %slice3A_1204, %max3A_1283 : vector<1x256xf32>
    %eq3A_1382 = arith.cmpi eq, %slice3A_1205, %min3A_1362 : vector<1x256xi32>
    %and3A_1383 = arith.andi %eq3A_1381, %eq3A_1382 : vector<1x256xi1>
    %jit3A_1384 = arith.constant -3.000000e+38 : f32
    %broadcast_in_dim3A_1385 = vector.broadcast %jit3A_1384 : f32 to vector<1x256xf32>
    %select_n3A_1386 = arith.select %and3A_1383, %slice3A_1206, %broadcast_in_dim3A_1385 : vector<1x256xi1>, vector<1x256xf32>
    %eq3A_1387 = arith.cmpf oeq, %slice3A_1209, %max3A_1283 : vector<1x256xf32>
    %eq3A_1388 = arith.cmpi eq, %slice3A_1210, %min3A_1362 : vector<1x256xi32>
    %and3A_1389 = arith.andi %eq3A_1387, %eq3A_1388 : vector<1x256xi1>
    %jit3A_1390 = arith.constant -3.000000e+38 : f32
    %broadcast_in_dim3A_1391 = vector.broadcast %jit3A_1390 : f32 to vector<1x256xf32>
    %select_n3A_1392 = arith.select %and3A_1389, %slice3A_1211, %broadcast_in_dim3A_1391 : vector<1x256xi1>, vector<1x256xf32>
    %eq3A_1393 = arith.cmpf oeq, %slice3A_1214, %max3A_1283 : vector<1x256xf32>
    %eq3A_1394 = arith.cmpi eq, %slice3A_1215, %min3A_1362 : vector<1x256xi32>
    %and3A_1395 = arith.andi %eq3A_1393, %eq3A_1394 : vector<1x256xi1>
    %jit3A_1396 = arith.constant -3.000000e+38 : f32
    %broadcast_in_dim3A_1397 = vector.broadcast %jit3A_1396 : f32 to vector<1x256xf32>
    %select_n3A_1398 = arith.select %and3A_1395, %slice3A_1216, %broadcast_in_dim3A_1397 : vector<1x256xi1>, vector<1x256xf32>
    %eq3A_1399 = arith.cmpf oeq, %slice3A_1219, %max3A_1283 : vector<1x256xf32>
    %eq3A_1400 = arith.cmpi eq, %slice3A_1220, %min3A_1362 : vector<1x256xi32>
    %and3A_1401 = arith.andi %eq3A_1399, %eq3A_1400 : vector<1x256xi1>
    %jit3A_1402 = arith.constant -3.000000e+38 : f32
    %broadcast_in_dim3A_1403 = vector.broadcast %jit3A_1402 : f32 to vector<1x256xf32>
    %select_n3A_1404 = arith.select %and3A_1401, %slice3A_1221, %broadcast_in_dim3A_1403 : vector<1x256xi1>, vector<1x256xf32>
    %eq3A_1405 = arith.cmpf oeq, %slice3A_1224, %max3A_1283 : vector<1x256xf32>
    %eq3A_1406 = arith.cmpi eq, %slice3A_1225, %min3A_1362 : vector<1x256xi32>
    %and3A_1407 = arith.andi %eq3A_1405, %eq3A_1406 : vector<1x256xi1>
    %jit3A_1408 = arith.constant -3.000000e+38 : f32
    %broadcast_in_dim3A_1409 = vector.broadcast %jit3A_1408 : f32 to vector<1x256xf32>
    %select_n3A_1410 = arith.select %and3A_1407, %slice3A_1226, %broadcast_in_dim3A_1409 : vector<1x256xi1>, vector<1x256xf32>
    %eq3A_1411 = arith.cmpf oeq, %slice3A_1229, %max3A_1283 : vector<1x256xf32>
    %eq3A_1412 = arith.cmpi eq, %slice3A_1230, %min3A_1362 : vector<1x256xi32>
    %and3A_1413 = arith.andi %eq3A_1411, %eq3A_1412 : vector<1x256xi1>
    %jit3A_1414 = arith.constant -3.000000e+38 : f32
    %broadcast_in_dim3A_1415 = vector.broadcast %jit3A_1414 : f32 to vector<1x256xf32>
    %select_n3A_1416 = arith.select %and3A_1413, %slice3A_1231, %broadcast_in_dim3A_1415 : vector<1x256xi1>, vector<1x256xf32>
    %eq3A_1417 = arith.cmpf oeq, %slice3A_1234, %max3A_1283 : vector<1x256xf32>
    %eq3A_1418 = arith.cmpi eq, %slice3A_1235, %min3A_1362 : vector<1x256xi32>
    %and3A_1419 = arith.andi %eq3A_1417, %eq3A_1418 : vector<1x256xi1>
    %jit3A_1420 = arith.constant -3.000000e+38 : f32
    %broadcast_in_dim3A_1421 = vector.broadcast %jit3A_1420 : f32 to vector<1x256xf32>
    %select_n3A_1422 = arith.select %and3A_1419, %slice3A_1236, %broadcast_in_dim3A_1421 : vector<1x256xi1>, vector<1x256xf32>
    %eq3A_1423 = arith.cmpf oeq, %slice3A_1239, %max3A_1283 : vector<1x256xf32>
    %eq3A_1424 = arith.cmpi eq, %slice3A_1240, %min3A_1362 : vector<1x256xi32>
    %and3A_1425 = arith.andi %eq3A_1423, %eq3A_1424 : vector<1x256xi1>
    %jit3A_1426 = arith.constant -3.000000e+38 : f32
    %broadcast_in_dim3A_1427 = vector.broadcast %jit3A_1426 : f32 to vector<1x256xf32>
    %select_n3A_1428 = arith.select %and3A_1425, %slice3A_1241, %broadcast_in_dim3A_1427 : vector<1x256xi1>, vector<1x256xf32>
    %eq3A_1429 = arith.cmpf oeq, %slice3A_1244, %max3A_1283 : vector<1x256xf32>
    %eq3A_1430 = arith.cmpi eq, %slice3A_1245, %min3A_1362 : vector<1x256xi32>
    %and3A_1431 = arith.andi %eq3A_1429, %eq3A_1430 : vector<1x256xi1>
    %jit3A_1432 = arith.constant -3.000000e+38 : f32
    %broadcast_in_dim3A_1433 = vector.broadcast %jit3A_1432 : f32 to vector<1x256xf32>
    %select_n3A_1434 = arith.select %and3A_1431, %slice3A_1246, %broadcast_in_dim3A_1433 : vector<1x256xi1>, vector<1x256xf32>
    %eq3A_1435 = arith.cmpf oeq, %slice3A_1249, %max3A_1283 : vector<1x256xf32>
    %eq3A_1436 = arith.cmpi eq, %slice3A_1250, %min3A_1362 : vector<1x256xi32>
    %and3A_1437 = arith.andi %eq3A_1435, %eq3A_1436 : vector<1x256xi1>
    %jit3A_1438 = arith.constant -3.000000e+38 : f32
    %broadcast_in_dim3A_1439 = vector.broadcast %jit3A_1438 : f32 to vector<1x256xf32>
    %select_n3A_1440 = arith.select %and3A_1437, %slice3A_1251, %broadcast_in_dim3A_1439 : vector<1x256xi1>, vector<1x256xf32>
    %eq3A_1441 = arith.cmpf oeq, %slice3A_1254, %max3A_1283 : vector<1x256xf32>
    %eq3A_1442 = arith.cmpi eq, %slice3A_1255, %min3A_1362 : vector<1x256xi32>
    %and3A_1443 = arith.andi %eq3A_1441, %eq3A_1442 : vector<1x256xi1>
    %jit3A_1444 = arith.constant -3.000000e+38 : f32
    %broadcast_in_dim3A_1445 = vector.broadcast %jit3A_1444 : f32 to vector<1x256xf32>
    %select_n3A_1446 = arith.select %and3A_1443, %slice3A_1256, %broadcast_in_dim3A_1445 : vector<1x256xi1>, vector<1x256xf32>
    %eq3A_1447 = arith.cmpf oeq, %slice3A_1259, %max3A_1283 : vector<1x256xf32>
    %eq3A_1448 = arith.cmpi eq, %slice3A_1260, %min3A_1362 : vector<1x256xi32>
    %and3A_1449 = arith.andi %eq3A_1447, %eq3A_1448 : vector<1x256xi1>
    %jit3A_1450 = arith.constant -3.000000e+38 : f32
    %broadcast_in_dim3A_1451 = vector.broadcast %jit3A_1450 : f32 to vector<1x256xf32>
    %select_n3A_1452 = arith.select %and3A_1449, %slice3A_1261, %broadcast_in_dim3A_1451 : vector<1x256xi1>, vector<1x256xf32>
    %eq3A_1453 = arith.cmpf oeq, %slice3A_1264, %max3A_1283 : vector<1x256xf32>
    %eq3A_1454 = arith.cmpi eq, %slice3A_1265, %min3A_1362 : vector<1x256xi32>
    %and3A_1455 = arith.andi %eq3A_1453, %eq3A_1454 : vector<1x256xi1>
    %jit3A_1456 = arith.constant -3.000000e+38 : f32
    %broadcast_in_dim3A_1457 = vector.broadcast %jit3A_1456 : f32 to vector<1x256xf32>
    %select_n3A_1458 = arith.select %and3A_1455, %slice3A_1266, %broadcast_in_dim3A_1457 : vector<1x256xi1>, vector<1x256xf32>
    %max3A_1459 = arith.maximumf %select_n3A_1368, %select_n3A_1374 : vector<1x256xf32>
    %max3A_1460 = arith.maximumf %max3A_1459, %select_n3A_1380 : vector<1x256xf32>
    %max3A_1461 = arith.maximumf %max3A_1460, %select_n3A_1386 : vector<1x256xf32>
    %max3A_1462 = arith.maximumf %max3A_1461, %select_n3A_1392 : vector<1x256xf32>
    %max3A_1463 = arith.maximumf %max3A_1462, %select_n3A_1398 : vector<1x256xf32>
    %max3A_1464 = arith.maximumf %max3A_1463, %select_n3A_1404 : vector<1x256xf32>
    %max3A_1465 = arith.maximumf %max3A_1464, %select_n3A_1410 : vector<1x256xf32>
    %max3A_1466 = arith.maximumf %max3A_1465, %select_n3A_1416 : vector<1x256xf32>
    %max3A_1467 = arith.maximumf %max3A_1466, %select_n3A_1422 : vector<1x256xf32>
    %max3A_1468 = arith.maximumf %max3A_1467, %select_n3A_1428 : vector<1x256xf32>
    %max3A_1469 = arith.maximumf %max3A_1468, %select_n3A_1434 : vector<1x256xf32>
    %max3A_1470 = arith.maximumf %max3A_1469, %select_n3A_1440 : vector<1x256xf32>
    %max3A_1471 = arith.maximumf %max3A_1470, %select_n3A_1446 : vector<1x256xf32>
    %max3A_1472 = arith.maximumf %max3A_1471, %select_n3A_1452 : vector<1x256xf32>
    %max3A_1473 = arith.maximumf %max3A_1472, %select_n3A_1458 : vector<1x256xf32>
    %add3A_1474 = arith.constant 0.000000e+00 : f32
    %add3A_1475 = vector.broadcast %add3A_1474 : f32 to vector<1x256xf32>
    %add3A_1476 = arith.addf %add3A_1475, %slice3A_1192 : vector<1x256xf32>
    %add3A_1477 = arith.addf %add3A_1476, %slice3A_1197 : vector<1x256xf32>
    %add3A_1478 = arith.addf %add3A_1477, %slice3A_1202 : vector<1x256xf32>
    %add3A_1479 = arith.addf %add3A_1478, %slice3A_1207 : vector<1x256xf32>
    %add3A_1480 = arith.addf %add3A_1479, %slice3A_1212 : vector<1x256xf32>
    %add3A_1481 = arith.addf %add3A_1480, %slice3A_1217 : vector<1x256xf32>
    %add3A_1482 = arith.addf %add3A_1481, %slice3A_1222 : vector<1x256xf32>
    %add3A_1483 = arith.addf %add3A_1482, %slice3A_1227 : vector<1x256xf32>
    %add3A_1484 = arith.addf %add3A_1483, %slice3A_1232 : vector<1x256xf32>
    %add3A_1485 = arith.addf %add3A_1484, %slice3A_1237 : vector<1x256xf32>
    %add3A_1486 = arith.addf %add3A_1485, %slice3A_1242 : vector<1x256xf32>
    %add3A_1487 = arith.addf %add3A_1486, %slice3A_1247 : vector<1x256xf32>
    %add3A_1488 = arith.addf %add3A_1487, %slice3A_1252 : vector<1x256xf32>
    %add3A_1489 = arith.addf %add3A_1488, %slice3A_1257 : vector<1x256xf32>
    %add3A_1490 = arith.addf %add3A_1489, %slice3A_1262 : vector<1x256xf32>
    %add3A_1491 = arith.addf %add3A_1490, %slice3A_1267 : vector<1x256xf32>
    %add3A_1492 = arith.constant 0.000000e+00 : f32
    %add3A_1493 = vector.broadcast %add3A_1492 : f32 to vector<1x256xf32>
    %add3A_1494 = arith.addf %add3A_1493, %slice3A_1193 : vector<1x256xf32>
    %add3A_1495 = arith.addf %add3A_1494, %slice3A_1198 : vector<1x256xf32>
    %add3A_1496 = arith.addf %add3A_1495, %slice3A_1203 : vector<1x256xf32>
    %add3A_1497 = arith.addf %add3A_1496, %slice3A_1208 : vector<1x256xf32>
    %add3A_1498 = arith.addf %add3A_1497, %slice3A_1213 : vector<1x256xf32>
    %add3A_1499 = arith.addf %add3A_1498, %slice3A_1218 : vector<1x256xf32>
    %add3A_1500 = arith.addf %add3A_1499, %slice3A_1223 : vector<1x256xf32>
    %add3A_1501 = arith.addf %add3A_1500, %slice3A_1228 : vector<1x256xf32>
    %add3A_1502 = arith.addf %add3A_1501, %slice3A_1233 : vector<1x256xf32>
    %add3A_1503 = arith.addf %add3A_1502, %slice3A_1238 : vector<1x256xf32>
    %add3A_1504 = arith.addf %add3A_1503, %slice3A_1243 : vector<1x256xf32>
    %add3A_1505 = arith.addf %add3A_1504, %slice3A_1248 : vector<1x256xf32>
    %add3A_1506 = arith.addf %add3A_1505, %slice3A_1253 : vector<1x256xf32>
    %add3A_1507 = arith.addf %add3A_1506, %slice3A_1258 : vector<1x256xf32>
    %add3A_1508 = arith.addf %add3A_1507, %slice3A_1263 : vector<1x256xf32>
    %add3A_1509 = arith.addf %add3A_1508, %slice3A_1268 : vector<1x256xf32>
    %log3A_1510 = math.log %add3A_1491 : vector<1x256xf32>
    %swap3A_1511 = arith.constant 3 : index
    %swap3A_1512 = arith.constant 0 : index
    %swap3A_1513 = vector.load %arg5[%swap3A_1511, %swap3A_1512] : memref<4x256xi32, #tpu.memory_space<vmem>>, vector<1x256xi32>
    tpu.vector_store %arg5[%swap3A_1511, %swap3A_1512], %min3A_1362 {strides = array<i32>} : memref<4x256xi32, #tpu.memory_space<vmem>>, vector<1x256xi32>,
    %sub3A_1514 = arith.subf %max3A_1473, %log3A_1510 : vector<1x256xf32>
    %swap3A_1515 = arith.constant 3 : index
    %swap3A_1516 = arith.constant 0 : index
    %swap3A_1517 = vector.load %arg6[%swap3A_1515, %swap3A_1516] : memref<4x256xf32, #tpu.memory_space<vmem>>, vector<1x256xf32>
    tpu.vector_store %arg6[%swap3A_1515, %swap3A_1516], %sub3A_1514 {strides = array<i32>} : memref<4x256xf32, #tpu.memory_space<vmem>>, vector<1x256xf32>,
    %div3A_1518 = arith.divf %add3A_1509, %add3A_1491 : vector<1x256xf32>
    %sub3A_1519 = arith.subf %div3A_1518, %log3A_1510 : vector<1x256xf32>
    %swap3A_1520 = arith.constant 3 : index
    %swap3A_1521 = arith.constant 0 : index
    %swap3A_1522 = vector.load %arg7[%swap3A_1520, %swap3A_1521] : memref<4x256xf32, #tpu.memory_space<vmem>>, vector<1x256xf32>
    tpu.vector_store %arg7[%swap3A_1520, %swap3A_1521], %sub3A_1519 {strides = array<i32>} : memref<4x256xf32, #tpu.memory_space<vmem>>, vector<1x256xf32>,
    return
  }
}

module attributes {stable_mosaic.version = 14 : i64} {
  func.func @_stage1_body(%arg0: i32, %arg1: memref<4x2048x128xf32, #tpu.memory_space<vmem>>, %arg2: memref<1x128xf32, #tpu.memory_space<vmem>>, %arg3: memref<1x1xf32, #tpu.memory_space<vmem>>, %arg4: memref<2048xf32, #tpu.memory_space<vmem>>, %arg5: memref<2048xf32, #tpu.memory_space<vmem>>, %arg6: memref<2048xf32, #tpu.memory_space<vmem>>, %arg7: memref<2048xf32, #tpu.memory_space<vmem>>, %arg8: memref<2048xf32, #tpu.memory_space<vmem>>, %arg9: memref<2048xf32, #tpu.memory_space<vmem>>, %arg10: memref<2048xf32, #tpu.memory_space<vmem>>, %arg11: memref<2048xf32, #tpu.memory_space<vmem>>) attributes {dimension_semantics = [#tpu.dimension_semantics<arbitrary>], iteration_bounds = array<i64: 50>, scalar_prefetch = 0 : i64, scratch_operands = 0 : i64, tpu.core_type = #tpu.core_type<tc>, window_params = [{transform_indices = @transform_0, window_bounds = array<i64: 4, 2048, 128>}, {pipeline_mode = #tpu.pipeline_mode<synchronous>, transform_indices = @transform_1, window_bounds = array<i64: 1, 128>}, {pipeline_mode = #tpu.pipeline_mode<synchronous>, transform_indices = @transform_2, window_bounds = array<i64: 1, 1>}, {transform_indices = @transform_3, window_bounds = array<i64: 2048>}, {transform_indices = @transform_4, window_bounds = array<i64: 2048>}, {transform_indices = @transform_5, window_bounds = array<i64: 2048>}, {transform_indices = @transform_6, window_bounds = array<i64: 2048>}, {transform_indices = @transform_7, window_bounds = array<i64: 2048>}, {transform_indices = @transform_8, window_bounds = array<i64: 2048>}, {transform_indices = @transform_9, window_bounds = array<i64: 2048>}, {transform_indices = @transform_10, window_bounds = array<i64: 2048>}]} {
    %get3A = arith.constant 0 : index
    %get3A_0 = arith.constant 0 : index
    %get3A_1 = vector.load %arg2[%get3A, %get3A_0] : memref<1x128xf32, #tpu.memory_space<vmem>>, vector<1x128xf32>
    %mul3A = arith.constant 2048 : i32
    %mul3A_2 = arith.muli %arg0, %mul3A : i32
    %iota3A = tpu.iota {dimensions = array<i32: 0>} : vector<4x2048xi32>
    %mul3A_3 = arith.constant 100000 : i32
    %mul3A_4 = vector.broadcast %mul3A_3 : i32 to vector<4x2048xi32>
    %mul3A_5 = arith.muli %iota3A, %mul3A_4 : vector<4x2048xi32>
    %iota3A_6 = tpu.iota {dimensions = array<i32: 1>} : vector<4x2048xi32>
    %add3A = arith.addi %mul3A_5, %iota3A_6 : vector<4x2048xi32>
    %add3A_7 = vector.broadcast %mul3A_2 : i32 to vector<4x2048xi32>
    %add3A_8 = arith.addi %add3A, %add3A_7 : vector<4x2048xi32>
    %broadcast_in_dim3A = arith.constant 0 : i32
    %broadcast_in_dim3A_9 = vector.broadcast %broadcast_in_dim3A : i32 to vector<4x2048xi32>
    %add3A_10 = arith.constant 0 : i32
    %add3A_11 = vector.broadcast %add3A_10 : i32 to vector<4x2048xi32>
    %add3A_12 = arith.addi %broadcast_in_dim3A_9, %add3A_11 : vector<4x2048xi32>
    %add3A_13 = arith.constant 42 : i32
    %add3A_14 = vector.broadcast %add3A_13 : i32 to vector<4x2048xi32>
    %add3A_15 = arith.addi %add3A_8, %add3A_14 : vector<4x2048xi32>
    %add3A_16 = arith.addi %add3A_12, %add3A_15 : vector<4x2048xi32>
    %shift_left3A = arith.constant 13 : i32
    %shift_left3A_17 = vector.broadcast %shift_left3A : i32 to vector<4x2048xi32>
    %shift_left3A_18 = arith.shli %add3A_15, %shift_left3A_17 : vector<4x2048xi32>
    %shift_right_logical3A = arith.constant 19 : i32
    %shift_right_logical3A_19 = vector.broadcast %shift_right_logical3A : i32 to vector<4x2048xi32>
    %shift_right_logical3A_20 = arith.shrui %add3A_15, %shift_right_logical3A_19 : vector<4x2048xi32>
    %or3A = arith.ori %shift_left3A_18, %shift_right_logical3A_20 : vector<4x2048xi32>
    %xor3A = arith.xori %or3A, %add3A_16 : vector<4x2048xi32>
    %add3A_21 = arith.addi %add3A_16, %xor3A : vector<4x2048xi32>
    %shift_left3A_22 = arith.constant 15 : i32
    %shift_left3A_23 = vector.broadcast %shift_left3A_22 : i32 to vector<4x2048xi32>
    %shift_left3A_24 = arith.shli %xor3A, %shift_left3A_23 : vector<4x2048xi32>
    %shift_right_logical3A_25 = arith.constant 17 : i32
    %shift_right_logical3A_26 = vector.broadcast %shift_right_logical3A_25 : i32 to vector<4x2048xi32>
    %shift_right_logical3A_27 = arith.shrui %xor3A, %shift_right_logical3A_26 : vector<4x2048xi32>
    %or3A_28 = arith.ori %shift_left3A_24, %shift_right_logical3A_27 : vector<4x2048xi32>
    %xor3A_29 = arith.xori %or3A_28, %add3A_21 : vector<4x2048xi32>
    %add3A_30 = arith.addi %add3A_21, %xor3A_29 : vector<4x2048xi32>
    %shift_left3A_31 = arith.constant 26 : i32
    %shift_left3A_32 = vector.broadcast %shift_left3A_31 : i32 to vector<4x2048xi32>
    %shift_left3A_33 = arith.shli %xor3A_29, %shift_left3A_32 : vector<4x2048xi32>
    %shift_right_logical3A_34 = arith.constant 6 : i32
    %shift_right_logical3A_35 = vector.broadcast %shift_right_logical3A_34 : i32 to vector<4x2048xi32>
    %shift_right_logical3A_36 = arith.shrui %xor3A_29, %shift_right_logical3A_35 : vector<4x2048xi32>
    %or3A_37 = arith.ori %shift_left3A_33, %shift_right_logical3A_36 : vector<4x2048xi32>
    %xor3A_38 = arith.xori %or3A_37, %add3A_30 : vector<4x2048xi32>
    %add3A_39 = arith.addi %add3A_30, %xor3A_38 : vector<4x2048xi32>
    %shift_left3A_40 = arith.constant 6 : i32
    %shift_left3A_41 = vector.broadcast %shift_left3A_40 : i32 to vector<4x2048xi32>
    %shift_left3A_42 = arith.shli %xor3A_38, %shift_left3A_41 : vector<4x2048xi32>
    %shift_right_logical3A_43 = arith.constant 26 : i32
    %shift_right_logical3A_44 = vector.broadcast %shift_right_logical3A_43 : i32 to vector<4x2048xi32>
    %shift_right_logical3A_45 = arith.shrui %xor3A_38, %shift_right_logical3A_44 : vector<4x2048xi32>
    %or3A_46 = arith.ori %shift_left3A_42, %shift_right_logical3A_45 : vector<4x2048xi32>
    %xor3A_47 = arith.xori %or3A_46, %add3A_39 : vector<4x2048xi32>
    %add3A_48 = arith.constant 42 : i32
    %add3A_49 = vector.broadcast %add3A_48 : i32 to vector<4x2048xi32>
    %add3A_50 = arith.addi %add3A_39, %add3A_49 : vector<4x2048xi32>
    %add3A_51 = arith.constant 466689008 : i32
    %add3A_52 = vector.broadcast %add3A_51 : i32 to vector<4x2048xi32>
    %add3A_53 = arith.addi %xor3A_47, %add3A_52 : vector<4x2048xi32>
    %add3A_54 = arith.constant 1 : i32
    %add3A_55 = vector.broadcast %add3A_54 : i32 to vector<4x2048xi32>
    %add3A_56 = arith.addi %add3A_53, %add3A_55 : vector<4x2048xi32>
    %add3A_57 = arith.addi %add3A_50, %add3A_56 : vector<4x2048xi32>
    %shift_left3A_58 = arith.constant 17 : i32
    %shift_left3A_59 = vector.broadcast %shift_left3A_58 : i32 to vector<4x2048xi32>
    %shift_left3A_60 = arith.shli %add3A_56, %shift_left3A_59 : vector<4x2048xi32>
    %shift_right_logical3A_61 = arith.constant 15 : i32
    %shift_right_logical3A_62 = vector.broadcast %shift_right_logical3A_61 : i32 to vector<4x2048xi32>
    %shift_right_logical3A_63 = arith.shrui %add3A_56, %shift_right_logical3A_62 : vector<4x2048xi32>
    %or3A_64 = arith.ori %shift_left3A_60, %shift_right_logical3A_63 : vector<4x2048xi32>
    %xor3A_65 = arith.xori %or3A_64, %add3A_57 : vector<4x2048xi32>
    %add3A_66 = arith.addi %add3A_57, %xor3A_65 : vector<4x2048xi32>
    %shift_left3A_67 = arith.constant 29 : i32
    %shift_left3A_68 = vector.broadcast %shift_left3A_67 : i32 to vector<4x2048xi32>
    %shift_left3A_69 = arith.shli %xor3A_65, %shift_left3A_68 : vector<4x2048xi32>
    %shift_right_logical3A_70 = arith.constant 3 : i32
    %shift_right_logical3A_71 = vector.broadcast %shift_right_logical3A_70 : i32 to vector<4x2048xi32>
    %shift_right_logical3A_72 = arith.shrui %xor3A_65, %shift_right_logical3A_71 : vector<4x2048xi32>
    %or3A_73 = arith.ori %shift_left3A_69, %shift_right_logical3A_72 : vector<4x2048xi32>
    %xor3A_74 = arith.xori %or3A_73, %add3A_66 : vector<4x2048xi32>
    %add3A_75 = arith.addi %add3A_66, %xor3A_74 : vector<4x2048xi32>
    %shift_left3A_76 = arith.constant 16 : i32
    %shift_left3A_77 = vector.broadcast %shift_left3A_76 : i32 to vector<4x2048xi32>
    %shift_left3A_78 = arith.shli %xor3A_74, %shift_left3A_77 : vector<4x2048xi32>
    %shift_right_logical3A_79 = arith.constant 16 : i32
    %shift_right_logical3A_80 = vector.broadcast %shift_right_logical3A_79 : i32 to vector<4x2048xi32>
    %shift_right_logical3A_81 = arith.shrui %xor3A_74, %shift_right_logical3A_80 : vector<4x2048xi32>
    %or3A_82 = arith.ori %shift_left3A_78, %shift_right_logical3A_81 : vector<4x2048xi32>
    %xor3A_83 = arith.xori %or3A_82, %add3A_75 : vector<4x2048xi32>
    %add3A_84 = arith.addi %add3A_75, %xor3A_83 : vector<4x2048xi32>
    %shift_left3A_85 = arith.constant 24 : i32
    %shift_left3A_86 = vector.broadcast %shift_left3A_85 : i32 to vector<4x2048xi32>
    %shift_left3A_87 = arith.shli %xor3A_83, %shift_left3A_86 : vector<4x2048xi32>
    %shift_right_logical3A_88 = arith.constant 8 : i32
    %shift_right_logical3A_89 = vector.broadcast %shift_right_logical3A_88 : i32 to vector<4x2048xi32>
    %shift_right_logical3A_90 = arith.shrui %xor3A_83, %shift_right_logical3A_89 : vector<4x2048xi32>
    %or3A_91 = arith.ori %shift_left3A_87, %shift_right_logical3A_90 : vector<4x2048xi32>
    %xor3A_92 = arith.xori %or3A_91, %add3A_84 : vector<4x2048xi32>
    %add3A_93 = arith.constant 466689008 : i32
    %add3A_94 = vector.broadcast %add3A_93 : i32 to vector<4x2048xi32>
    %add3A_95 = arith.addi %add3A_84, %add3A_94 : vector<4x2048xi32>
    %add3A_96 = arith.constant 0 : i32
    %add3A_97 = vector.broadcast %add3A_96 : i32 to vector<4x2048xi32>
    %add3A_98 = arith.addi %xor3A_92, %add3A_97 : vector<4x2048xi32>
    %add3A_99 = arith.constant 2 : i32
    %add3A_100 = vector.broadcast %add3A_99 : i32 to vector<4x2048xi32>
    %add3A_101 = arith.addi %add3A_98, %add3A_100 : vector<4x2048xi32>
    %add3A_102 = arith.addi %add3A_95, %add3A_101 : vector<4x2048xi32>
    %shift_left3A_103 = arith.constant 13 : i32
    %shift_left3A_104 = vector.broadcast %shift_left3A_103 : i32 to vector<4x2048xi32>
    %shift_left3A_105 = arith.shli %add3A_101, %shift_left3A_104 : vector<4x2048xi32>
    %shift_right_logical3A_106 = arith.constant 19 : i32
    %shift_right_logical3A_107 = vector.broadcast %shift_right_logical3A_106 : i32 to vector<4x2048xi32>
    %shift_right_logical3A_108 = arith.shrui %add3A_101, %shift_right_logical3A_107 : vector<4x2048xi32>
    %or3A_109 = arith.ori %shift_left3A_105, %shift_right_logical3A_108 : vector<4x2048xi32>
    %xor3A_110 = arith.xori %or3A_109, %add3A_102 : vector<4x2048xi32>
    %add3A_111 = arith.addi %add3A_102, %xor3A_110 : vector<4x2048xi32>
    %shift_left3A_112 = arith.constant 15 : i32
    %shift_left3A_113 = vector.broadcast %shift_left3A_112 : i32 to vector<4x2048xi32>
    %shift_left3A_114 = arith.shli %xor3A_110, %shift_left3A_113 : vector<4x2048xi32>
    %shift_right_logical3A_115 = arith.constant 17 : i32
    %shift_right_logical3A_116 = vector.broadcast %shift_right_logical3A_115 : i32 to vector<4x2048xi32>
    %shift_right_logical3A_117 = arith.shrui %xor3A_110, %shift_right_logical3A_116 : vector<4x2048xi32>
    %or3A_118 = arith.ori %shift_left3A_114, %shift_right_logical3A_117 : vector<4x2048xi32>
    %xor3A_119 = arith.xori %or3A_118, %add3A_111 : vector<4x2048xi32>
    %add3A_120 = arith.addi %add3A_111, %xor3A_119 : vector<4x2048xi32>
    %shift_left3A_121 = arith.constant 26 : i32
    %shift_left3A_122 = vector.broadcast %shift_left3A_121 : i32 to vector<4x2048xi32>
    %shift_left3A_123 = arith.shli %xor3A_119, %shift_left3A_122 : vector<4x2048xi32>
    %shift_right_logical3A_124 = arith.constant 6 : i32
    %shift_right_logical3A_125 = vector.broadcast %shift_right_logical3A_124 : i32 to vector<4x2048xi32>
    %shift_right_logical3A_126 = arith.shrui %xor3A_119, %shift_right_logical3A_125 : vector<4x2048xi32>
    %or3A_127 = arith.ori %shift_left3A_123, %shift_right_logical3A_126 : vector<4x2048xi32>
    %xor3A_128 = arith.xori %or3A_127, %add3A_120 : vector<4x2048xi32>
    %add3A_129 = arith.addi %add3A_120, %xor3A_128 : vector<4x2048xi32>
    %shift_left3A_130 = arith.constant 6 : i32
    %shift_left3A_131 = vector.broadcast %shift_left3A_130 : i32 to vector<4x2048xi32>
    %shift_left3A_132 = arith.shli %xor3A_128, %shift_left3A_131 : vector<4x2048xi32>
    %shift_right_logical3A_133 = arith.constant 26 : i32
    %shift_right_logical3A_134 = vector.broadcast %shift_right_logical3A_133 : i32 to vector<4x2048xi32>
    %shift_right_logical3A_135 = arith.shrui %xor3A_128, %shift_right_logical3A_134 : vector<4x2048xi32>
    %or3A_136 = arith.ori %shift_left3A_132, %shift_right_logical3A_135 : vector<4x2048xi32>
    %xor3A_137 = arith.xori %or3A_136, %add3A_129 : vector<4x2048xi32>
    %add3A_138 = arith.constant 0 : i32
    %add3A_139 = vector.broadcast %add3A_138 : i32 to vector<4x2048xi32>
    %add3A_140 = arith.addi %add3A_129, %add3A_139 : vector<4x2048xi32>
    %add3A_141 = arith.constant 42 : i32
    %add3A_142 = vector.broadcast %add3A_141 : i32 to vector<4x2048xi32>
    %add3A_143 = arith.addi %xor3A_137, %add3A_142 : vector<4x2048xi32>
    %add3A_144 = arith.constant 3 : i32
    %add3A_145 = vector.broadcast %add3A_144 : i32 to vector<4x2048xi32>
    %add3A_146 = arith.addi %add3A_143, %add3A_145 : vector<4x2048xi32>
    %add3A_147 = arith.addi %add3A_140, %add3A_146 : vector<4x2048xi32>
    %shift_left3A_148 = arith.constant 17 : i32
    %shift_left3A_149 = vector.broadcast %shift_left3A_148 : i32 to vector<4x2048xi32>
    %shift_left3A_150 = arith.shli %add3A_146, %shift_left3A_149 : vector<4x2048xi32>
    %shift_right_logical3A_151 = arith.constant 15 : i32
    %shift_right_logical3A_152 = vector.broadcast %shift_right_logical3A_151 : i32 to vector<4x2048xi32>
    %shift_right_logical3A_153 = arith.shrui %add3A_146, %shift_right_logical3A_152 : vector<4x2048xi32>
    %or3A_154 = arith.ori %shift_left3A_150, %shift_right_logical3A_153 : vector<4x2048xi32>
    %xor3A_155 = arith.xori %or3A_154, %add3A_147 : vector<4x2048xi32>
    %add3A_156 = arith.addi %add3A_147, %xor3A_155 : vector<4x2048xi32>
    %shift_left3A_157 = arith.constant 29 : i32
    %shift_left3A_158 = vector.broadcast %shift_left3A_157 : i32 to vector<4x2048xi32>
    %shift_left3A_159 = arith.shli %xor3A_155, %shift_left3A_158 : vector<4x2048xi32>
    %shift_right_logical3A_160 = arith.constant 3 : i32
    %shift_right_logical3A_161 = vector.broadcast %shift_right_logical3A_160 : i32 to vector<4x2048xi32>
    %shift_right_logical3A_162 = arith.shrui %xor3A_155, %shift_right_logical3A_161 : vector<4x2048xi32>
    %or3A_163 = arith.ori %shift_left3A_159, %shift_right_logical3A_162 : vector<4x2048xi32>
    %xor3A_164 = arith.xori %or3A_163, %add3A_156 : vector<4x2048xi32>
    %add3A_165 = arith.addi %add3A_156, %xor3A_164 : vector<4x2048xi32>
    %shift_left3A_166 = arith.constant 16 : i32
    %shift_left3A_167 = vector.broadcast %shift_left3A_166 : i32 to vector<4x2048xi32>
    %shift_left3A_168 = arith.shli %xor3A_164, %shift_left3A_167 : vector<4x2048xi32>
    %shift_right_logical3A_169 = arith.constant 16 : i32
    %shift_right_logical3A_170 = vector.broadcast %shift_right_logical3A_169 : i32 to vector<4x2048xi32>
    %shift_right_logical3A_171 = arith.shrui %xor3A_164, %shift_right_logical3A_170 : vector<4x2048xi32>
    %or3A_172 = arith.ori %shift_left3A_168, %shift_right_logical3A_171 : vector<4x2048xi32>
    %xor3A_173 = arith.xori %or3A_172, %add3A_165 : vector<4x2048xi32>
    %add3A_174 = arith.addi %add3A_165, %xor3A_173 : vector<4x2048xi32>
    %shift_left3A_175 = arith.constant 24 : i32
    %shift_left3A_176 = vector.broadcast %shift_left3A_175 : i32 to vector<4x2048xi32>
    %shift_left3A_177 = arith.shli %xor3A_173, %shift_left3A_176 : vector<4x2048xi32>
    %shift_right_logical3A_178 = arith.constant 8 : i32
    %shift_right_logical3A_179 = vector.broadcast %shift_right_logical3A_178 : i32 to vector<4x2048xi32>
    %shift_right_logical3A_180 = arith.shrui %xor3A_173, %shift_right_logical3A_179 : vector<4x2048xi32>
    %or3A_181 = arith.ori %shift_left3A_177, %shift_right_logical3A_180 : vector<4x2048xi32>
    %xor3A_182 = arith.xori %or3A_181, %add3A_174 : vector<4x2048xi32>
    %add3A_183 = arith.constant 42 : i32
    %add3A_184 = vector.broadcast %add3A_183 : i32 to vector<4x2048xi32>
    %add3A_185 = arith.addi %add3A_174, %add3A_184 : vector<4x2048xi32>
    %add3A_186 = arith.constant 466689008 : i32
    %add3A_187 = vector.broadcast %add3A_186 : i32 to vector<4x2048xi32>
    %add3A_188 = arith.addi %xor3A_182, %add3A_187 : vector<4x2048xi32>
    %add3A_189 = arith.constant 4 : i32
    %add3A_190 = vector.broadcast %add3A_189 : i32 to vector<4x2048xi32>
    %add3A_191 = arith.addi %add3A_188, %add3A_190 : vector<4x2048xi32>
    %add3A_192 = arith.addi %add3A_185, %add3A_191 : vector<4x2048xi32>
    %shift_left3A_193 = arith.constant 13 : i32
    %shift_left3A_194 = vector.broadcast %shift_left3A_193 : i32 to vector<4x2048xi32>
    %shift_left3A_195 = arith.shli %add3A_191, %shift_left3A_194 : vector<4x2048xi32>
    %shift_right_logical3A_196 = arith.constant 19 : i32
    %shift_right_logical3A_197 = vector.broadcast %shift_right_logical3A_196 : i32 to vector<4x2048xi32>
    %shift_right_logical3A_198 = arith.shrui %add3A_191, %shift_right_logical3A_197 : vector<4x2048xi32>
    %or3A_199 = arith.ori %shift_left3A_195, %shift_right_logical3A_198 : vector<4x2048xi32>
    %xor3A_200 = arith.xori %or3A_199, %add3A_192 : vector<4x2048xi32>
    %add3A_201 = arith.addi %add3A_192, %xor3A_200 : vector<4x2048xi32>
    %shift_left3A_202 = arith.constant 15 : i32
    %shift_left3A_203 = vector.broadcast %shift_left3A_202 : i32 to vector<4x2048xi32>
    %shift_left3A_204 = arith.shli %xor3A_200, %shift_left3A_203 : vector<4x2048xi32>
    %shift_right_logical3A_205 = arith.constant 17 : i32
    %shift_right_logical3A_206 = vector.broadcast %shift_right_logical3A_205 : i32 to vector<4x2048xi32>
    %shift_right_logical3A_207 = arith.shrui %xor3A_200, %shift_right_logical3A_206 : vector<4x2048xi32>
    %or3A_208 = arith.ori %shift_left3A_204, %shift_right_logical3A_207 : vector<4x2048xi32>
    %xor3A_209 = arith.xori %or3A_208, %add3A_201 : vector<4x2048xi32>
    %add3A_210 = arith.addi %add3A_201, %xor3A_209 : vector<4x2048xi32>
    %shift_left3A_211 = arith.constant 26 : i32
    %shift_left3A_212 = vector.broadcast %shift_left3A_211 : i32 to vector<4x2048xi32>
    %shift_left3A_213 = arith.shli %xor3A_209, %shift_left3A_212 : vector<4x2048xi32>
    %shift_right_logical3A_214 = arith.constant 6 : i32
    %shift_right_logical3A_215 = vector.broadcast %shift_right_logical3A_214 : i32 to vector<4x2048xi32>
    %shift_right_logical3A_216 = arith.shrui %xor3A_209, %shift_right_logical3A_215 : vector<4x2048xi32>
    %or3A_217 = arith.ori %shift_left3A_213, %shift_right_logical3A_216 : vector<4x2048xi32>
    %xor3A_218 = arith.xori %or3A_217, %add3A_210 : vector<4x2048xi32>
    %add3A_219 = arith.addi %add3A_210, %xor3A_218 : vector<4x2048xi32>
    %shift_left3A_220 = arith.constant 6 : i32
    %shift_left3A_221 = vector.broadcast %shift_left3A_220 : i32 to vector<4x2048xi32>
    %shift_left3A_222 = arith.shli %xor3A_218, %shift_left3A_221 : vector<4x2048xi32>
    %shift_right_logical3A_223 = arith.constant 26 : i32
    %shift_right_logical3A_224 = vector.broadcast %shift_right_logical3A_223 : i32 to vector<4x2048xi32>
    %shift_right_logical3A_225 = arith.shrui %xor3A_218, %shift_right_logical3A_224 : vector<4x2048xi32>
    %or3A_226 = arith.ori %shift_left3A_222, %shift_right_logical3A_225 : vector<4x2048xi32>
    %xor3A_227 = arith.xori %or3A_226, %add3A_219 : vector<4x2048xi32>
    %add3A_228 = arith.constant 466689008 : i32
    %add3A_229 = vector.broadcast %add3A_228 : i32 to vector<4x2048xi32>
    %add3A_230 = arith.addi %add3A_219, %add3A_229 : vector<4x2048xi32>
    %add3A_231 = arith.constant 0 : i32
    %add3A_232 = vector.broadcast %add3A_231 : i32 to vector<4x2048xi32>
    %add3A_233 = arith.addi %xor3A_227, %add3A_232 : vector<4x2048xi32>
    %add3A_234 = arith.constant 5 : i32
    %add3A_235 = vector.broadcast %add3A_234 : i32 to vector<4x2048xi32>
    %add3A_236 = arith.addi %add3A_233, %add3A_235 : vector<4x2048xi32>
    %xor3A_237 = arith.xori %add3A_230, %add3A_236 : vector<4x2048xi32>
    %shift_right_logical3A_238 = arith.constant 9 : i32
    %shift_right_logical3A_239 = vector.broadcast %shift_right_logical3A_238 : i32 to vector<4x2048xi32>
    %shift_right_logical3A_240 = arith.shrui %xor3A_237, %shift_right_logical3A_239 : vector<4x2048xi32>
    %or3A_241 = arith.constant 1065353216 : i32
    %or3A_242 = vector.broadcast %or3A_241 : i32 to vector<4x2048xi32>
    %or3A_243 = arith.ori %shift_right_logical3A_240, %or3A_242 : vector<4x2048xi32>
    %bitcast_convert_type3A = tpu.bitcast %or3A_243 : vector<4x2048xi32> -> vector<4x2048xf32>
    %sub3A = arith.constant 1.000000e+00 : f32
    %sub3A_244 = vector.broadcast %sub3A : f32 to vector<4x2048xf32>
    %sub3A_245 = arith.subf %bitcast_convert_type3A, %sub3A_244 : vector<4x2048xf32>
    %add3A_246 = arith.constant 9.99999968E-21 : f32
    %add3A_247 = vector.broadcast %add3A_246 : f32 to vector<4x2048xf32>
    %add3A_248 = arith.addf %sub3A_245, %add3A_247 : vector<4x2048xf32>
    %log3A = math.log %add3A_248 : vector<4x2048xf32>
    %neg3A = arith.constant 0.000000e+00 : f32
    %neg3A_249 = vector.broadcast %neg3A : f32 to vector<4x2048xf32>
    %neg3A_250 = arith.subf %neg3A_249, %log3A : vector<4x2048xf32>
    %add3A_251 = arith.constant 9.99999968E-21 : f32
    %add3A_252 = vector.broadcast %add3A_251 : f32 to vector<4x2048xf32>
    %add3A_253 = arith.addf %neg3A_250, %add3A_252 : vector<4x2048xf32>
    %log3A_254 = math.log %add3A_253 : vector<4x2048xf32>
    %neg3A_255 = arith.constant 0.000000e+00 : f32
    %neg3A_256 = vector.broadcast %neg3A_255 : f32 to vector<4x2048xf32>
    %neg3A_257 = arith.subf %neg3A_256, %log3A_254 : vector<4x2048xf32>
    %get3A_258 = arith.constant 0 : index
    %get3A_259 = arith.constant 0 : index
    %get3A_260 = arith.constant 0 : index
    %get3A_261 = vector.load %arg1[%get3A_258, %get3A_259, %get3A_260] : memref<4x2048x128xf32, #tpu.memory_space<vmem>>, vector<1x2048x128xf32>
    %get3A_262 = vector.shape_cast %get3A_261 : vector<1x2048x128xf32> to vector<2048x128xf32>
    %dot_general3A = arith.constant dense<0.000000e+00> : vector<1x2048xf32>
    %dot_general3A_263 = tpu.matmul %get3A_1, %get3A_262, %dot_general3A {dimension_numbers = #tpu.dot_dimension_numbers<[1], [1], [0], [0], [0, 0, 1, 0], [], []>, transpose_lhs_hint = false} : vector<1x128xf32>, vector<2048x128xf32>, vector<1x2048xf32> -> vector<1x2048xf32>
    %get3A_264 = arith.constant 0 : index
    %get3A_265 = arith.constant 0 : index
    %get3A_266 = vector.load %arg3[%get3A_264, %get3A_265] : memref<1x1xf32, #tpu.memory_space<vmem>>, vector<1x1xf32>
    %get3A_267 = vector.extract %get3A_266[0, 0] : f32 from vector<1x1xf32>
    %add3A_268 = vector.broadcast %get3A_267 : f32 to vector<1x2048xf32>
    %add3A_269 = arith.addf %dot_general3A_263, %add3A_268 : vector<1x2048xf32>
    %reshape3A = vector.shape_cast %add3A_269 : vector<1x2048xf32> to vector<2048xf32>
    %swap3A = arith.constant 0 : index
    %swap3A_270 = vector.load %arg4[%swap3A] : memref<2048xf32, #tpu.memory_space<vmem>>, vector<2048xf32>
    tpu.vector_store %arg4[%swap3A], %reshape3A {strides = array<i32>} : memref<2048xf32, #tpu.memory_space<vmem>>, vector<2048xf32>,
    %slice3A = vector.extract_strided_slice %neg3A_257 {offsets = [0, 0], sizes = [1, 2048], strides = [1, 1]} : vector<4x2048xf32> to vector<1x2048xf32>
    %add3A_271 = arith.addf %add3A_269, %slice3A : vector<1x2048xf32>
    %reshape3A_272 = vector.shape_cast %add3A_271 : vector<1x2048xf32> to vector<2048xf32>
    %swap3A_273 = arith.constant 0 : index
    %swap3A_274 = vector.load %arg8[%swap3A_273] : memref<2048xf32, #tpu.memory_space<vmem>>, vector<2048xf32>
    tpu.vector_store %arg8[%swap3A_273], %reshape3A_272 {strides = array<i32>} : memref<2048xf32, #tpu.memory_space<vmem>>, vector<2048xf32>,
    %get3A_275 = arith.constant 1 : index
    %get3A_276 = arith.constant 0 : index
    %get3A_277 = arith.constant 0 : index
    %get3A_278 = vector.load %arg1[%get3A_275, %get3A_276, %get3A_277] : memref<4x2048x128xf32, #tpu.memory_space<vmem>>, vector<1x2048x128xf32>
    %get3A_279 = vector.shape_cast %get3A_278 : vector<1x2048x128xf32> to vector<2048x128xf32>
    %dot_general3A_280 = arith.constant dense<0.000000e+00> : vector<1x2048xf32>
    %dot_general3A_281 = tpu.matmul %get3A_1, %get3A_279, %dot_general3A_280 {dimension_numbers = #tpu.dot_dimension_numbers<[1], [1], [0], [0], [0, 0, 1, 0], [], []>, transpose_lhs_hint = false} : vector<1x128xf32>, vector<2048x128xf32>, vector<1x2048xf32> -> vector<1x2048xf32>
    %get3A_282 = arith.constant 0 : index
    %get3A_283 = arith.constant 0 : index
    %get3A_284 = vector.load %arg3[%get3A_282, %get3A_283] : memref<1x1xf32, #tpu.memory_space<vmem>>, vector<1x1xf32>
    %get3A_285 = vector.extract %get3A_284[0, 0] : f32 from vector<1x1xf32>
    %add3A_286 = vector.broadcast %get3A_285 : f32 to vector<1x2048xf32>
    %add3A_287 = arith.addf %dot_general3A_281, %add3A_286 : vector<1x2048xf32>
    %reshape3A_288 = vector.shape_cast %add3A_287 : vector<1x2048xf32> to vector<2048xf32>
    %swap3A_289 = arith.constant 0 : index
    %swap3A_290 = vector.load %arg5[%swap3A_289] : memref<2048xf32, #tpu.memory_space<vmem>>, vector<2048xf32>
    tpu.vector_store %arg5[%swap3A_289], %reshape3A_288 {strides = array<i32>} : memref<2048xf32, #tpu.memory_space<vmem>>, vector<2048xf32>,
    %slice3A_291 = vector.extract_strided_slice %neg3A_257 {offsets = [1, 0], sizes = [1, 2048], strides = [1, 1]} : vector<4x2048xf32> to vector<1x2048xf32>
    %add3A_292 = arith.addf %add3A_287, %slice3A_291 : vector<1x2048xf32>
    %reshape3A_293 = vector.shape_cast %add3A_292 : vector<1x2048xf32> to vector<2048xf32>
    %swap3A_294 = arith.constant 0 : index
    %swap3A_295 = vector.load %arg9[%swap3A_294] : memref<2048xf32, #tpu.memory_space<vmem>>, vector<2048xf32>
    tpu.vector_store %arg9[%swap3A_294], %reshape3A_293 {strides = array<i32>} : memref<2048xf32, #tpu.memory_space<vmem>>, vector<2048xf32>,
    %get3A_296 = arith.constant 2 : index
    %get3A_297 = arith.constant 0 : index
    %get3A_298 = arith.constant 0 : index
    %get3A_299 = vector.load %arg1[%get3A_296, %get3A_297, %get3A_298] : memref<4x2048x128xf32, #tpu.memory_space<vmem>>, vector<1x2048x128xf32>
    %get3A_300 = vector.shape_cast %get3A_299 : vector<1x2048x128xf32> to vector<2048x128xf32>
    %dot_general3A_301 = arith.constant dense<0.000000e+00> : vector<1x2048xf32>
    %dot_general3A_302 = tpu.matmul %get3A_1, %get3A_300, %dot_general3A_301 {dimension_numbers = #tpu.dot_dimension_numbers<[1], [1], [0], [0], [0, 0, 1, 0], [], []>, transpose_lhs_hint = false} : vector<1x128xf32>, vector<2048x128xf32>, vector<1x2048xf32> -> vector<1x2048xf32>
    %get3A_303 = arith.constant 0 : index
    %get3A_304 = arith.constant 0 : index
    %get3A_305 = vector.load %arg3[%get3A_303, %get3A_304] : memref<1x1xf32, #tpu.memory_space<vmem>>, vector<1x1xf32>
    %get3A_306 = vector.extract %get3A_305[0, 0] : f32 from vector<1x1xf32>
    %add3A_307 = vector.broadcast %get3A_306 : f32 to vector<1x2048xf32>
    %add3A_308 = arith.addf %dot_general3A_302, %add3A_307 : vector<1x2048xf32>
    %reshape3A_309 = vector.shape_cast %add3A_308 : vector<1x2048xf32> to vector<2048xf32>
    %swap3A_310 = arith.constant 0 : index
    %swap3A_311 = vector.load %arg6[%swap3A_310] : memref<2048xf32, #tpu.memory_space<vmem>>, vector<2048xf32>
    tpu.vector_store %arg6[%swap3A_310], %reshape3A_309 {strides = array<i32>} : memref<2048xf32, #tpu.memory_space<vmem>>, vector<2048xf32>,
    %slice3A_312 = vector.extract_strided_slice %neg3A_257 {offsets = [2, 0], sizes = [1, 2048], strides = [1, 1]} : vector<4x2048xf32> to vector<1x2048xf32>
    %add3A_313 = arith.addf %add3A_308, %slice3A_312 : vector<1x2048xf32>
    %reshape3A_314 = vector.shape_cast %add3A_313 : vector<1x2048xf32> to vector<2048xf32>
    %swap3A_315 = arith.constant 0 : index
    %swap3A_316 = vector.load %arg10[%swap3A_315] : memref<2048xf32, #tpu.memory_space<vmem>>, vector<2048xf32>
    tpu.vector_store %arg10[%swap3A_315], %reshape3A_314 {strides = array<i32>} : memref<2048xf32, #tpu.memory_space<vmem>>, vector<2048xf32>,
    %get3A_317 = arith.constant 3 : index
    %get3A_318 = arith.constant 0 : index
    %get3A_319 = arith.constant 0 : index
    %get3A_320 = vector.load %arg1[%get3A_317, %get3A_318, %get3A_319] : memref<4x2048x128xf32, #tpu.memory_space<vmem>>, vector<1x2048x128xf32>
    %get3A_321 = vector.shape_cast %get3A_320 : vector<1x2048x128xf32> to vector<2048x128xf32>
    %dot_general3A_322 = arith.constant dense<0.000000e+00> : vector<1x2048xf32>
    %dot_general3A_323 = tpu.matmul %get3A_1, %get3A_321, %dot_general3A_322 {dimension_numbers = #tpu.dot_dimension_numbers<[1], [1], [0], [0], [0, 0, 1, 0], [], []>, transpose_lhs_hint = false} : vector<1x128xf32>, vector<2048x128xf32>, vector<1x2048xf32> -> vector<1x2048xf32>
    %get3A_324 = arith.constant 0 : index
    %get3A_325 = arith.constant 0 : index
    %get3A_326 = vector.load %arg3[%get3A_324, %get3A_325] : memref<1x1xf32, #tpu.memory_space<vmem>>, vector<1x1xf32>
    %get3A_327 = vector.extract %get3A_326[0, 0] : f32 from vector<1x1xf32>
    %add3A_328 = vector.broadcast %get3A_327 : f32 to vector<1x2048xf32>
    %add3A_329 = arith.addf %dot_general3A_323, %add3A_328 : vector<1x2048xf32>
    %reshape3A_330 = vector.shape_cast %add3A_329 : vector<1x2048xf32> to vector<2048xf32>
    %swap3A_331 = arith.constant 0 : index
    %swap3A_332 = vector.load %arg7[%swap3A_331] : memref<2048xf32, #tpu.memory_space<vmem>>, vector<2048xf32>
    tpu.vector_store %arg7[%swap3A_331], %reshape3A_330 {strides = array<i32>} : memref<2048xf32, #tpu.memory_space<vmem>>, vector<2048xf32>,
    %slice3A_333 = vector.extract_strided_slice %neg3A_257 {offsets = [3, 0], sizes = [1, 2048], strides = [1, 1]} : vector<4x2048xf32> to vector<1x2048xf32>
    %add3A_334 = arith.addf %add3A_329, %slice3A_333 : vector<1x2048xf32>
    %reshape3A_335 = vector.shape_cast %add3A_334 : vector<1x2048xf32> to vector<2048xf32>
    %swap3A_336 = arith.constant 0 : index
    %swap3A_337 = vector.load %arg11[%swap3A_336] : memref<2048xf32, #tpu.memory_space<vmem>>, vector<2048xf32>
    tpu.vector_store %arg11[%swap3A_336], %reshape3A_335 {strides = array<i32>} : memref<2048xf32, #tpu.memory_space<vmem>>, vector<2048xf32>,
    return
  }
  func.func @transform_0(%arg0: i32) -> (i32, i32, i32) {
    %add3A = arith.constant 0 : i32
    %add3A_0 = arith.addi %add3A, %arg0 : i32
    %min3A = arith.constant 48 : i32
    %min3A_1 = arith.minsi %add3A_0, %min3A : i32
    %c0_i32 = arith.constant 0 : i32
    %c0_i32_2 = arith.constant 0 : i32
    %c0_i32_3 = arith.constant 0 : i32
    return %c0_i32, %min3A_1, %c0_i32_2 : i32, i32, i32
  }
  func.func @transform_1(%arg0: i32) -> (i32, i32) {
    %c0_i32 = arith.constant 0 : i32
    %c0_i32_0 = arith.constant 0 : i32
    %c0_i32_1 = arith.constant 0 : i32
    return %c0_i32, %c0_i32_0 : i32, i32
  }
  func.func @transform_2(%arg0: i32) -> (i32, i32) {
    %c0_i32 = arith.constant 0 : i32
    %c0_i32_0 = arith.constant 0 : i32
    %c0_i32_1 = arith.constant 0 : i32
    return %c0_i32, %c0_i32_0 : i32, i32
  }
  func.func @transform_3(%arg0: i32) -> i32 {
    %c0_i32 = arith.constant 0 : i32
    return %arg0 : i32
  }
  func.func @transform_4(%arg0: i32) -> i32 {
    %c0_i32 = arith.constant 0 : i32
    return %arg0 : i32
  }
  func.func @transform_5(%arg0: i32) -> i32 {
    %c0_i32 = arith.constant 0 : i32
    return %arg0 : i32
  }
  func.func @transform_6(%arg0: i32) -> i32 {
    %c0_i32 = arith.constant 0 : i32
    return %arg0 : i32
  }
  func.func @transform_7(%arg0: i32) -> i32 {
    %c0_i32 = arith.constant 0 : i32
    return %arg0 : i32
  }
  func.func @transform_8(%arg0: i32) -> i32 {
    %c0_i32 = arith.constant 0 : i32
    return %arg0 : i32
  }
  func.func @transform_9(%arg0: i32) -> i32 {
    %c0_i32 = arith.constant 0 : i32
    return %arg0 : i32
  }
  func.func @transform_10(%arg0: i32) -> i32 {
    %c0_i32 = arith.constant 0 : i32
    return %arg0 : i32
  }
}

</mosaic_0001>

<sc_bundles>
// kernel: kernel.5.cloned.1.call-start
scs
__scs_entry_jumppad:
0x0: {  	(pc) =	sbr.rel $0x88, $3  }
0x1: {  	(tag) =	ssettag $0x0;
	lr =	simm.s32 $0x1  }
0x2: {  	[smem:$0x3F9D] =	sst lr;
	_ =	strace $0xD0000000  }
0x3: {  	_ = 	snop  }
0x4: {  	_ = 	snop  }
0x5: {  	_ = 	snop  }
0x6: {  	_ = 	snop  }
0x7: {  	_ = 	snop  }
__scs_overlays_trampoline_lowered:
0x8: {  	[smem:$0x3FAC] =	sst s0  }
0x9: {  	[smem:$0x3FAD] =	sst s1  }
0xa: {  	[smem:$0x3FAE] =	sst s2  }
0xb: {  	[smem:$0x3FAF] =	sst s3  }
0xc: {  	[smem:$0x3FB0] =	sst s4  }
0xd: {  	[smem:$0x3FB1] =	sst s5  }
0xe: {  	[smem:$0x3FB2] =	sst s6  }
0xf: {  	[smem:$0x3FB3] =	sst s7  }
0x10: {  	[smem:$0x3FB4] =	sst s8  }
0x11: {  	[smem:$0x3FB5] =	sst s9;
	s0 =	simm.s32 @!p0 $0x0  }
0x12: {  	s1 =	sld [smem:$0x3F9B];
	s0 =	simm.s32 @p0 $0x1  }
0x13: {  	[smem:$0x3FB6] =	sst s0;
	s0 =	simm.s32 @!p1 $0x0  }
0x14: {  	s2 =	sld [smem:$0x3F9A];
	s0 =	simm.s32 @p1 $0x1  }
0x15: {  	[smem:$0x3FB7] =	sst s0;
	s0 =	simm.s32 @!p2 $0x0  }
0x16: {  	s3 =	sld [smem:$0x3FDB];
	s0 =	simm.s32 @p2 $0x1  }
0x17: {  	s4 =	simm.s32 $0x1BF5;
	[smem:$0x3FB9] =	sst s0  }
0x18: {  	s0 =	sld [smem:$0x3F9C];
	_ =	swait.ge [sflag:s4], $0x0  }
0x19: {  	s7 =	sld [smem:$0x3F9D]  }
0x1a: {  	s8 =	sadd.s32 $0xFFFFE003, lr  }
0x1b: {  	s9 =	sadd.s32 $0xFFFFFEF7, lr;
	s5 =	simm.s32 $0xFFFFFFFF;
	p2 =	slt.u32 s8, $0xFFFFF086  }
0x1c: {  	p1 =	slt.u32 s9, $0xF7A;
	s5 =	simm.s32 @!p2 $0x0  }
0x1d: {  	s5 =	simm.s32 @p1 $0x1;
	p0 =	seq.s32 s7, s2  }
0x1e: {  	s7 =	smul.u32 @!p0 $0xF7A, s2;
	p2 =	seq.s32 @!p0 s5, $0x0  }
0x1f: {  	s9 =	smul.u32 $0xF7A, s1;
	s8 =	simm.s32 @!p0 $0x1BF5;
	p2 =	por !p2, p0  }
0x20: {  	[sflag:s8] =	ssyncset.s32 @!p0 $0xFFFFF086;
	s6 =	sadd.s32 @!p0 s3, s7;
	s7 =	simm.s32 @!p0 $0x108  }
0x21: {  	s3 =	sadd.s32 s3, s9;
	s6 =	sadd.s32 @!p0 $0x88, s6;
	s7 =	simm.s32 @p2 $0x1082  }
0x22: {  	[simem:s7], [sflag:s8] =	dma.local @!p0 [hbm:s6], $0xF7A  }
0x23: {  	s9 =	sor.u32 $0xD0000000, s2;
	s6 =	simm.s32 $0x108;
	_ =	swait.ge @!p0 [sflag:s8], $0x0  }
0x24: {  	s3 =	sadd.s32 $0x88, s3;
	s6 =	simm.s32 @!p1 $0x1082;
	[sflag:s4] =	ssyncset.s32 $0xFFFFF086  }
0x25: {  	[simem:s6], [sflag:s4] =	dma.local [hbm:s3], $0xF7A  }
0x26: {  	[smem:$0x3F9D] =	sst s1;
	(tag) =	ssettag s2;
	_ =	strace s9  }
0x27: {  	s1 =	sld [smem:$0x3FAD]  }
0x28: {  	s2 =	sld [smem:$0x3FAE]  }
0x29: {  	s4 =	sld [smem:$0x3FB0]  }
0x2a: {  	p0 =	seq.s32 s5, $0x0;
	s5 =	sld [smem:$0x3FB1]  }
0x2b: {  	s6 =	sld [smem:$0x3FB2]  }
0x2c: {  	s7 =	sld [smem:$0x3FB3]  }
0x2d: {  	s3 =	simm.s32 $0x108;
	s8 =	sld [smem:$0x3FB4]  }
0x2e: {  	s3 =	simm.s32 @!p0 $0x1082;
	s9 =	sld [smem:$0x3FB5]  }
0x2f: {  	lr =	sadd.s32 s0, s3;
	s0 =	sld [smem:$0x3FAC]  }
0x30: {  	s3 =	sld [smem:$0x3FAF]  }
0x31: {  	[smem:$0x3FB8] =	sst s10  }
0x32: {  	s10 =	sld [smem:$0x3FB6];
	_ =	sdelay $0x3  }
0x33: {  	p0 =	seq.s32 s10, $0x1;
	s10 =	sld [smem:$0x3FB8];
	_ =	sdelay $0x3  }
0x34: {  	[smem:$0x3FB8] =	sst s10  }
0x35: {  	s10 =	sld [smem:$0x3FB7];
	_ =	sdelay $0x3  }
0x36: {  	p1 =	seq.s32 s10, $0x1;
	s10 =	sld [smem:$0x3FB8];
	_ =	sdelay $0x3  }
0x37: {  	[smem:$0x3FB8] =	sst s10  }
0x38: {  	s10 =	sld [smem:$0x3FB9]  }
0x39: {  	_ = 	snop;
	(pc) =	sbr.ind lr, $3  }
0x3a: {  	_ = 	snop  }
0x3b: {  	_ = 	snop  }
0x3c: {  	p2 =	seq.s32 s10, $0x1;
	s10 =	sld [smem:$0x3FB8]  }
0x3d: {  	_ =	shalt  }
0x3e: {  	_ =	shalt  }
0x3f: {  	_ =	shalt  }
0x40: {  	_ =	shalt  }
0x41: {  	_ =	shalt  }
0x42: {  	_ =	shalt  }
0x43: {  	_ =	shalt  }
0x44: {  	_ =	shalt  }
0x45: {  	_ =	shalt  }
0x46: {  	_ =	shalt  }
0x47: {  	_ =	shalt  }
0x48: {  	_ =	shalt  }
0x49: {  	_ =	shalt  }
0x4a: {  	_ =	shalt  }
0x4b: {  	_ =	shalt  }
0x4c: {  	_ =	shalt  }
0x4d: {  	_ =	shalt  }
0x4e: {  	_ =	shalt  }
0x4f: {  	_ =	shalt  }
0x50: {  	_ =	shalt  }
0x51: {  	_ =	shalt  }
0x52: {  	_ =	shalt  }
0x53: {  	_ =	shalt  }
0x54: {  	_ =	shalt  }
0x55: {  	_ =	shalt  }
0x56: {  	_ =	shalt  }
0x57: {  	_ =	shalt  }
0x58: {  	_ =	shalt  }
0x59: {  	_ =	shalt  }
0x5a: {  	_ =	shalt  }
0x5b: {  	_ =	shalt  }
0x5c: {  	_ =	shalt  }
0x5d: {  	_ =	shalt  }
0x5e: {  	_ =	shalt  }
0x5f: {  	_ =	shalt  }
0x60: {  	_ =	shalt  }
0x61: {  	_ =	shalt  }
0x62: {  	_ =	shalt  }
0x63: {  	_ =	shalt  }
0x64: {  	_ =	shalt  }
0x65: {  	_ =	shalt  }
0x66: {  	_ =	shalt  }
0x67: {  	_ =	shalt  }
0x68: {  	_ =	shalt  }
0x69: {  	_ =	shalt  }
0x6a: {  	_ =	shalt  }
0x6b: {  	_ =	shalt  }
0x6c: {  	_ =	shalt  }
0x6d: {  	_ =	shalt  }
0x6e: {  	_ =	shalt  }
0x6f: {  	_ =	shalt  }
0x70: {  	_ =	shalt  }
0x71: {  	_ =	shalt  }
0x72: {  	_ =	shalt  }
0x73: {  	_ =	shalt  }
0x74: {  	_ =	shalt  }
0x75: {  	_ =	shalt  }
0x76: {  	_ =	shalt  }
0x77: {  	_ =	shalt  }
0x78: {  	_ =	shalt  }
0x79: {  	_ =	shalt  }
0x7a: {  	_ =	shalt  }
0x7b: {  	_ =	shalt  }
0x7c: {  	_ =	shalt  }
0x7d: {  	_ =	shalt  }
0x7e: {  	_ =	shalt  }
0x7f: {  	_ =	shalt  }
0x80: {  	_ =	shalt  }
0x81: {  	_ =	shalt  }
0x82: {  	_ =	shalt  }
0x83: {  	_ =	shalt  }
0x84: {  	_ =	shalt  }
0x85: {  	_ =	shalt  }
0x86: {  	_ =	shalt  }
0x87: {  	_ =	shalt  }
.Lfunc_end0:
.L_simem_size_0:
called_computation_lowered:
.L_overlay_start_0:
0x88: {  	s2 =	sld [smem:$0x3FD9]  }
0x89: {  	s3 =	sld [smem:$0x3FFE];
	_ =	sdelay $0x1  }
0x8a: {  	s1 =	srdreg.scid  }
0x8b: {  	s0 =	sand.u32 $0x1, s1  }
0x8c: {  	s16 =	sshll.u32 s0, $0xA;
	s2 =	sadd.s32 s3, s2  }
0x8d: {  	s2 =	sadd.s32 s2, s16  }
0x8e: {  	[smem:$0x3FC4] =	sst s2  }
0x8f: {  	_ = 	snop  }
0x90: {  	(tm) =	ssettm $0x1  }
0x91: {  	s17 =	sld [smem:$0x3FFB];
	_ =	sdelay $0x3  }
0x92: {  	_ =	strace s17  }
0x93: {  	s2 =	sld [smem:$0x3FFC];
	_ =	sdelay $0x3  }
0x94: {  	_ =	strace s2  }
0x95: {  	s2 =	sld [smem:$0x3FFD];
	_ =	sdelay $0x3  }
0x96: {  	_ =	strace s2  }
0x97: {  	_ =	strace $0x8FFFFFFF  }
0x98: {  	s18 =	sld [smem:$0x3FDB];
	_ =	sdelay $0x1  }
0x99: {  	s19 =	simm.s32 $_scs_section_size  }
0x9a: {  	s4 =	simm.s32 $_size__tile_overlayer_lowered;
	s5 =	simm.s32 $_tile_overlayer_lowered  }
0x9b: {  	s22 =	simm.s32 $0x1BFF;
	s21 =	sshll.u32 s5, $0x1;
	s2 =	sadd.s32 s19, s18  }
0x9c: {  	s6 =	simm.s32 $0x0;
	s20 =	sshll.u32 s4, $0x1;
	s4 =	sadd.s32 s21, s2  }
0x9d: {  	[timem:s6], [sflag:s22] =	dma.local [hbm:s4], s20  }
0x9e: {  	_ =	swait.ge [sflag:s22], s20  }
0x9f: {  	s3 =	ssub.s32 $0x0, s20;
	[sflag:s22] =	ssyncset.done $0x0  }
0xa0: {  	[sflag:s22] =	ssyncadd.s32 s3;
	_ =	sdelay $0x1  }
0xa1: {  	s23 =	simm.s32 $0x1B8B  }
0xa2: {  	_ =	swait.ge [sflag:s23], $0x1  }
0xa3: {  	[sflag:s23] =	ssyncset.done $0x0  }
0xa4: {  	s25 =	simm.s32 $0x1B8E;
	s24 =	sld [smem:$0x3FFE];
	[sflag:s23] =	ssyncadd.s32 $0xFFFFFFFF  }
0xa5: {  	s26 =	simm.s32 $execute0_lowered;
	[smem:$0x3FD2] =	sst s25  }
0xa6: {  	s4 =	sshll.u32 s26, $0x1;
	_ =	strace $0x80000046;
	[dreg:$0x1] =	wrdreg $0xFFFFFFFF  }
0xa7: {  	s28 =	simm.s32 $_size_execute0_lowered;
	s2 =	sadd.s32 s2, s4;
	[dreg:$0x0] =	wrdreg $0x0  }
0xa8: {  	s4 =	sshll.u32 s28, $0x1;
	[dreg:$0x2] =	wrdreg s2  }
0xa9: {  	[dreg:$0x3] =	wrdreg s4  }
0xaa: {  	[dreg:$0x4] =	wrdreg $0xC0  }
0xab: {  	_ =	task [dreg:s6], $0x5FFFF  }
0xac: {  	[dreg:$0x1] =	wrdreg $0xFFFFFFFF  }
0xad: {  	[dreg:$0x0] =	wrdreg $0x60  }
0xae: {  	[dreg:$0x2] =	wrdreg s24  }
0xaf: {  	[dreg:$0x3] =	wrdreg $0x9  }
0xb0: {  	_ =	task.clear_ibuf [dreg:s6], $0x4FFFF;
	_ =	strace $0x90000046  }
0xb1: {  	s29 =	simm.s32 $0x9;
	_ =	strace $0x80000048  }
0xb2: {  	_ =	swait.ge [sflag:s29], $0x1  }
0xb3: {  	[sflag:s29] =	ssyncadd.s32 $0xFFFFFFFF  }
0xb4: {  	_ =	strace $0x90000048  }
0xb5: {  	_ =	sfence  }
0xb6: {  	s30 =	sld [smem:$0x0];
	_ =	sdelay $0x2  }
0xb7: {  	s31 =	sshll.u32 s1, $0xD;
	s1 =	sshrl.u32 s1, $0x2  }
0xb8: {  	s3 =	sand.u32 $0x4000, s31;
	s1 =	sadd.s32 s1, s30  }
0xb9: {  	s0 =	sor.u32 s3, s0;
	s1 =	sshll.u32 s1, $0x11  }
0xba: {  	s0 =	sor.u32 s1, s0  }
0xbb: {  	s0 =	sadd.s32 $0x8F2B, s0  }
0xbc: {  	[sflag:s0] =	ssyncadd.remote.s32 $0x1  }
0xbd: {  	_ =	sfence.sel $0xFFFF  }
0xbe: {  	[dreg:$0x0] =	wrdreg $0xFFFFFFFF;
	(pc) =	sbr.abs _section_cstart, $3  }
0xbf: {  	[dreg:$0x1] =	wrdreg $0xFFFFFFFF  }
0xc0: {  	_ =	task.clear_ibuf [dreg:s6], $0x2FFFF;
	_ =	strace $0x9FFFFFFF  }
0xc1: {  	(tm) =	ssettm $0x7FFFFFFF  }
tec
execute0_lowered:
.L_overlay_start_1:
0x0: {  	(tag) =	ssettag $0x1  }
0x1: {  	s0 =	srdreg.scid;
	s11 =	stileid.u32  }
0x2: {  	s3 =	rddreg [dreg:$0x0];
	s0 =	sand.u32 $0x1, s0;
	s1 =	sshll.u32 s11, $0x1  }
0x3: {  	s4 =	sshrl.u32 s11, $0x2;
	s5 =	sadd.s32 $0x1E800, s3;
	s13 =	smul.u32 $0x1900, s11  }
0x4: {  	s6 =	sadd.s32 $0x2F800, s3;
	s1 =	sor.u32 s0, s1;
	s4 =	smul.u32 $0x8800, s4  }
0x5: {  	s7 =	sadd.s32 $0x40800, s3;
	s2 =	smul.u32 $0xC80, s1;
	s1 =	sshll.u32 s1, $0x7  }
0x6: {  	s9 =	ssub.s32 $0x2, s0;
	s0 =	smul.u32 $0xC80, s0;
	s1 =	sand.u32 $0x380, s1  }
0x7: {  	s8 =	sadd.s32 $0x51800, s3;
	s14 =	sshrl.u32 s9, $0x1;
	s1 =	sor.u32 s4, s1  }
0x8: {  	s0 =	sadd.s32 s0, s13;
	s2 =	sshrl.u32 s2, $0x3;
	s10 =	sshrl.u32 s1, $0x3  }
0x9: {  	s4 =	ssub.s32 s9, s14;
	[dreg:$0x16] =	wrdreg s0;
	s15 =	sadd.s32 s5, s10  }
0xa: {  	s2 =	sadd.s32 s2, s3;
	s12 =	sadd.s32 s6, s10;
	[dreg:$0x2] =	wrdreg s15  }
0xb: {  	s3 =	sadd.s32 $0x62800, s3;
	s17 =	sadd.s32 s7, s10;
	[dreg:$0x3] =	wrdreg s12  }
0xc: {  	s16 =	sadd.s32 $0x22000, s1;
	s18 =	sadd.s32 s8, s10;
	[dreg:$0x4] =	wrdreg s17  }
0xd: {  	s9 =	sshrl.u32 s16, $0x3;
	s10 =	sadd.s32 s3, s10;
	[dreg:$0x5] =	wrdreg s18  }
0xe: {  	[dreg:$0x6] =	wrdreg s10;
	s19 =	sadd.s32 s5, s9  }
0xf: {  	s20 =	sadd.s32 s6, s9;
	[dreg:$0x7] =	wrdreg s19  }
0x10: {  	s21 =	sadd.s32 s7, s9;
	[dreg:$0x8] =	wrdreg s20  }
0x11: {  	s22 =	sadd.s32 $0x44000, s1;
	s23 =	sadd.s32 s8, s9;
	[dreg:$0x9] =	wrdreg s21  }
0x12: {  	s24 =	sshrl.u32 s22, $0x3;
	s9 =	sadd.s32 s3, s9;
	[dreg:$0xa] =	wrdreg s23  }
0x13: {  	s10 =	sadd.s32 s5, s24;
	[dreg:$0xb] =	wrdreg s9  }
0x14: {  	s25 =	sadd.s32 s6, s24;
	[dreg:$0xc] =	wrdreg s10  }
0x15: {  	s1 =	sadd.s32 $0x66000, s1;
	s26 =	sadd.s32 s7, s24;
	[dreg:$0xd] =	wrdreg s25  }
0x16: {  	s1 =	sshrl.u32 s1, $0x3;
	s12 =	sadd.s32 s8, s24;
	[dreg:$0xe] =	wrdreg s26  }
0x17: {  	s5 =	sadd.s32 s5, s1;
	[dreg:$0xf] =	wrdreg s12  }
0x18: {  	s6 =	sadd.s32 s6, s1;
	[dreg:$0x11] =	wrdreg s5  }
0x19: {  	s28 =	simm.s32 $0x1B380;
	s14 =	sadd.s32 s7, s1;
	[dreg:$0x12] =	wrdreg s6  }
0x1a: {  	s29 =	simm.s32 $0xE780;
	s15 =	sadd.s32 s8, s1;
	[dreg:$0x13] =	wrdreg s14  }
0x1b: {  	s30 =	simm.s32 $0x12B80;
	s1 =	sadd.s32 s3, s1;
	[dreg:$0x14] =	wrdreg s15  }
0x1c: {  	s31 =	simm.s32 $0x80;
	s9 =	sadd.s32 s3, s24;
	[dreg:$0x15] =	wrdreg s1  }
0x1d: {  	s11 =	simm.s32 $0x13C80;
	s21 =	simm.s32 $0x0;
	[dreg:$0x10] =	wrdreg s9  }
0x1e: {  	s13 =	simm.s32 $0xB480;
	s16 =	sadd.s32 $0x2600, s2;
	[smem:$0x7FF] =	sst s21  }
0x1f: {  	s17 =	sadd.s32 $0x5800, s2;
	_ =	strace $0x80000047;
	[dreg:$0x17] =	wrdreg s16  }
0x20: {  	s0 =	simm.s32 $0x6;
	s18 =	sadd.s32 $0x12000, s2;
	[dreg:$0x18] =	wrdreg s17  }
0x21: {  	s22 =	sadd.s32 $0xBC00, s2;
	s19 =	sadd.s32 $0x8A00, s2;
	[dreg:$0x19] =	wrdreg s18  }
0x22: {  	s7 =	simm.s32 $0x7080;
	s20 =	sadd.s32 $0x15200, s2;
	[dreg:$0x1a] =	wrdreg s19  }
0x23: {  	s8 =	simm.s32 $0x8180;
	s23 =	sadd.s32 $0x18400, s2;
	[dreg:$0x1b] =	wrdreg s20  }
0x24: {  	s24 =	sadd.s32 $0xEE00, s2;
	s25 =	sadd.s32 $0x1B600, s2;
	[dreg:$0x1c] =	wrdreg s22  }
0x25: {  	s26 =	smax.u32 s4, $0x1;
	s6 =	simm.s32 $0x4;
	[dreg:$0x1d] =	wrdreg s23  }
0x26: {  	s10 =	simm.s32 $0xA380;
	s12 =	simm.s32 $0x18080;
	[dreg:$0x1e] =	wrdreg s24  }
0x27: {  	s14 =	simm.s32 $0xF880;
	s15 =	simm.s32 $0x14D80;
	[dreg:$0x1f] =	wrdreg s25  }
0x28: {  	s1 =	simm.s32 $0x0;
	s9 =	simm.s32 $0x9280;
	[smem:$0x7FD] =	sst s26  }
0x29: {  	v0 =	vimm.f32 $-3.000000010e+38;
	s17 =	simm.s32 $0x19180;
	s18 =	simm.s32 $0xC580;
	s19 =	simm.s32 $0x10980  }
0x2a: {  	v1 =	vlaneseq.u32;
	v2 =	vimm.s32 $0x7FFFFFFF;
	s20 =	simm.s32 $0x15E80;
	s22 =	simm.s32 $0x1A280;
	s24 =	simm.s32 $0xD680  }
0x2b: {  	v3 =	vimm.f32 $0.0e+00;
	v4 =	vmul.u32 $0x110, v1;
	s25 =	simm.s32 $0x11A80;
	s26 =	simm.s32 $0x16F80;
	s16 =	simm.s32 $0x400  }
.LBB2_1:
0x2c: {  	s2 =	rddreg [dreg:$0x17]  }
0x2d: {  	[tilespmem:s21], [sflag:$0x5] =	stream.linear.gather [hbm4b:s2+s21], $0xC80, $0x38;
	[tilespmem:$0x1C480] =	vst v63  }
0x2e: {  	s4 =	rddreg [dreg:$0x18];
	s3 =	simm.s32 $0xC80  }
0x2f: {  	[tilespmem:s3], [sflag:$0x1] =	stream.linear.gather [hbm4b:s4+s21], $0xC80, $0x38;
	[tilespmem:$0x1C480] =	vst v63  }
0x30: {  	s5 =	rddreg [dreg:$0x19];
	s23 =	simm.s32 $0x3E80  }
0x31: {  	[tilespmem:s23], [sflag:$0x1] =	stream.linear.gather [hbm4b:s5+s21], $0xC80, $0x38;
	[tilespmem:$0x1C480] =	vst v63  }
0x32: {  	s3 =	rddreg [dreg:$0x1a];
	s4 =	simm.s32 $0x1900  }
0x33: {  	[tilespmem:s4], [sflag:$0x2] =	stream.linear.gather [hbm4b:s3+s21], $0xC80, $0x38;
	[tilespmem:$0x1C480] =	vst v63  }
0x34: {  	s5 =	rddreg [dreg:$0x1b];
	s23 =	simm.s32 $0x4B00  }
0x35: {  	[tilespmem:s23], [sflag:$0x2] =	stream.linear.gather [hbm4b:s5+s21], $0xC80, $0x38;
	[tilespmem:$0x1C480] =	vst v63  }
0x36: {  	s3 =	rddreg [dreg:$0x1c];
	s4 =	simm.s32 $0x2580  }
0x37: {  	[tilespmem:s4], [sflag:$0x3] =	stream.linear.gather [hbm4b:s3+s21], $0xC80, $0x38;
	[tilespmem:$0x1C480] =	vst v63  }
0x38: {  	s5 =	rddreg [dreg:$0x1d];
	s23 =	simm.s32 $0x5780  }
0x39: {  	[tilespmem:s23], [sflag:$0x3] =	stream.linear.gather [hbm4b:s5+s21], $0xC80, $0x38;
	[tilespmem:$0x1C480] =	vst v63  }
0x3a: {  	s2 =	simm.s32 $0x0;
	s3 =	rddreg [dreg:$0x1e];
	s4 =	simm.s32 $0x3200  }
0x3b: {  	[tilespmem:s4], [sflag:$0x4] =	stream.linear.gather [hbm4b:s3+s21], $0xC80, $0x38;
	[tilespmem:$0x1C480] =	vst v63  }
0x3c: {  	s5 =	rddreg [dreg:$0x1f];
	s23 =	simm.s32 $0x6400;
	s3 =	simm.s32 $0x40  }
0x3d: {  	[tilespmem:s23], [sflag:$0x4] =	stream.linear.gather [hbm4b:s5+s21], $0xC80, $0x38;
	[tilespmem:$0x1C480] =	vst v63  }
.LBB2_2:
0x3e: {  	p0 =	sne.s32 s3, $0x43C0;
	[tilespmem:s2+$0x1B380] =	vst v3  }
0x3f: {  	[tilespmem:s2+$0x7080] =	vst v0  }
0x40: {  	[tilespmem:s2+$0xB480] =	vst v2  }
0x41: {  	[tilespmem:s2+$0xF880] =	vst v3  }
0x42: {  	[tilespmem:s2+$0x13C80] =	vst v3  }
0x43: {  	[tilespmem:s2+$0x18080] =	vst v3  }
0x44: {  	[tilespmem:s2+$0x8180] =	vst v0  }
0x45: {  	[tilespmem:s2+$0xC580] =	vst v2  }
0x46: {  	[tilespmem:s2+$0x10980] =	vst v3  }
0x47: {  	[tilespmem:s2+$0x14D80] =	vst v3  }
0x48: {  	[tilespmem:s2+$0x19180] =	vst v3  }
0x49: {  	[tilespmem:s2+$0x9280] =	vst v0  }
0x4a: {  	[tilespmem:s2+$0xD680] =	vst v2  }
0x4b: {  	[tilespmem:s2+$0x11A80] =	vst v3  }
0x4c: {  	[tilespmem:s2+$0x15E80] =	vst v3  }
.Ltmp0:
0x4d: {  	[tilespmem:s2+$0x1A280] =	vst v3;
	(pc) =	sbr.rel @p0 .LBB2_2-.Ltmp0, $4  }
0x4e: {  	[tilespmem:s2+$0xA380] =	vst v0  }
0x4f: {  	[tilespmem:s2+$0xE780] =	vst v2  }
0x50: {  	[tilespmem:s2+$0x12B80] =	vst v3  }
0x51: {  	[tilespmem:s2+$0x16F80] =	vst v3;
	s2 =	sshra.s32 s3, $0x2;
	s3 =	sadd.s32 $0x40, s3  }
0x52: {  	[tilespmem:s2+$0x1B380] =	vst v3  }
0x53: {  	[tilespmem:s2+$0x7080] =	vst v0  }
0x54: {  	[tilespmem:s2+$0xB480] =	vst v2  }
0x55: {  	[tilespmem:s2+$0xF880] =	vst v3  }
0x56: {  	[tilespmem:s2+$0x13C80] =	vst v3  }
0x57: {  	[tilespmem:s2+$0x18080] =	vst v3  }
0x58: {  	[tilespmem:s2+$0x8180] =	vst v0  }
0x59: {  	[tilespmem:s2+$0xC580] =	vst v2  }
0x5a: {  	[tilespmem:s2+$0x10980] =	vst v3  }
0x5b: {  	[tilespmem:s2+$0x14D80] =	vst v3  }
0x5c: {  	[tilespmem:s2+$0x19180] =	vst v3  }
0x5d: {  	[tilespmem:s2+$0x9280] =	vst v0  }
0x5e: {  	[tilespmem:s2+$0xD680] =	vst v2  }
0x5f: {  	[tilespmem:s2+$0x11A80] =	vst v3  }
0x60: {  	[tilespmem:s2+$0x15E80] =	vst v3  }
0x61: {  	[tilespmem:s2+$0x1A280] =	vst v3  }
0x62: {  	[tilespmem:s2+$0xA380] =	vst v0  }
0x63: {  	[tilespmem:s2+$0xE780] =	vst v2  }
0x64: {  	[tilespmem:s2+$0x12B80] =	vst v3  }
0x65: {  	[tilespmem:s2+$0x16F80] =	vst v3;
	s23 =	simm.s32 $0x5  }
0x66: {  	_ =	swait.ge [sflag:s23], $0xC80  }
0x67: {  	[sflag:s23] =	ssyncset.done $0x0  }
0x68: {  	s3 =	simm.s32 $0x1;
	[sflag:s23] =	ssyncadd.s32 $0xFFFFF380  }
0x69: {  	_ =	swait.ge [sflag:s3], $0xC80  }
0x6a: {  	[sflag:s3] =	ssyncset.done $0x0  }
0x6b: {  	[sflag:s3] =	ssyncadd.s32 $0xFFFFF380  }
0x6c: {  	_ =	swait.ge [sflag:s3], $0xC80  }
0x6d: {  	[sflag:s3] =	ssyncset.done $0x0  }
0x6e: {  	s4 =	simm.s32 $0x2;
	[sflag:s3] =	ssyncadd.s32 $0xFFFFF380  }
0x6f: {  	_ =	swait.ge [sflag:s4], $0xC80  }
0x70: {  	[sflag:s4] =	ssyncset.done $0x0  }
0x71: {  	[sflag:s4] =	ssyncadd.s32 $0xFFFFF380  }
0x72: {  	_ =	swait.ge [sflag:s4], $0xC80  }
0x73: {  	[sflag:s4] =	ssyncset.done $0x0  }
0x74: {  	s5 =	simm.s32 $0x3;
	[sflag:s4] =	ssyncadd.s32 $0xFFFFF380  }
0x75: {  	_ =	swait.ge [sflag:s5], $0xC80  }
0x76: {  	[sflag:s5] =	ssyncset.done $0x0  }
0x77: {  	[sflag:s5] =	ssyncadd.s32 $0xFFFFF380  }
0x78: {  	_ =	swait.ge [sflag:s5], $0xC80  }
0x79: {  	[sflag:s5] =	ssyncset.done $0x0  }
0x7a: {  	[sflag:s5] =	ssyncadd.s32 $0xFFFFF380  }
0x7b: {  	_ =	swait.ge [sflag:s6], $0xC80  }
0x7c: {  	[sflag:s6] =	ssyncset.done $0x0  }
0x7d: {  	[sflag:s6] =	ssyncadd.s32 $0xFFFFF380  }
0x7e: {  	_ =	swait.ge [sflag:s6], $0xC80  }
0x7f: {  	[sflag:s6] =	ssyncset.done $0x0  }
0x80: {  	s23 =	simm.s32 $0x0;
	[sflag:s6] =	ssyncadd.s32 $0xFFFFF380  }
0x81: {  	v5 =	vld [tilespmem:s23+$0x0]  }
0x82: {  	v7 =	vld [tilespmem:s23+$0xC80];
	_ =	sdelay $0x3  }
0x83: {  	v5 =	vadd.s32 v4, v5  }
0x84: {  	v8 =	vld [tilespmem:s23+$0x1900];
	v6 =	vmul.f32 $1.442695020e+00, v7;
	_ =	sdelay $0x1  }
0x85: {  	(erf) = vpow2.f32 v6  }
0x86: {  	v9 =	vld [tilespmem:s23+$0x3E80]  }
0x87: {  	v6 =	vld.idx.msk [tilespmem:v5+s7+$0x0], $0xffff  }
0x88: {  	v10 =	vld [tilespmem:s23+$0x2580];
	v11 =	vmul.f32 $1.442695020e+00, v8  }
0x89: {  	v12 =	vld [tilespmem:s23+$0x6400]  }
0x8a: {  	v13 =	vld [tilespmem:s23+$0x5780];
	(erf) = vpow2.f32 v11  }
0x8b: {  	v14 =	vld [tilespmem:s23+$0x4B00]  }
0x8c: {  	v60 =	vld.idx.msk [tilespmem:v5+s8+$0x0], $0xffff;
	vm0 =	vgt.f32 v9, v6  }
0x8d: {  	v15 =	vmul.f32 $1.442695020e+00, v10;
	v6 =	vld [tilespmem:s23+$0x3200]  }
0x8e: {  	v16 =	vld.idx.msk [tilespmem:v5+s10+$0x0], $0xffff;
	v17 =	vpop (erf)  }
0x8f: {  	v18 =	vld.idx.msk [tilespmem:v5+s9+$0x0], $0xffff;
	(erf) = vpow2.f32 v15;
	v19 =	vmul.f32 v17, v7  }
0x90: {  	[tilespmem:v5+s11+$0x0] =	vst.idx.add.f32.msk $0xffff, v17  }
0x91: {  	vm1 =	vgt.f32 v14, v60;
	s23 =	rddreg [dreg:$0x16];
	[tilespmem:v5+s12+$0x0] =	vst.idx.add.f32.msk $0xffff, v19  }
0x92: {  	v61 =	vor.u32 s23, v1;
	v62 =	vmul.f32 $1.442695020e+00, v6;
	[tilespmem:v5+s7+$0x0] =	vst.idx.msk vm0, v9  }
0x93: {  	v63 =	vpop (erf);
	[tilespmem:v5+s13+$0x0] =	vst.idx.msk vm0, v61  }
0x94: {  	(erf) = vpow2.f32 v62;
	[tilespmem:v5+s14+$0x0] =	vst.idx.msk vm0, v7;
	v7 =	vmul.f32 v63, v8  }
0x95: {  	[tilespmem:v5+s15+$0x0] =	vst.idx.add.f32.msk $0xffff, v63  }
0x96: {  	vm2 =	vgt.f32 v13, v18;
	[tilespmem:v5+s17+$0x0] =	vst.idx.add.f32.msk $0xffff, v7  }
0x97: {  	[tilespmem:v5+s8+$0x0] =	vst.idx.msk vm1, v14  }
0x98: {  	[tilespmem:v5+s18+$0x0] =	vst.idx.msk vm1, v61;
	v7 =	vpop (erf)  }
0x99: {  	[tilespmem:v5+s19+$0x0] =	vst.idx.msk vm1, v8;
	v8 =	vmul.f32 v7, v10  }
0x9a: {  	[tilespmem:v5+s20+$0x0] =	vst.idx.add.f32.msk $0xffff, v7  }
0x9b: {  	vm0 =	vgt.f32 v12, v16;
	[tilespmem:v5+s22+$0x0] =	vst.idx.add.f32.msk $0xffff, v8  }
0x9c: {  	[tilespmem:v5+s9+$0x0] =	vst.idx.msk vm2, v13  }
0x9d: {  	v7 =	vpop (erf);
	[tilespmem:v5+s24+$0x0] =	vst.idx.msk vm2, v61  }
0x9e: {  	v8 =	vmul.f32 v7, v6;
	[tilespmem:v5+s25+$0x0] =	vst.idx.msk vm2, v10  }
0x9f: {  	[tilespmem:v5+s26+$0x0] =	vst.idx.add.f32.msk $0xffff, v7  }
0xa0: {  	[tilespmem:v5+s28+$0x0] =	vst.idx.add.f32.msk $0xffff, v8  }
0xa1: {  	[tilespmem:v5+s10+$0x0] =	vst.idx.msk vm0, v12  }
0xa2: {  	s2 =	simm.s32 $0x40;
	s3 =	simm.s32 $0x80;
	[tilespmem:v5+s29+$0x0] =	vst.idx.msk vm0, v61  }
.LBB2_4:
0xa3: {  	s5 =	sshra.s32 s2, $0x2  }
0xa4: {  	[tilespmem:v5+s30+$0x0] =	vst.idx.msk vm0, v6;
	s23 =	sadd.s32 $0x10, s23;
	s2 =	smov.u32 s3;
	s4 =	sadd.s32 $0x40, s3  }
0xa5: {  	p0 =	sne.s32 s3, $0x31C0;
	v5 =	vld [tilespmem:s5+$0x0];
	_ =	sdelay $0x1  }
0xa6: {  	v7 =	vld [tilespmem:s5+$0xC80];
	_ =	sdelay $0x2  }
0xa7: {  	v5 =	vadd.s32 v4, v5;
	_ =	sdelay $0x1  }
0xa8: {  	v8 =	vld [tilespmem:s5+$0x1900];
	v6 =	vmul.f32 $1.442695020e+00, v7;
	_ =	sdelay $0x1  }
0xa9: {  	(erf) = vpow2.f32 v6  }
0xaa: {  	v6 =	vld.idx.msk [tilespmem:v5+s7+$0x0], $0xffff  }
0xab: {  	v9 =	vld [tilespmem:s5+$0x3E80]  }
0xac: {  	v10 =	vld [tilespmem:s5+$0x2580];
	v11 =	vmul.f32 $1.442695020e+00, v8  }
0xad: {  	v12 =	vld [tilespmem:s5+$0x6400]  }
0xae: {  	v13 =	vld [tilespmem:s5+$0x5780];
	(erf) = vpow2.f32 v11  }
0xaf: {  	v11 =	vld.idx.msk [tilespmem:v5+s8+$0x0], $0xffff  }
0xb0: {  	v14 =	vld [tilespmem:s5+$0x4B00];
	vm0 =	vgt.f32 v9, v6  }
0xb1: {  	v6 =	vld [tilespmem:s5+$0x3200];
	v15 =	vmul.f32 $1.442695020e+00, v10  }
0xb2: {  	v16 =	vld.idx.msk [tilespmem:v5+s10+$0x0], $0xffff;
	v17 =	vpop (erf)  }
0xb3: {  	v18 =	vld.idx.msk [tilespmem:v5+s9+$0x0], $0xffff;
	v19 =	vmul.f32 v17, v7;
	(erf) = vpow2.f32 v15  }
0xb4: {  	[tilespmem:v5+s11+$0x0] =	vst.idx.add.f32.msk $0xffff, v17  }
0xb5: {  	[tilespmem:v5+s12+$0x0] =	vst.idx.add.f32.msk $0xffff, v19;
	vm1 =	vgt.f32 v14, v11  }
0xb6: {  	v11 =	vor.u32 s23, v1;
	v15 =	vmul.f32 $1.442695020e+00, v6;
	[tilespmem:v5+s7+$0x0] =	vst.idx.msk vm0, v9  }
0xb7: {  	[tilespmem:v5+s13+$0x0] =	vst.idx.msk vm0, v11;
	v9 =	vpop (erf)  }
0xb8: {  	[tilespmem:v5+s14+$0x0] =	vst.idx.msk vm0, v7;
	v7 =	vmul.f32 v9, v8;
	(erf) = vpow2.f32 v15  }
0xb9: {  	[tilespmem:v5+s15+$0x0] =	vst.idx.add.f32.msk $0xffff, v9  }
0xba: {  	vm2 =	vgt.f32 v13, v18;
	[tilespmem:v5+s17+$0x0] =	vst.idx.add.f32.msk $0xffff, v7  }
0xbb: {  	[tilespmem:v5+s8+$0x0] =	vst.idx.msk vm1, v14  }
0xbc: {  	[tilespmem:v5+s18+$0x0] =	vst.idx.msk vm1, v11;
	v7 =	vpop (erf)  }
0xbd: {  	[tilespmem:v5+s19+$0x0] =	vst.idx.msk vm1, v8;
	v8 =	vmul.f32 v7, v10  }
0xbe: {  	[tilespmem:v5+s20+$0x0] =	vst.idx.add.f32.msk $0xffff, v7  }
0xbf: {  	vm0 =	vgt.f32 v12, v16;
	[tilespmem:v5+s22+$0x0] =	vst.idx.add.f32.msk $0xffff, v8  }
0xc0: {  	[tilespmem:v5+s9+$0x0] =	vst.idx.msk vm2, v13  }
0xc1: {  	[tilespmem:v5+s24+$0x0] =	vst.idx.msk vm2, v11;
	v7 =	vpop (erf)  }
.Ltmp1:
0xc2: {  	[tilespmem:v5+s25+$0x0] =	vst.idx.msk vm2, v10;
	v8 =	vmul.f32 v7, v6;
	(pc) =	sbr.rel @p0 .LBB2_4-.Ltmp1, $4  }
0xc3: {  	[tilespmem:v5+s26+$0x0] =	vst.idx.add.f32.msk $0xffff, v7  }
0xc4: {  	[tilespmem:v5+s28+$0x0] =	vst.idx.add.f32.msk $0xffff, v8  }
0xc5: {  	[tilespmem:v5+s10+$0x0] =	vst.idx.msk vm0, v12  }
0xc6: {  	s3 =	smov.u32 s4;
	[tilespmem:v5+s29+$0x0] =	vst.idx.msk vm0, v11  }
0xc7: {  	_ =	sdelay $0x4  }
0xc8: {  	s2 =	sshra.s32 s2, $0x2;
	[tilespmem:v5+s30+$0x0] =	vst.idx.msk vm0, v6  }
0xc9: {  	v5 =	vld [tilespmem:s2+$0x0]  }
0xca: {  	v6 =	vld [tilespmem:s2+$0xC80];
	_ =	sdelay $0x3  }
0xcb: {  	v5 =	vadd.s32 v4, v5  }
0xcc: {  	v7 =	vld [tilespmem:s2+$0x1900];
	v8 =	vmul.f32 $1.442695020e+00, v6;
	_ =	sdelay $0x1  }
0xcd: {  	(erf) = vpow2.f32 v8  }
0xce: {  	v9 =	vld [tilespmem:s2+$0x3E80]  }
0xcf: {  	v58 =	vld.idx.msk [tilespmem:v5+s7+$0x0], $0xffff  }
0xd0: {  	v10 =	vld [tilespmem:s2+$0x2580];
	v11 =	vmul.f32 $1.442695020e+00, v7  }
0xd1: {  	v12 =	vld [tilespmem:s2+$0x6400]  }
0xd2: {  	v13 =	vld [tilespmem:s2+$0x5780];
	(erf) = vpow2.f32 v11  }
0xd3: {  	v14 =	vld [tilespmem:s2+$0x4B00]  }
0xd4: {  	v59 =	vld.idx.msk [tilespmem:v5+s8+$0x0], $0xffff;
	vm13 =	vgt.f32 v9, v58  }
0xd5: {  	v60 =	vld [tilespmem:s2+$0x3200];
	v15 =	vmul.f32 $1.442695020e+00, v10  }
0xd6: {  	v16 =	vld.idx.msk [tilespmem:v5+s10+$0x0], $0xffff;
	v17 =	vpop (erf)  }
0xd7: {  	v18 =	vld.idx.msk [tilespmem:v5+s9+$0x0], $0xffff;
	(erf) = vpow2.f32 v15;
	v19 =	vmul.f32 v17, v6  }
0xd8: {  	[tilespmem:v5+s11+$0x0] =	vst.idx.add.f32.msk $0xffff, v17  }
0xd9: {  	s5 =	sadd.s32 $0x10, s23;
	vm1 =	vgt.f32 v14, v59;
	[tilespmem:v5+s12+$0x0] =	vst.idx.add.f32.msk $0xffff, v19  }
0xda: {  	v61 =	vor.u32 s5, v1;
	v62 =	vmul.f32 $1.442695020e+00, v60;
	[tilespmem:v5+s7+$0x0] =	vst.idx.msk vm13, v9  }
0xdb: {  	v63 =	vpop (erf);
	[tilespmem:v5+s13+$0x0] =	vst.idx.msk vm13, v61  }
0xdc: {  	(erf) = vpow2.f32 v62;
	[tilespmem:v5+s14+$0x0] =	vst.idx.msk vm13, v6;
	v6 =	vmul.f32 v63, v7  }
0xdd: {  	[tilespmem:v5+s15+$0x0] =	vst.idx.add.f32.msk $0xffff, v63  }
0xde: {  	vm14 =	vgt.f32 v13, v18;
	[tilespmem:v5+s17+$0x0] =	vst.idx.add.f32.msk $0xffff, v6  }
0xdf: {  	[tilespmem:v5+s8+$0x0] =	vst.idx.msk vm1, v14  }
0xe0: {  	[tilespmem:v5+s18+$0x0] =	vst.idx.msk vm1, v61;
	v6 =	vpop (erf)  }
0xe1: {  	[tilespmem:v5+s19+$0x0] =	vst.idx.msk vm1, v7;
	v7 =	vmul.f32 v6, v10  }
0xe2: {  	[tilespmem:v5+s20+$0x0] =	vst.idx.add.f32.msk $0xffff, v6  }
0xe3: {  	vm15 =	vgt.f32 v12, v16;
	[tilespmem:v5+s22+$0x0] =	vst.idx.add.f32.msk $0xffff, v7  }
0xe4: {  	[tilespmem:v5+s9+$0x0] =	vst.idx.msk vm14, v13  }
0xe5: {  	v6 =	vpop (erf);
	[tilespmem:v5+s24+$0x0] =	vst.idx.msk vm14, v61  }
0xe6: {  	v7 =	vmul.f32 v6, v60;
	[tilespmem:v5+s25+$0x0] =	vst.idx.msk vm14, v10  }
0xe7: {  	[tilespmem:v5+s26+$0x0] =	vst.idx.add.f32.msk $0xffff, v6  }
0xe8: {  	[tilespmem:v5+s28+$0x0] =	vst.idx.add.f32.msk $0xffff, v7  }
0xe9: {  	[tilespmem:v5+s10+$0x0] =	vst.idx.msk vm15, v12  }
0xea: {  	[tilespmem:v5+s29+$0x0] =	vst.idx.msk vm15, v61  }
0xeb: {  	s23 =	rddreg [dreg:$0x2];
	[tilespmem:v5+s30+$0x0] =	vst.idx.msk vm15, v60  }
0xec: {  	[hbm4b:s23+s31] =	stream.strided.scatter [tilespmem:s7], [sflag:$0x6], $0x1100, s16, s31, $0x38;
	[tilespmem:$0x1C480] =	vst v63  }
0xed: {  	s3 =	rddreg [dreg:$0x3]  }
0xee: {  	[hbm4b:s3+s31] =	stream.strided.scatter [tilespmem:s13], [sflag:$0x6], $0x1100, s16, s31, $0x38;
	[tilespmem:$0x1C480] =	vst v63  }
0xef: {  	s4 =	rddreg [dreg:$0x4]  }
0xf0: {  	[hbm4b:s4+s31] =	stream.strided.scatter [tilespmem:s14], [sflag:$0x6], $0x1100, s16, s31, $0x38;
	[tilespmem:$0x1C480] =	vst v63  }
0xf1: {  	s5 =	rddreg [dreg:$0x5]  }
0xf2: {  	[hbm4b:s5+s31] =	stream.strided.scatter [tilespmem:s11], [sflag:$0x6], $0x1100, s16, s31, $0x38;
	[tilespmem:$0x1C480] =	vst v63  }
0xf3: {  	s23 =	rddreg [dreg:$0x6]  }
0xf4: {  	[hbm4b:s23+s31] =	stream.strided.scatter [tilespmem:s12], [sflag:$0x6], $0x1100, s16, s31, $0x38;
	[tilespmem:$0x1C480] =	vst v63  }
0xf5: {  	s3 =	rddreg [dreg:$0x7]  }
0xf6: {  	[hbm4b:s3+s31] =	stream.strided.scatter [tilespmem:s8], [sflag:$0x6], $0x1100, s16, s31, $0x38;
	[tilespmem:$0x1C480] =	vst v63  }
0xf7: {  	s4 =	rddreg [dreg:$0x8]  }
0xf8: {  	[hbm4b:s4+s31] =	stream.strided.scatter [tilespmem:s18], [sflag:$0x6], $0x1100, s16, s31, $0x38;
	[tilespmem:$0x1C480] =	vst v63  }
0xf9: {  	s5 =	rddreg [dreg:$0x9]  }
0xfa: {  	[hbm4b:s5+s31] =	stream.strided.scatter [tilespmem:s19], [sflag:$0x6], $0x1100, s16, s31, $0x38;
	[tilespmem:$0x1C480] =	vst v63  }
0xfb: {  	s23 =	rddreg [dreg:$0xa]  }
0xfc: {  	[hbm4b:s23+s31] =	stream.strided.scatter [tilespmem:s15], [sflag:$0x6], $0x1100, s16, s31, $0x38;
	[tilespmem:$0x1C480] =	vst v63  }
0xfd: {  	s3 =	rddreg [dreg:$0xb]  }
0xfe: {  	[hbm4b:s3+s31] =	stream.strided.scatter [tilespmem:s17], [sflag:$0x6], $0x1100, s16, s31, $0x38;
	[tilespmem:$0x1C480] =	vst v63  }
0xff: {  	s4 =	rddreg [dreg:$0xc]  }
0x100: {  	[hbm4b:s4+s31] =	stream.strided.scatter [tilespmem:s9], [sflag:$0x6], $0x1100, s16, s31, $0x38;
	[tilespmem:$0x1C480] =	vst v63  }
0x101: {  	s5 =	rddreg [dreg:$0xd]  }
0x102: {  	[hbm4b:s5+s31] =	stream.strided.scatter [tilespmem:s24], [sflag:$0x6], $0x1100, s16, s31, $0x38;
	[tilespmem:$0x1C480] =	vst v63  }
0x103: {  	s23 =	rddreg [dreg:$0xe]  }
0x104: {  	[hbm4b:s23+s31] =	stream.strided.scatter [tilespmem:s25], [sflag:$0x6], $0x1100, s16, s31, $0x38;
	[tilespmem:$0x1C480] =	vst v63  }
0x105: {  	s3 =	rddreg [dreg:$0xf]  }
0x106: {  	[hbm4b:s3+s31] =	stream.strided.scatter [tilespmem:s20], [sflag:$0x6], $0x1100, s16, s31, $0x38;
	[tilespmem:$0x1C480] =	vst v63  }
0x107: {  	s4 =	rddreg [dreg:$0x10]  }
0x108: {  	[hbm4b:s4+s31] =	stream.strided.scatter [tilespmem:s22], [sflag:$0x6], $0x1100, s16, s31, $0x38;
	[tilespmem:$0x1C480] =	vst v63  }
0x109: {  	s5 =	rddreg [dreg:$0x11]  }
0x10a: {  	[hbm4b:s5+s31] =	stream.strided.scatter [tilespmem:s10], [sflag:$0x6], $0x1100, s16, s31, $0x38;
	[tilespmem:$0x1C480] =	vst v63  }
0x10b: {  	s23 =	rddreg [dreg:$0x12]  }
0x10c: {  	[hbm4b:s23+s31] =	stream.strided.scatter [tilespmem:s29], [sflag:$0x6], $0x1100, s16, s31, $0x38;
	[tilespmem:$0x1C480] =	vst v63  }
0x10d: {  	s3 =	rddreg [dreg:$0x13]  }
0x10e: {  	[hbm4b:s3+s31] =	stream.strided.scatter [tilespmem:s30], [sflag:$0x6], $0x1100, s16, s31, $0x38;
	[tilespmem:$0x1C480] =	vst v63  }
0x10f: {  	s4 =	rddreg [dreg:$0x14]  }
0x110: {  	[hbm4b:s4+s31] =	stream.strided.scatter [tilespmem:s26], [sflag:$0x6], $0x1100, s16, s31, $0x38;
	[tilespmem:$0x1C480] =	vst v63  }
0x111: {  	s5 =	rddreg [dreg:$0x15]  }
0x112: {  	[hbm4b:s5+s31] =	stream.strided.scatter [tilespmem:s28], [sflag:$0x6], $0x1100, s16, s31, $0x38;
	[tilespmem:$0x1C480] =	vst v63  }
0x113: {  	_ =	swait.ge [sflag:s0], $0x1100  }
0x114: {  	[sflag:s0] =	ssyncset.done $0x0  }
0x115: {  	[sflag:s0] =	ssyncadd.s32 $0xFFFFEF00  }
0x116: {  	_ =	swait.ge [sflag:s0], $0x1100  }
0x117: {  	[sflag:s0] =	ssyncset.done $0x0  }
0x118: {  	[sflag:s0] =	ssyncadd.s32 $0xFFFFEF00  }
0x119: {  	_ =	swait.ge [sflag:s0], $0x1100  }
0x11a: {  	[sflag:s0] =	ssyncset.done $0x0  }
0x11b: {  	[sflag:s0] =	ssyncadd.s32 $0xFFFFEF00  }
0x11c: {  	_ =	swait.ge [sflag:s0], $0x1100  }
0x11d: {  	[sflag:s0] =	ssyncset.done $0x0  }
0x11e: {  	[sflag:s0] =	ssyncadd.s32 $0xFFFFEF00  }
0x11f: {  	_ =	swait.ge [sflag:s0], $0x1100  }
0x120: {  	[sflag:s0] =	ssyncset.done $0x0  }
0x121: {  	[sflag:s0] =	ssyncadd.s32 $0xFFFFEF00  }
0x122: {  	_ =	swait.ge [sflag:s0], $0x1100  }
0x123: {  	[sflag:s0] =	ssyncset.done $0x0  }
0x124: {  	[sflag:s0] =	ssyncadd.s32 $0xFFFFEF00  }
0x125: {  	_ =	swait.ge [sflag:s0], $0x1100  }
0x126: {  	[sflag:s0] =	ssyncset.done $0x0  }
0x127: {  	[sflag:s0] =	ssyncadd.s32 $0xFFFFEF00  }
0x128: {  	_ =	swait.ge [sflag:s0], $0x1100  }
0x129: {  	[sflag:s0] =	ssyncset.done $0x0  }
0x12a: {  	[sflag:s0] =	ssyncadd.s32 $0xFFFFEF00  }
0x12b: {  	_ =	swait.ge [sflag:s0], $0x1100  }
0x12c: {  	[sflag:s0] =	ssyncset.done $0x0  }
0x12d: {  	[sflag:s0] =	ssyncadd.s32 $0xFFFFEF00  }
0x12e: {  	_ =	swait.ge [sflag:s0], $0x1100  }
0x12f: {  	[sflag:s0] =	ssyncset.done $0x0  }
0x130: {  	[sflag:s0] =	ssyncadd.s32 $0xFFFFEF00  }
0x131: {  	_ =	swait.ge [sflag:s0], $0x1100  }
0x132: {  	[sflag:s0] =	ssyncset.done $0x0  }
0x133: {  	[sflag:s0] =	ssyncadd.s32 $0xFFFFEF00  }
0x134: {  	_ =	swait.ge [sflag:s0], $0x1100  }
0x135: {  	[sflag:s0] =	ssyncset.done $0x0  }
0x136: {  	[sflag:s0] =	ssyncadd.s32 $0xFFFFEF00  }
0x137: {  	_ =	swait.ge [sflag:s0], $0x1100  }
0x138: {  	[sflag:s0] =	ssyncset.done $0x0  }
0x139: {  	[sflag:s0] =	ssyncadd.s32 $0xFFFFEF00  }
0x13a: {  	_ =	swait.ge [sflag:s0], $0x1100  }
0x13b: {  	[sflag:s0] =	ssyncset.done $0x0  }
0x13c: {  	[sflag:s0] =	ssyncadd.s32 $0xFFFFEF00  }
0x13d: {  	_ =	swait.ge [sflag:s0], $0x1100  }
0x13e: {  	[sflag:s0] =	ssyncset.done $0x0  }
0x13f: {  	[sflag:s0] =	ssyncadd.s32 $0xFFFFEF00  }
0x140: {  	_ =	swait.ge [sflag:s0], $0x1100  }
0x141: {  	[sflag:s0] =	ssyncset.done $0x0  }
0x142: {  	[sflag:s0] =	ssyncadd.s32 $0xFFFFEF00  }
0x143: {  	_ =	swait.ge [sflag:s0], $0x1100  }
0x144: {  	[sflag:s0] =	ssyncset.done $0x0  }
0x145: {  	[sflag:s0] =	ssyncadd.s32 $0xFFFFEF00  }
0x146: {  	_ =	swait.ge [sflag:s0], $0x1100  }
0x147: {  	[sflag:s0] =	ssyncset.done $0x0  }
0x148: {  	[sflag:s0] =	ssyncadd.s32 $0xFFFFEF00  }
0x149: {  	_ =	swait.ge [sflag:s0], $0x1100  }
0x14a: {  	[sflag:s0] =	ssyncset.done $0x0  }
0x14b: {  	[sflag:s0] =	ssyncadd.s32 $0xFFFFEF00  }
0x14c: {  	_ =	swait.ge [sflag:s0], $0x1100  }
0x14d: {  	s23 =	sld [smem:$0x7FD];
	_ =	sdelay $0x1  }
0x14e: {  	s1 =	sadd.s32 $0x1, s1  }
0x14f: {  	p0 =	sne.s32 s1, s23  }
.Ltmp2:
0x150: {  	_ = 	snop;
	(pc) =	sbr.rel @p0 .LBB2_1-.Ltmp2, $3  }
0x151: {  	_ =	sdelay $0x1  }
0x152: {  	[sflag:s0] =	ssyncset.done $0x0  }
0x153: {  	[sflag:s0] =	ssyncadd.s32 $0xFFFFEF00  }
0x154: {  	_ =	sfence.sel $0x180000  }
0x155: {  	[bflag:$0x0] =	sbarrier.arrive $0xFFFF  }
0x156: {  	_ =	strace $0x90000047  }
0x157: {  	s0 =	stileid.u32;
	[bflag:$0x2] =	sbarrier.arrive $0xFFFF  }
0x158: {  	p0 =	sne.s32 s0, $0x0;
	s0 =	rddreg [dreg:$0x1]  }
0x159: {  	s0 =	sadd.s32 @!p0 $0x100000, s0  }
0x15a: {  	[sflag:s0] =	ssyncadd.tile.s32 @!p0 $0x1;
	_ =	shalt  }
.Lfunc_end2:
_tile_overlayer_lowered:
.L_overlay_start_2:
0x15b: {  	(tag) =	ssettag $0x2  }
0x15c: {  	s0 =	rddreg [dreg:$0x0];
	s2 =	stileid.u32  }
0x15d: {  	s1 =	rddreg [dreg:$0x1];
	p0 =	sne.s32 s2, $0x0  }
0x15e: {  	s3 =	rddreg [dreg:$0x2];
	[bflag:$0x3] =	sbarrier.arrive $0xFFFF;
	s2 =	simm.s32 @!p0 $0x1C07  }
0x15f: {  	[timem:s3], [sflag:s2] =	dma.local @!p0 [hbm:s0], s1  }
0x160: {  	s0 =	simm.s32 @!p0 $0x7  }
0x161: {  	_ =	swait.ge @!p0 [sflag:s0], s1  }
0x162: {  	s1 =	ssub.s32 @!p0 $0x0, s1;
	[sflag:s0] =	ssyncset.done @!p0 $0x0  }
0x163: {  	[sflag:s0] =	ssyncadd.s32 @!p0 s1  }
0x164: {  	[bflag:$0x3] =	sbarrier.arrive $0xFFFF  }
0x165: {  	_ =	shalt  }

</sc_bundles>
